<compile_context>
chip_gen: v7x
topology: tpu7x:2x2x1
jax: 0.10.2.dev20260603
libtpu: 0.0.44.dev20260713+nightly
codegen_flags: <defaults>
</compile_context>

<pallas_src>
import functools

import jax
import jax.numpy as jnp
from jax import lax
from jax.experimental import pallas as pl
from jax.experimental.pallas import tpu as pltpu
from jax.experimental.pallas import tpu_sc as plsc

N = 10000
E = 320000
D_IN = 128
D_H = 128
D_OUT = 64

NC = 2
NS = 16
K = 125
NBLK_DEG = E // NS // K
NBLK_AGG = E // NC // NS // K

_f32 = jnp.float32



def _make_deg_kernel():
    mesh = plsc.VectorSubcoreMesh(
        core_axis_name="c", subcore_axis_name="s", num_cores=NC, num_subcores=NS)

    @functools.partial(
        pl.kernel,
        out_type=(jax.ShapeDtypeStruct((N,), _f32),
                  jax.ShapeDtypeStruct((N,), _f32)),
        mesh=mesh,
        scratch_types=[
            pltpu.VMEM_SHARED((N,), _f32),
            pltpu.VMEM((NBLK_DEG, K), jnp.int32),
            pltpu.VMEM((K,), _f32),
            pltpu.SemaphoreType.DMA,
            pltpu.SemaphoreType.DMA,
        ],
    )
    def deg_kernel(edges_hbm, ones_hbm, zeros_hbm, odeg_hbm, ideg_hbm,
                   acc, idxl, onesl, sem0, sem1):
        c = lax.axis_index("c")
        s = lax.axis_index("s")
        @pl.when(s == 0)
        def _():
            pltpu.sync_copy(zeros_hbm, acc)
        pltpu.sync_copy(edges_hbm.at[c, s], idxl)
        pltpu.sync_copy(ones_hbm, onesl)
        plsc.subcore_barrier()

        sems = (sem0, sem1)
        pltpu.async_copy(onesl, acc.at[idxl.at[0]], sem0, add=True)

        def outer(jj, carry):
            for b in range(2):
                j = 2 * jj + b
                @pl.when(j + 1 < NBLK_DEG)
                def _():
                    pltpu.async_copy(onesl, acc.at[idxl.at[j + 1]],
                                     sems[1 - b], add=True)
                pltpu.make_async_copy(onesl, acc.at[idxl.at[j]], sems[b]).wait()
            return carry
        lax.fori_loop(0, NBLK_DEG // 2, outer, 0)
        plsc.subcore_barrier()

        @pl.when((c == 0) & (s == 0))
        def _():
            pltpu.sync_copy(acc, odeg_hbm)
        @pl.when((c == 1) & (s == 0))
        def _():
            pltpu.sync_copy(acc, ideg_hbm)

    return deg_kernel


def _make_agg_kernel(d: int, tc_tiling: bool = True):
    mesh = plsc.VectorSubcoreMesh(
        core_axis_name="c", subcore_axis_name="s", num_cores=NC, num_subcores=NS)

    @functools.partial(
        pl.kernel,
        out_type=jax.ShapeDtypeStruct((NC, N, d), _f32),
        mesh=mesh,
        compiler_params=pltpu.CompilerParams(use_tc_tiling_on_sc=tc_tiling),
        scratch_types=[
            pltpu.VMEM_SHARED((N, d), _f32),
            pltpu.VMEM((NBLK_AGG // 2, K), jnp.int32),
            pltpu.VMEM((NBLK_AGG // 2, K), jnp.int32),
            pltpu.VMEM((K, d), _f32),
            pltpu.VMEM((K, d), _f32),
            pltpu.SemaphoreType.DMA,
            pltpu.SemaphoreType.DMA,
            pltpu.SemaphoreType.DMA,
            pltpu.SemaphoreType.DMA,
        ],
    )
    def agg_kernel(t_hbm, src_hbm, dst_hbm, zeros_hbm, out_hbm,
                   acc, srcl, dstl, rows0, rows1, gsem0, gsem1, ssem0, ssem1):
        c = lax.axis_index("c")
        s = lax.axis_index("s")
        rows_a = 624
        @pl.when(s < NS - 1)
        def _():
            pltpu.sync_copy(zeros_hbm.at[pl.ds(s * rows_a, rows_a)],
                            acc.at[pl.ds(s * rows_a, rows_a)])
        @pl.when(s == NS - 1)
        def _():
            last = N - (NS - 1) * rows_a
            pltpu.sync_copy(zeros_hbm.at[pl.ds((NS - 1) * rows_a, last)],
                            acc.at[pl.ds((NS - 1) * rows_a, last)])
        plsc.subcore_barrier()

        bufs = ((rows0, gsem0, ssem0), (rows1, gsem1, ssem1))
        nh = NBLK_AGG // 2

        for h in range(2):
            pltpu.sync_copy(src_hbm.at[c, s, pl.ds(h * nh, nh)], srcl)
            pltpu.sync_copy(dst_hbm.at[c, s, pl.ds(h * nh, nh)], dstl)
            pltpu.async_copy(t_hbm.at[srcl.at[0]], rows0, gsem0)

            def outer(jj, carry):
                for b in range(2):
                    j = 2 * jj + b
                    rows_b, gsem_b, ssem_b = bufs[b]
                    rows_n, gsem_n, ssem_n = bufs[1 - b]
                    @pl.when((j + 1 < nh) & (j >= 1))
                    def _():
                        pltpu.make_async_copy(
                            rows_n, acc.at[dstl.at[j - 1]], ssem_n).wait()
                    @pl.when(j + 1 < nh)
                    def _():
                        pltpu.async_copy(t_hbm.at[srcl.at[j + 1]], rows_n, gsem_n)
                    pltpu.make_async_copy(t_hbm.at[srcl.at[j]], rows_b, gsem_b).wait()
                    pltpu.async_copy(rows_b, acc.at[dstl.at[j]], ssem_b, add=True)
                return carry
            lax.fori_loop(0, nh // 2, outer, 0)
            pltpu.make_async_copy(rows0, acc.at[dstl.at[nh - 2]], ssem0).wait()
            pltpu.make_async_copy(rows1, acc.at[dstl.at[nh - 1]], ssem1).wait()
        plsc.subcore_barrier()

        rows_a = 624
        @pl.when(s < NS - 1)
        def _():
            pltpu.sync_copy(acc.at[pl.ds(s * rows_a, rows_a)],
                            out_hbm.at[c, pl.ds(s * rows_a, rows_a)])
        @pl.when(s == NS - 1)
        def _():
            last = N - (NS - 1) * rows_a
            pltpu.sync_copy(acc.at[pl.ds((NS - 1) * rows_a, last)],
                            out_hbm.at[c, pl.ds((NS - 1) * rows_a, last)])

    return agg_kernel



BN = 1000


def _norm(deg):
    return lax.rsqrt(jnp.where(deg > 0, deg, 1.0))


def _first_body(odeg_ref, x_ref, w_ref, out_ref):
    onorm = _norm(odeg_ref[...])
    out_ref[...] = jnp.dot(x_ref[...] * onorm, w_ref[...],
                           preferred_element_type=_f32)


def _mid_body(agg_ref, ideg_ref, odeg_ref, b_ref, w_ref, out_ref):
    a = agg_ref[0] + agg_ref[1]
    inorm = _norm(ideg_ref[...])
    h = jnp.maximum(a * inorm + b_ref[...], 0.0)
    onorm = _norm(odeg_ref[...])
    out_ref[...] = jnp.dot(h * onorm, w_ref[...], preferred_element_type=_f32)


def _final_body(agg_ref, ideg_ref, b_ref, out_ref):
    a = agg_ref[0] + agg_ref[1]
    inorm = _norm(ideg_ref[...])
    out_ref[...] = a * inorm + b_ref[...]


def _first_tc(odeg2, x, w):
    d_out = w.shape[1]
    return pl.pallas_call(
        _first_body,
        grid=(N // BN,),
        in_specs=[
            pl.BlockSpec((BN, 1), lambda i: (i, 0)),
            pl.BlockSpec((BN, x.shape[1]), lambda i: (i, 0)),
            pl.BlockSpec(w.shape, lambda i: (0, 0)),
        ],
        out_specs=pl.BlockSpec((BN, d_out), lambda i: (i, 0)),
        out_shape=jax.ShapeDtypeStruct((N, d_out), _f32),
    )(odeg2, x, w)


def _mid_tc(agg, ideg2, odeg2, b, w):
    d_in = w.shape[0]
    d_out = w.shape[1]
    return pl.pallas_call(
        _mid_body,
        grid=(N // BN,),
        in_specs=[
            pl.BlockSpec((NC, BN, d_in), lambda i: (0, i, 0)),
            pl.BlockSpec((BN, 1), lambda i: (i, 0)),
            pl.BlockSpec((BN, 1), lambda i: (i, 0)),
            pl.BlockSpec((d_in,), lambda i: (0,)),
            pl.BlockSpec(w.shape, lambda i: (0, 0)),
        ],
        out_specs=pl.BlockSpec((BN, d_out), lambda i: (i, 0)),
        out_shape=jax.ShapeDtypeStruct((N, d_out), _f32),
    )(agg, ideg2, odeg2, b, w)


def _final_tc(agg, ideg2, b):
    d = agg.shape[2]
    return pl.pallas_call(
        _final_body,
        grid=(N // BN,),
        in_specs=[
            pl.BlockSpec((NC, BN, d), lambda i: (0, i, 0)),
            pl.BlockSpec((BN, 1), lambda i: (i, 0)),
            pl.BlockSpec((d,), lambda i: (0,)),
        ],
        out_specs=pl.BlockSpec((BN, d), lambda i: (i, 0)),
        out_shape=jax.ShapeDtypeStruct((N, d), _f32),
    )(agg, ideg2, b)



def kernel(features, edge_index, W0, b0, W1, b1, W2, b2):
    edge_index = edge_index.astype(jnp.int32)
    src_r = edge_index[0].reshape(NC, NS, NBLK_AGG, K)
    dst_r = edge_index[1].reshape(NC, NS, NBLK_AGG, K)
    edges_r = edge_index.reshape(2, NS, NBLK_DEG, K)

    zeros1 = jnp.zeros((N,), _f32)
    zeros128 = jnp.zeros((N, D_H), _f32)
    zeros64 = jnp.zeros((N, D_OUT), _f32)
    ones_k = jnp.ones((K,), _f32)

    deg = _make_deg_kernel()
    agg128 = _make_agg_kernel(D_H, tc_tiling=False)
    agg64 = _make_agg_kernel(D_OUT, tc_tiling=False)

    odeg, ideg = deg(edges_r, ones_k, zeros1)
    odeg2 = odeg.reshape(N, 1)
    ideg2 = ideg.reshape(N, 1)

    t0 = _first_tc(odeg2, features, W0)
    a0 = agg128(t0, src_r, dst_r, zeros128)
    t1 = _mid_tc(a0, ideg2, odeg2, b0, W1)
    a1 = agg128(t1, src_r, dst_r, zeros128)
    t2 = _mid_tc(a1, ideg2, odeg2, b1, W2)
    a2 = agg64(t2, src_r, dst_r, zeros64)
    return _final_tc(a2, ideg2, b2)

# --- scband reference (transcript-rebuilt; emitter-appended) ---
"""Pipeline reference for scband-gcn-85117661872508 (READ-ONLY COPY).

The authoritative reference and input builder live on the scoring server;
editing this copy changes nothing except your own understanding.
"""

import jax, jax.numpy as jnp
import numpy as np

N = 10000
E = 320000
D_IN = 128
D_H = 128
D_OUT = 64


def setup_inputs(seed: int = 0) -> dict:
    key = jax.random.key(seed)
    ks = jax.random.split(key, 9)
    features = jax.random.normal(ks[0], (N, D_IN), dtype=jnp.float32)
    edge_index = jax.random.randint(ks[1], (2, E), 0, N)
    W0 = jax.random.normal(ks[2], (D_IN, D_H), dtype=jnp.float32) * (1.0 / np.sqrt(D_IN))
    b0 = jnp.zeros((D_H,), dtype=jnp.float32)
    W1 = jax.random.normal(ks[3], (D_H, D_H), dtype=jnp.float32) * (1.0 / np.sqrt(D_H))
    b1 = jnp.zeros((D_H,), dtype=jnp.float32)
    W2 = jax.random.normal(ks[4], (D_H, D_OUT), dtype=jnp.float32) * (1.0 / np.sqrt(D_H))
    b2 = jnp.zeros((D_OUT,), dtype=jnp.float32)
    return {"features": features, "edge_index": edge_index,
            "W0": W0, "b0": b0, "W1": W1, "b1": b1, "W2": W2, "b2": b2}


def _graph_conv(x, src, dst, W, b):
    # DGL GraphConv with norm='both': D_out^{-1/2} on src feats, sum-aggregate to dst,
    # D_in^{-1/2} on aggregated feats, then linear transform + bias.
    ones = jnp.ones((src.shape[0],), dtype=jnp.float32)
    out_deg = jax.ops.segment_sum(ones, src, num_segments=N)
    in_deg = jax.ops.segment_sum(ones, dst, num_segments=N)
    out_norm = jnp.where(out_deg > 0, out_deg, 1.0) ** -0.5
    in_norm = jnp.where(in_deg > 0, in_deg, 1.0) ** -0.5
    h = x * out_norm[:, None]
    m = jnp.take(h, src, axis=0)          # gather (SparseCore-friendly)
    agg = jax.ops.segment_sum(m, dst, num_segments=N)  # scatter-add
    agg = agg * in_norm[:, None]
    return agg @ W + b


def reference(features, edge_index, W0, b0, W1, b1, W2, b2):
    src = edge_index[0]
    dst = edge_index[1]
    # 3 GraphConv layers: in->hidden (relu), hidden->hidden (relu), hidden->classes.
    # Dropout is identity in eval mode.
    h = jax.nn.relu(_graph_conv(features, src, dst, W0, b0))
    h = jax.nn.relu(_graph_conv(h, src, dst, W1, b1))
    h = _graph_conv(h, src, dst, W2, b2)
    return h

if __name__ == "__main__":
    import jax
    _d = setup_inputs()
    print(jax.jit(kernel)(*tuple(_d.values())))

</pallas_src>

<mosaic_0001>
#map = affine_map<(d0, d1) -> (0, 0)>
#map1 = affine_map<(d0, d1) -> (0, 0, 0, 0)>
#map2 = affine_map<(d0, d1) -> (0, 0, 0)>
module attributes {stable_mosaic.version = 14 : i64} {
  func.func @agg_kernel(%arg0: i32, %arg1: i32, %arg2: memref<10000x128xf32, #tpu.memory_space<hbm>>, %arg3: memref<2x16x80x125xi32, #tpu.memory_space<hbm>>, %arg4: memref<2x16x80x125xi32, #tpu.memory_space<hbm>>, %arg5: memref<10000x128xf32, #tpu.memory_space<hbm>>, %arg6: memref<2x10000x128xf32, #tpu.memory_space<hbm>>, %arg7: memref<10000x128xf32, #tpu.memory_space<vmem_shared>>, %arg8: memref<40x125xi32, #tpu.memory_space<vmem>>, %arg9: memref<40x125xi32, #tpu.memory_space<vmem>>, %arg10: memref<125x128xf32, #tpu.memory_space<vmem>>, %arg11: memref<125x128xf32, #tpu.memory_space<vmem>>, %arg12: memref<!tpu.dma_semaphore, #tpu.memory_space<semaphore_mem>>, %arg13: memref<!tpu.dma_semaphore, #tpu.memory_space<semaphore_mem>>, %arg14: memref<!tpu.dma_semaphore, #tpu.memory_space<semaphore_mem>>, %arg15: memref<!tpu.dma_semaphore, #tpu.memory_space<semaphore_mem>>) attributes {dimension_semantics = [#tpu.dimension_semantics<core_parallel>, #tpu.dimension_semantics<subcore_parallel>], iteration_bounds = array<i64: 2, 16>, scalar_prefetch = 0 : i64, scratch_operands = 9 : i64, tpu.core_type = #tpu.core_type<sc_vector_subcore>, window_params = [{transform_indices = #map}, {transform_indices = #map1}, {transform_indices = #map1}, {transform_indices = #map}, {transform_indices = #map2}]} {
    %lt3A = arith.constant 15 : i32
    %lt3A_0 = arith.cmpi slt, %arg1, %lt3A : i32
    %convert_element_type3A = arith.extui %lt3A_0 : i1 to i32
    %cond3A = arith.constant 0 : i32
    %cond3A_1 = arith.cmpi ne, %convert_element_type3A, %cond3A : i32
    scf.if %cond3A_1 {
      %mul3A = arith.constant 624 : i32
      %mul3A_68 = arith.muli %arg1, %mul3A : i32
      %mul3A_69 = arith.constant 624 : i32
      %mul3A_70 = arith.muli %arg1, %mul3A_69 : i32
      "tpu.region"() ({
        %run_scoped3A = tpu.sem_alloc : memref<!tpu.dma_semaphore, #tpu.memory_space<semaphore_mem>>
        %dma_start3A_71 = arith.constant 0 : i32
        %dma_start3A_72 = tpu.memref_slice %arg7[%mul3A_70, %dma_start3A_71] : memref<10000x128xf32, #tpu.memory_space<vmem_shared>> -> memref<624x128xf32, #tpu.memory_space<vmem_shared>>
        %dma_start3A_73 = arith.constant 0 : i32
        %dma_start3A_74 = tpu.memref_slice %arg5[%mul3A_68, %dma_start3A_73] : memref<10000x128xf32, #tpu.memory_space<hbm>> -> memref<624x128xf32, #tpu.memory_space<hbm>>
        tpu.enqueue_dma source(%dma_start3A_74 : memref<624x128xf32, #tpu.memory_space<hbm>>) target(%dma_start3A_72 : memref<624x128xf32, #tpu.memory_space<vmem_shared>>) target_semaphore(%run_scoped3A : memref<!tpu.dma_semaphore, #tpu.memory_space<semaphore_mem>>)
        %dma_wait3A_75 = arith.constant 0 : i32
        %dma_wait3A_76 = tpu.memref_slice %arg7[%mul3A_70, %dma_wait3A_75] : memref<10000x128xf32, #tpu.memory_space<vmem_shared>> -> memref<624x128xf32, #tpu.memory_space<vmem_shared>>
        %dma_wait3A_77 = arith.constant 0 : i32
        %dma_wait3A_78 = tpu.memref_slice %arg5[%mul3A_68, %dma_wait3A_77] : memref<10000x128xf32, #tpu.memory_space<hbm>> -> memref<624x128xf32, #tpu.memory_space<hbm>>
        tpu.wait_dma2 semaphore(%run_scoped3A : memref<!tpu.dma_semaphore, #tpu.memory_space<semaphore_mem>>) src(%dma_wait3A_78 : memref<624x128xf32, #tpu.memory_space<hbm>>) dst(%dma_wait3A_76 : memref<624x128xf32, #tpu.memory_space<vmem_shared>>)
        tpu.yield
      }) : () -> ()
    } else {
    }
    %eq3A = arith.constant 15 : i32
    %eq3A_2 = arith.cmpi eq, %arg1, %eq3A : i32
    %convert_element_type3A_3 = arith.extui %eq3A_2 : i1 to i32
    %cond3A_4 = arith.constant 0 : i32
    %cond3A_5 = arith.cmpi ne, %convert_element_type3A_3, %cond3A_4 : i32
    scf.if %cond3A_5 {
      "tpu.region"() ({
        %run_scoped3A = tpu.sem_alloc : memref<!tpu.dma_semaphore, #tpu.memory_space<semaphore_mem>>
        %dma_start3A_68 = arith.constant 9360 : i32
        %dma_start3A_69 = arith.constant 0 : i32
        %dma_start3A_70 = tpu.memref_slice %arg7[%dma_start3A_68, %dma_start3A_69] : memref<10000x128xf32, #tpu.memory_space<vmem_shared>> -> memref<640x128xf32, #tpu.memory_space<vmem_shared>>
        %dma_start3A_71 = arith.constant 9360 : i32
        %dma_start3A_72 = arith.constant 0 : i32
        %dma_start3A_73 = tpu.memref_slice %arg5[%dma_start3A_71, %dma_start3A_72] : memref<10000x128xf32, #tpu.memory_space<hbm>> -> memref<640x128xf32, #tpu.memory_space<hbm>>
        tpu.enqueue_dma source(%dma_start3A_73 : memref<640x128xf32, #tpu.memory_space<hbm>>) target(%dma_start3A_70 : memref<640x128xf32, #tpu.memory_space<vmem_shared>>) target_semaphore(%run_scoped3A : memref<!tpu.dma_semaphore, #tpu.memory_space<semaphore_mem>>)
        %dma_wait3A_74 = arith.constant 9360 : i32
        %dma_wait3A_75 = arith.constant 0 : i32
        %dma_wait3A_76 = tpu.memref_slice %arg7[%dma_wait3A_74, %dma_wait3A_75] : memref<10000x128xf32, #tpu.memory_space<vmem_shared>> -> memref<640x128xf32, #tpu.memory_space<vmem_shared>>
        %dma_wait3A_77 = arith.constant 9360 : i32
        %dma_wait3A_78 = arith.constant 0 : i32
        %dma_wait3A_79 = tpu.memref_slice %arg5[%dma_wait3A_77, %dma_wait3A_78] : memref<10000x128xf32, #tpu.memory_space<hbm>> -> memref<640x128xf32, #tpu.memory_space<hbm>>
        tpu.wait_dma2 semaphore(%run_scoped3A : memref<!tpu.dma_semaphore, #tpu.memory_space<semaphore_mem>>) src(%dma_wait3A_79 : memref<640x128xf32, #tpu.memory_space<hbm>>) dst(%dma_wait3A_76 : memref<640x128xf32, #tpu.memory_space<vmem_shared>>)
        tpu.yield
      }) : () -> ()
    } else {
    }
    %barrier3A = arith.constant 0 : index
    tpu.barrier barrier_id(%barrier3A)
    "tpu.region"() ({
      %run_scoped3A = tpu.sem_alloc : memref<!tpu.dma_semaphore, #tpu.memory_space<semaphore_mem>>
      %dma_start3A_68 = arith.constant 0 : i32
      %dma_start3A_69 = arith.constant 0 : i32
      %dma_start3A_70 = tpu.memref_slice %arg3[%arg0, %arg1, %dma_start3A_68, %dma_start3A_69] : memref<2x16x80x125xi32, #tpu.memory_space<hbm>> -> memref<1x1x40x125xi32, #tpu.memory_space<hbm>>
      %dma_start3A_71 = tpu.memref_squeeze %dma_start3A_70 : memref<1x1x40x125xi32, #tpu.memory_space<hbm>> -> memref<40x125xi32, #tpu.memory_space<hbm>>
      %dma_start3A_72 = arith.constant 0 : i32
      %dma_start3A_73 = arith.constant 0 : i32
      %dma_start3A_74 = tpu.memref_slice %arg3[%arg0, %arg1, %dma_start3A_72, %dma_start3A_73] : memref<2x16x80x125xi32, #tpu.memory_space<hbm>> -> memref<1x1x40x125xi32, #tpu.memory_space<hbm>>
      %dma_start3A_75 = tpu.memref_squeeze %dma_start3A_74 : memref<1x1x40x125xi32, #tpu.memory_space<hbm>> -> memref<40x125xi32, #tpu.memory_space<hbm>>
      tpu.enqueue_dma source(%dma_start3A_75 : memref<40x125xi32, #tpu.memory_space<hbm>>) target(%arg8 : memref<40x125xi32, #tpu.memory_space<vmem>>) target_semaphore(%run_scoped3A : memref<!tpu.dma_semaphore, #tpu.memory_space<semaphore_mem>>)
      %dma_wait3A_76 = arith.constant 0 : i32
      %dma_wait3A_77 = arith.constant 0 : i32
      %dma_wait3A_78 = tpu.memref_slice %arg3[%arg0, %arg1, %dma_wait3A_76, %dma_wait3A_77] : memref<2x16x80x125xi32, #tpu.memory_space<hbm>> -> memref<1x1x40x125xi32, #tpu.memory_space<hbm>>
      %dma_wait3A_79 = tpu.memref_squeeze %dma_wait3A_78 : memref<1x1x40x125xi32, #tpu.memory_space<hbm>> -> memref<40x125xi32, #tpu.memory_space<hbm>>
      %dma_wait3A_80 = arith.constant 0 : i32
      %dma_wait3A_81 = arith.constant 0 : i32
      %dma_wait3A_82 = tpu.memref_slice %arg3[%arg0, %arg1, %dma_wait3A_80, %dma_wait3A_81] : memref<2x16x80x125xi32, #tpu.memory_space<hbm>> -> memref<1x1x40x125xi32, #tpu.memory_space<hbm>>
      %dma_wait3A_83 = tpu.memref_squeeze %dma_wait3A_82 : memref<1x1x40x125xi32, #tpu.memory_space<hbm>> -> memref<40x125xi32, #tpu.memory_space<hbm>>
      tpu.wait_dma2 semaphore(%run_scoped3A : memref<!tpu.dma_semaphore, #tpu.memory_space<semaphore_mem>>) src(%dma_wait3A_83 : memref<40x125xi32, #tpu.memory_space<hbm>>) dst(%arg8 : memref<40x125xi32, #tpu.memory_space<vmem>>)
      tpu.yield
    }) : () -> ()
    "tpu.region"() ({
      %run_scoped3A = tpu.sem_alloc : memref<!tpu.dma_semaphore, #tpu.memory_space<semaphore_mem>>
      %dma_start3A_68 = arith.constant 0 : i32
      %dma_start3A_69 = arith.constant 0 : i32
      %dma_start3A_70 = tpu.memref_slice %arg4[%arg0, %arg1, %dma_start3A_68, %dma_start3A_69] : memref<2x16x80x125xi32, #tpu.memory_space<hbm>> -> memref<1x1x40x125xi32, #tpu.memory_space<hbm>>
      %dma_start3A_71 = tpu.memref_squeeze %dma_start3A_70 : memref<1x1x40x125xi32, #tpu.memory_space<hbm>> -> memref<40x125xi32, #tpu.memory_space<hbm>>
      %dma_start3A_72 = arith.constant 0 : i32
      %dma_start3A_73 = arith.constant 0 : i32
      %dma_start3A_74 = tpu.memref_slice %arg4[%arg0, %arg1, %dma_start3A_72, %dma_start3A_73] : memref<2x16x80x125xi32, #tpu.memory_space<hbm>> -> memref<1x1x40x125xi32, #tpu.memory_space<hbm>>
      %dma_start3A_75 = tpu.memref_squeeze %dma_start3A_74 : memref<1x1x40x125xi32, #tpu.memory_space<hbm>> -> memref<40x125xi32, #tpu.memory_space<hbm>>
      tpu.enqueue_dma source(%dma_start3A_75 : memref<40x125xi32, #tpu.memory_space<hbm>>) target(%arg9 : memref<40x125xi32, #tpu.memory_space<vmem>>) target_semaphore(%run_scoped3A : memref<!tpu.dma_semaphore, #tpu.memory_space<semaphore_mem>>)
      %dma_wait3A_76 = arith.constant 0 : i32
      %dma_wait3A_77 = arith.constant 0 : i32
      %dma_wait3A_78 = tpu.memref_slice %arg4[%arg0, %arg1, %dma_wait3A_76, %dma_wait3A_77] : memref<2x16x80x125xi32, #tpu.memory_space<hbm>> -> memref<1x1x40x125xi32, #tpu.memory_space<hbm>>
      %dma_wait3A_79 = tpu.memref_squeeze %dma_wait3A_78 : memref<1x1x40x125xi32, #tpu.memory_space<hbm>> -> memref<40x125xi32, #tpu.memory_space<hbm>>
      %dma_wait3A_80 = arith.constant 0 : i32
      %dma_wait3A_81 = arith.constant 0 : i32
      %dma_wait3A_82 = tpu.memref_slice %arg4[%arg0, %arg1, %dma_wait3A_80, %dma_wait3A_81] : memref<2x16x80x125xi32, #tpu.memory_space<hbm>> -> memref<1x1x40x125xi32, #tpu.memory_space<hbm>>
      %dma_wait3A_83 = tpu.memref_squeeze %dma_wait3A_82 : memref<1x1x40x125xi32, #tpu.memory_space<hbm>> -> memref<40x125xi32, #tpu.memory_space<hbm>>
      tpu.wait_dma2 semaphore(%run_scoped3A : memref<!tpu.dma_semaphore, #tpu.memory_space<semaphore_mem>>) src(%dma_wait3A_83 : memref<40x125xi32, #tpu.memory_space<hbm>>) dst(%arg9 : memref<40x125xi32, #tpu.memory_space<vmem>>)
      tpu.yield
    }) : () -> ()
    %dma_start3A = arith.constant 0 : i32
    %dma_start3A_6 = arith.constant 0 : i32
    %dma_start3A_7 = tpu.memref_slice %arg8[%dma_start3A, %dma_start3A_6] : memref<40x125xi32, #tpu.memory_space<vmem>> -> memref<1x125xi32, #tpu.memory_space<vmem>>
    %dma_start3A_8 = tpu.memref_squeeze %dma_start3A_7 : memref<1x125xi32, #tpu.memory_space<vmem>> -> memref<125xi32, #tpu.memory_space<vmem>>
    %dma_start3A_9 = arith.constant 0 : i32
    %dma_start3A_10 = arith.constant 0 : i32
    %dma_start3A_11 = tpu.memref_slice %arg2[%dma_start3A_9, %dma_start3A_10] : memref<10000x128xf32, #tpu.memory_space<hbm>> -> memref<10000x128xf32, #tpu.memory_space<hbm>>
    tpu.enqueue_indirect_dma source(%dma_start3A_11 : memref<10000x128xf32, #tpu.memory_space<hbm>>) target(%arg10 : memref<125x128xf32, #tpu.memory_space<vmem>>) offsets(%dma_start3A_8 : memref<125xi32, #tpu.memory_space<vmem>>) semaphore(%arg12 : memref<!tpu.dma_semaphore, #tpu.memory_space<semaphore_mem>>)
    %scan3A = arith.constant 0 : i32
    %scan3A_12 = arith.constant 0 : i32
    %scan3A_13 = arith.constant 20 : i32
    %scan3A_14 = arith.addi %scan3A_12, %scan3A_13 : i32
    %scan3A_15 = arith.constant 1 : i32
    scf.for %scan3A_68 = %scan3A_12 to %scan3A_14 step %scan3A_15  : i32 {
      %mul3A = arith.constant 2 : i32
      %mul3A_69 = arith.muli %mul3A, %scan3A_68 : i32
      %add3A = arith.constant 0 : i32
      %add3A_70 = arith.addi %mul3A_69, %add3A : i32
      %add3A_71 = arith.constant 1 : i32
      %add3A_72 = arith.addi %add3A_70, %add3A_71 : i32
      %lt3A_73 = arith.constant 40 : i32
      %lt3A_74 = arith.cmpi slt, %add3A_72, %lt3A_73 : i32
      %ge3A = arith.constant 1 : i32
      %ge3A_75 = arith.cmpi sge, %add3A_70, %ge3A : i32
      %and3A = arith.andi %lt3A_74, %ge3A_75 : i1
      %convert_element_type3A_76 = arith.extui %and3A : i1 to i32
      %cond3A_77 = arith.constant 0 : i32
      %cond3A_78 = arith.cmpi ne, %convert_element_type3A_76, %cond3A_77 : i32
      scf.if %cond3A_78 {
        %sub3A = arith.constant 1 : i32
        %sub3A_131 = arith.subi %add3A_70, %sub3A : i32
        %dma_wait3A_132 = arith.constant 0 : i32
        %dma_wait3A_133 = tpu.memref_slice %arg9[%sub3A_131, %dma_wait3A_132] : memref<40x125xi32, #tpu.memory_space<vmem>> -> memref<1x125xi32, #tpu.memory_space<vmem>>
        %dma_wait3A_134 = tpu.memref_squeeze %dma_wait3A_133 : memref<1x125xi32, #tpu.memory_space<vmem>> -> memref<125xi32, #tpu.memory_space<vmem>>
        %dma_wait3A_135 = arith.constant 0 : i32
        %dma_wait3A_136 = arith.constant 0 : i32
        %dma_wait3A_137 = tpu.memref_slice %arg7[%dma_wait3A_135, %dma_wait3A_136] : memref<10000x128xf32, #tpu.memory_space<vmem_shared>> -> memref<10000x128xf32, #tpu.memory_space<vmem_shared>>
        tpu.wait_indirect_dma semaphore(%arg15 : memref<!tpu.dma_semaphore, #tpu.memory_space<semaphore_mem>>) src(%arg11 : memref<125x128xf32, #tpu.memory_space<vmem>>) dst(%dma_wait3A_137 : memref<10000x128xf32, #tpu.memory_space<vmem_shared>>)
      } else {
      }
      %add3A_79 = arith.constant 1 : i32
      %add3A_80 = arith.addi %add3A_70, %add3A_79 : i32
      %lt3A_81 = arith.constant 40 : i32
      %lt3A_82 = arith.cmpi slt, %add3A_80, %lt3A_81 : i32
      %convert_element_type3A_83 = arith.extui %lt3A_82 : i1 to i32
      %cond3A_84 = arith.constant 0 : i32
      %cond3A_85 = arith.cmpi ne, %convert_element_type3A_83, %cond3A_84 : i32
      scf.if %cond3A_85 {
        %add3A_131 = arith.constant 1 : i32
        %add3A_132 = arith.addi %add3A_70, %add3A_131 : i32
        %dma_start3A_133 = arith.constant 0 : i32
        %dma_start3A_134 = tpu.memref_slice %arg8[%add3A_132, %dma_start3A_133] : memref<40x125xi32, #tpu.memory_space<vmem>> -> memref<1x125xi32, #tpu.memory_space<vmem>>
        %dma_start3A_135 = tpu.memref_squeeze %dma_start3A_134 : memref<1x125xi32, #tpu.memory_space<vmem>> -> memref<125xi32, #tpu.memory_space<vmem>>
        %dma_start3A_136 = arith.constant 0 : i32
        %dma_start3A_137 = arith.constant 0 : i32
        %dma_start3A_138 = tpu.memref_slice %arg2[%dma_start3A_136, %dma_start3A_137] : memref<10000x128xf32, #tpu.memory_space<hbm>> -> memref<10000x128xf32, #tpu.memory_space<hbm>>
        tpu.enqueue_indirect_dma source(%dma_start3A_138 : memref<10000x128xf32, #tpu.memory_space<hbm>>) target(%arg11 : memref<125x128xf32, #tpu.memory_space<vmem>>) offsets(%dma_start3A_135 : memref<125xi32, #tpu.memory_space<vmem>>) semaphore(%arg13 : memref<!tpu.dma_semaphore, #tpu.memory_space<semaphore_mem>>)
      } else {
      }
      %dma_wait3A_86 = arith.constant 0 : i32
      %dma_wait3A_87 = tpu.memref_slice %arg8[%add3A_70, %dma_wait3A_86] : memref<40x125xi32, #tpu.memory_space<vmem>> -> memref<1x125xi32, #tpu.memory_space<vmem>>
      %dma_wait3A_88 = tpu.memref_squeeze %dma_wait3A_87 : memref<1x125xi32, #tpu.memory_space<vmem>> -> memref<125xi32, #tpu.memory_space<vmem>>
      %dma_wait3A_89 = arith.constant 0 : i32
      %dma_wait3A_90 = arith.constant 0 : i32
      %dma_wait3A_91 = tpu.memref_slice %arg2[%dma_wait3A_89, %dma_wait3A_90] : memref<10000x128xf32, #tpu.memory_space<hbm>> -> memref<10000x128xf32, #tpu.memory_space<hbm>>
      tpu.wait_indirect_dma semaphore(%arg12 : memref<!tpu.dma_semaphore, #tpu.memory_space<semaphore_mem>>) src(%dma_wait3A_91 : memref<10000x128xf32, #tpu.memory_space<hbm>>) dst(%arg10 : memref<125x128xf32, #tpu.memory_space<vmem>>)
      %dma_start3A_92 = arith.constant 0 : i32
      %dma_start3A_93 = tpu.memref_slice %arg9[%add3A_70, %dma_start3A_92] : memref<40x125xi32, #tpu.memory_space<vmem>> -> memref<1x125xi32, #tpu.memory_space<vmem>>
      %dma_start3A_94 = tpu.memref_squeeze %dma_start3A_93 : memref<1x125xi32, #tpu.memory_space<vmem>> -> memref<125xi32, #tpu.memory_space<vmem>>
      %dma_start3A_95 = arith.constant 0 : i32
      %dma_start3A_96 = arith.constant 0 : i32
      %dma_start3A_97 = tpu.memref_slice %arg7[%dma_start3A_95, %dma_start3A_96] : memref<10000x128xf32, #tpu.memory_space<vmem_shared>> -> memref<10000x128xf32, #tpu.memory_space<vmem_shared>>
      tpu.enqueue_indirect_dma source(%arg10 : memref<125x128xf32, #tpu.memory_space<vmem>>) target(%dma_start3A_97 : memref<10000x128xf32, #tpu.memory_space<vmem_shared>>) offsets(%dma_start3A_94 : memref<125xi32, #tpu.memory_space<vmem>>) semaphore(%arg14 : memref<!tpu.dma_semaphore, #tpu.memory_space<semaphore_mem>>) {add = true}
      %mul3A_98 = arith.constant 2 : i32
      %mul3A_99 = arith.muli %mul3A_98, %scan3A_68 : i32
      %add3A_100 = arith.constant 1 : i32
      %add3A_101 = arith.addi %mul3A_99, %add3A_100 : i32
      %add3A_102 = arith.constant 1 : i32
      %add3A_103 = arith.addi %add3A_101, %add3A_102 : i32
      %lt3A_104 = arith.constant 40 : i32
      %lt3A_105 = arith.cmpi slt, %add3A_103, %lt3A_104 : i32
      %ge3A_106 = arith.constant 1 : i32
      %ge3A_107 = arith.cmpi sge, %add3A_101, %ge3A_106 : i32
      %and3A_108 = arith.andi %lt3A_105, %ge3A_107 : i1
      %convert_element_type3A_109 = arith.extui %and3A_108 : i1 to i32
      %cond3A_110 = arith.constant 0 : i32
      %cond3A_111 = arith.cmpi ne, %convert_element_type3A_109, %cond3A_110 : i32
      scf.if %cond3A_111 {
        %sub3A = arith.constant 1 : i32
        %sub3A_131 = arith.subi %add3A_101, %sub3A : i32
        %dma_wait3A_132 = arith.constant 0 : i32
        %dma_wait3A_133 = tpu.memref_slice %arg9[%sub3A_131, %dma_wait3A_132] : memref<40x125xi32, #tpu.memory_space<vmem>> -> memref<1x125xi32, #tpu.memory_space<vmem>>
        %dma_wait3A_134 = tpu.memref_squeeze %dma_wait3A_133 : memref<1x125xi32, #tpu.memory_space<vmem>> -> memref<125xi32, #tpu.memory_space<vmem>>
        %dma_wait3A_135 = arith.constant 0 : i32
        %dma_wait3A_136 = arith.constant 0 : i32
        %dma_wait3A_137 = tpu.memref_slice %arg7[%dma_wait3A_135, %dma_wait3A_136] : memref<10000x128xf32, #tpu.memory_space<vmem_shared>> -> memref<10000x128xf32, #tpu.memory_space<vmem_shared>>
        tpu.wait_indirect_dma semaphore(%arg14 : memref<!tpu.dma_semaphore, #tpu.memory_space<semaphore_mem>>) src(%arg10 : memref<125x128xf32, #tpu.memory_space<vmem>>) dst(%dma_wait3A_137 : memref<10000x128xf32, #tpu.memory_space<vmem_shared>>)
      } else {
      }
      %add3A_112 = arith.constant 1 : i32
      %add3A_113 = arith.addi %add3A_101, %add3A_112 : i32
      %lt3A_114 = arith.constant 40 : i32
      %lt3A_115 = arith.cmpi slt, %add3A_113, %lt3A_114 : i32
      %convert_element_type3A_116 = arith.extui %lt3A_115 : i1 to i32
      %cond3A_117 = arith.constant 0 : i32
      %cond3A_118 = arith.cmpi ne, %convert_element_type3A_116, %cond3A_117 : i32
      scf.if %cond3A_118 {
        %add3A_131 = arith.constant 1 : i32
        %add3A_132 = arith.addi %add3A_101, %add3A_131 : i32
        %dma_start3A_133 = arith.constant 0 : i32
        %dma_start3A_134 = tpu.memref_slice %arg8[%add3A_132, %dma_start3A_133] : memref<40x125xi32, #tpu.memory_space<vmem>> -> memref<1x125xi32, #tpu.memory_space<vmem>>
        %dma_start3A_135 = tpu.memref_squeeze %dma_start3A_134 : memref<1x125xi32, #tpu.memory_space<vmem>> -> memref<125xi32, #tpu.memory_space<vmem>>
        %dma_start3A_136 = arith.constant 0 : i32
        %dma_start3A_137 = arith.constant 0 : i32
        %dma_start3A_138 = tpu.memref_slice %arg2[%dma_start3A_136, %dma_start3A_137] : memref<10000x128xf32, #tpu.memory_space<hbm>> -> memref<10000x128xf32, #tpu.memory_space<hbm>>
        tpu.enqueue_indirect_dma source(%dma_start3A_138 : memref<10000x128xf32, #tpu.memory_space<hbm>>) target(%arg10 : memref<125x128xf32, #tpu.memory_space<vmem>>) offsets(%dma_start3A_135 : memref<125xi32, #tpu.memory_space<vmem>>) semaphore(%arg12 : memref<!tpu.dma_semaphore, #tpu.memory_space<semaphore_mem>>)
      } else {
      }
      %dma_wait3A_119 = arith.constant 0 : i32
      %dma_wait3A_120 = tpu.memref_slice %arg8[%add3A_101, %dma_wait3A_119] : memref<40x125xi32, #tpu.memory_space<vmem>> -> memref<1x125xi32, #tpu.memory_space<vmem>>
      %dma_wait3A_121 = tpu.memref_squeeze %dma_wait3A_120 : memref<1x125xi32, #tpu.memory_space<vmem>> -> memref<125xi32, #tpu.memory_space<vmem>>
      %dma_wait3A_122 = arith.constant 0 : i32
      %dma_wait3A_123 = arith.constant 0 : i32
      %dma_wait3A_124 = tpu.memref_slice %arg2[%dma_wait3A_122, %dma_wait3A_123] : memref<10000x128xf32, #tpu.memory_space<hbm>> -> memref<10000x128xf32, #tpu.memory_space<hbm>>
      tpu.wait_indirect_dma semaphore(%arg13 : memref<!tpu.dma_semaphore, #tpu.memory_space<semaphore_mem>>) src(%dma_wait3A_124 : memref<10000x128xf32, #tpu.memory_space<hbm>>) dst(%arg11 : memref<125x128xf32, #tpu.memory_space<vmem>>)
      %dma_start3A_125 = arith.constant 0 : i32
      %dma_start3A_126 = tpu.memref_slice %arg9[%add3A_101, %dma_start3A_125] : memref<40x125xi32, #tpu.memory_space<vmem>> -> memref<1x125xi32, #tpu.memory_space<vmem>>
      %dma_start3A_127 = tpu.memref_squeeze %dma_start3A_126 : memref<1x125xi32, #tpu.memory_space<vmem>> -> memref<125xi32, #tpu.memory_space<vmem>>
      %dma_start3A_128 = arith.constant 0 : i32
      %dma_start3A_129 = arith.constant 0 : i32
      %dma_start3A_130 = tpu.memref_slice %arg7[%dma_start3A_128, %dma_start3A_129] : memref<10000x128xf32, #tpu.memory_space<vmem_shared>> -> memref<10000x128xf32, #tpu.memory_space<vmem_shared>>
      tpu.enqueue_indirect_dma source(%arg11 : memref<125x128xf32, #tpu.memory_space<vmem>>) target(%dma_start3A_130 : memref<10000x128xf32, #tpu.memory_space<vmem_shared>>) offsets(%dma_start3A_127 : memref<125xi32, #tpu.memory_space<vmem>>) semaphore(%arg15 : memref<!tpu.dma_semaphore, #tpu.memory_space<semaphore_mem>>) {add = true}
    }
    %scan3A_16 = arith.constant 20 : i32
    %dma_wait3A = arith.constant 38 : i32
    %dma_wait3A_17 = arith.constant 0 : i32
    %dma_wait3A_18 = tpu.memref_slice %arg9[%dma_wait3A, %dma_wait3A_17] : memref<40x125xi32, #tpu.memory_space<vmem>> -> memref<1x125xi32, #tpu.memory_space<vmem>>
    %dma_wait3A_19 = tpu.memref_squeeze %dma_wait3A_18 : memref<1x125xi32, #tpu.memory_space<vmem>> -> memref<125xi32, #tpu.memory_space<vmem>>
    %dma_wait3A_20 = arith.constant 0 : i32
    %dma_wait3A_21 = arith.constant 0 : i32
    %dma_wait3A_22 = tpu.memref_slice %arg7[%dma_wait3A_20, %dma_wait3A_21] : memref<10000x128xf32, #tpu.memory_space<vmem_shared>> -> memref<10000x128xf32, #tpu.memory_space<vmem_shared>>
    tpu.wait_indirect_dma semaphore(%arg14 : memref<!tpu.dma_semaphore, #tpu.memory_space<semaphore_mem>>) src(%arg10 : memref<125x128xf32, #tpu.memory_space<vmem>>) dst(%dma_wait3A_22 : memref<10000x128xf32, #tpu.memory_space<vmem_shared>>)
    %dma_wait3A_23 = arith.constant 39 : i32
    %dma_wait3A_24 = arith.constant 0 : i32
    %dma_wait3A_25 = tpu.memref_slice %arg9[%dma_wait3A_23, %dma_wait3A_24] : memref<40x125xi32, #tpu.memory_space<vmem>> -> memref<1x125xi32, #tpu.memory_space<vmem>>
    %dma_wait3A_26 = tpu.memref_squeeze %dma_wait3A_25 : memref<1x125xi32, #tpu.memory_space<vmem>> -> memref<125xi32, #tpu.memory_space<vmem>>
    %dma_wait3A_27 = arith.constant 0 : i32
    %dma_wait3A_28 = arith.constant 0 : i32
    %dma_wait3A_29 = tpu.memref_slice %arg7[%dma_wait3A_27, %dma_wait3A_28] : memref<10000x128xf32, #tpu.memory_space<vmem_shared>> -> memref<10000x128xf32, #tpu.memory_space<vmem_shared>>
    tpu.wait_indirect_dma semaphore(%arg15 : memref<!tpu.dma_semaphore, #tpu.memory_space<semaphore_mem>>) src(%arg11 : memref<125x128xf32, #tpu.memory_space<vmem>>) dst(%dma_wait3A_29 : memref<10000x128xf32, #tpu.memory_space<vmem_shared>>)
    "tpu.region"() ({
      %run_scoped3A = tpu.sem_alloc : memref<!tpu.dma_semaphore, #tpu.memory_space<semaphore_mem>>
      %dma_start3A_68 = arith.constant 40 : i32
      %dma_start3A_69 = arith.constant 0 : i32
      %dma_start3A_70 = tpu.memref_slice %arg3[%arg0, %arg1, %dma_start3A_68, %dma_start3A_69] : memref<2x16x80x125xi32, #tpu.memory_space<hbm>> -> memref<1x1x40x125xi32, #tpu.memory_space<hbm>>
      %dma_start3A_71 = tpu.memref_squeeze %dma_start3A_70 : memref<1x1x40x125xi32, #tpu.memory_space<hbm>> -> memref<40x125xi32, #tpu.memory_space<hbm>>
      %dma_start3A_72 = arith.constant 40 : i32
      %dma_start3A_73 = arith.constant 0 : i32
      %dma_start3A_74 = tpu.memref_slice %arg3[%arg0, %arg1, %dma_start3A_72, %dma_start3A_73] : memref<2x16x80x125xi32, #tpu.memory_space<hbm>> -> memref<1x1x40x125xi32, #tpu.memory_space<hbm>>
      %dma_start3A_75 = tpu.memref_squeeze %dma_start3A_74 : memref<1x1x40x125xi32, #tpu.memory_space<hbm>> -> memref<40x125xi32, #tpu.memory_space<hbm>>
      tpu.enqueue_dma source(%dma_start3A_75 : memref<40x125xi32, #tpu.memory_space<hbm>>) target(%arg8 : memref<40x125xi32, #tpu.memory_space<vmem>>) target_semaphore(%run_scoped3A : memref<!tpu.dma_semaphore, #tpu.memory_space<semaphore_mem>>)
      %dma_wait3A_76 = arith.constant 40 : i32
      %dma_wait3A_77 = arith.constant 0 : i32
      %dma_wait3A_78 = tpu.memref_slice %arg3[%arg0, %arg1, %dma_wait3A_76, %dma_wait3A_77] : memref<2x16x80x125xi32, #tpu.memory_space<hbm>> -> memref<1x1x40x125xi32, #tpu.memory_space<hbm>>
      %dma_wait3A_79 = tpu.memref_squeeze %dma_wait3A_78 : memref<1x1x40x125xi32, #tpu.memory_space<hbm>> -> memref<40x125xi32, #tpu.memory_space<hbm>>
      %dma_wait3A_80 = arith.constant 40 : i32
      %dma_wait3A_81 = arith.constant 0 : i32
      %dma_wait3A_82 = tpu.memref_slice %arg3[%arg0, %arg1, %dma_wait3A_80, %dma_wait3A_81] : memref<2x16x80x125xi32, #tpu.memory_space<hbm>> -> memref<1x1x40x125xi32, #tpu.memory_space<hbm>>
      %dma_wait3A_83 = tpu.memref_squeeze %dma_wait3A_82 : memref<1x1x40x125xi32, #tpu.memory_space<hbm>> -> memref<40x125xi32, #tpu.memory_space<hbm>>
      tpu.wait_dma2 semaphore(%run_scoped3A : memref<!tpu.dma_semaphore, #tpu.memory_space<semaphore_mem>>) src(%dma_wait3A_83 : memref<40x125xi32, #tpu.memory_space<hbm>>) dst(%arg8 : memref<40x125xi32, #tpu.memory_space<vmem>>)
      tpu.yield
    }) : () -> ()
    "tpu.region"() ({
      %run_scoped3A = tpu.sem_alloc : memref<!tpu.dma_semaphore, #tpu.memory_space<semaphore_mem>>
      %dma_start3A_68 = arith.constant 40 : i32
      %dma_start3A_69 = arith.constant 0 : i32
      %dma_start3A_70 = tpu.memref_slice %arg4[%arg0, %arg1, %dma_start3A_68, %dma_start3A_69] : memref<2x16x80x125xi32, #tpu.memory_space<hbm>> -> memref<1x1x40x125xi32, #tpu.memory_space<hbm>>
      %dma_start3A_71 = tpu.memref_squeeze %dma_start3A_70 : memref<1x1x40x125xi32, #tpu.memory_space<hbm>> -> memref<40x125xi32, #tpu.memory_space<hbm>>
      %dma_start3A_72 = arith.constant 40 : i32
      %dma_start3A_73 = arith.constant 0 : i32
      %dma_start3A_74 = tpu.memref_slice %arg4[%arg0, %arg1, %dma_start3A_72, %dma_start3A_73] : memref<2x16x80x125xi32, #tpu.memory_space<hbm>> -> memref<1x1x40x125xi32, #tpu.memory_space<hbm>>
      %dma_start3A_75 = tpu.memref_squeeze %dma_start3A_74 : memref<1x1x40x125xi32, #tpu.memory_space<hbm>> -> memref<40x125xi32, #tpu.memory_space<hbm>>
      tpu.enqueue_dma source(%dma_start3A_75 : memref<40x125xi32, #tpu.memory_space<hbm>>) target(%arg9 : memref<40x125xi32, #tpu.memory_space<vmem>>) target_semaphore(%run_scoped3A : memref<!tpu.dma_semaphore, #tpu.memory_space<semaphore_mem>>)
      %dma_wait3A_76 = arith.constant 40 : i32
      %dma_wait3A_77 = arith.constant 0 : i32
      %dma_wait3A_78 = tpu.memref_slice %arg4[%arg0, %arg1, %dma_wait3A_76, %dma_wait3A_77] : memref<2x16x80x125xi32, #tpu.memory_space<hbm>> -> memref<1x1x40x125xi32, #tpu.memory_space<hbm>>
      %dma_wait3A_79 = tpu.memref_squeeze %dma_wait3A_78 : memref<1x1x40x125xi32, #tpu.memory_space<hbm>> -> memref<40x125xi32, #tpu.memory_space<hbm>>
      %dma_wait3A_80 = arith.constant 40 : i32
      %dma_wait3A_81 = arith.constant 0 : i32
      %dma_wait3A_82 = tpu.memref_slice %arg4[%arg0, %arg1, %dma_wait3A_80, %dma_wait3A_81] : memref<2x16x80x125xi32, #tpu.memory_space<hbm>> -> memref<1x1x40x125xi32, #tpu.memory_space<hbm>>
      %dma_wait3A_83 = tpu.memref_squeeze %dma_wait3A_82 : memref<1x1x40x125xi32, #tpu.memory_space<hbm>> -> memref<40x125xi32, #tpu.memory_space<hbm>>
      tpu.wait_dma2 semaphore(%run_scoped3A : memref<!tpu.dma_semaphore, #tpu.memory_space<semaphore_mem>>) src(%dma_wait3A_83 : memref<40x125xi32, #tpu.memory_space<hbm>>) dst(%arg9 : memref<40x125xi32, #tpu.memory_space<vmem>>)
      tpu.yield
    }) : () -> ()
    %dma_start3A_30 = arith.constant 0 : i32
    %dma_start3A_31 = arith.constant 0 : i32
    %dma_start3A_32 = tpu.memref_slice %arg8[%dma_start3A_30, %dma_start3A_31] : memref<40x125xi32, #tpu.memory_space<vmem>> -> memref<1x125xi32, #tpu.memory_space<vmem>>
    %dma_start3A_33 = tpu.memref_squeeze %dma_start3A_32 : memref<1x125xi32, #tpu.memory_space<vmem>> -> memref<125xi32, #tpu.memory_space<vmem>>
    %dma_start3A_34 = arith.constant 0 : i32
    %dma_start3A_35 = arith.constant 0 : i32
    %dma_start3A_36 = tpu.memref_slice %arg2[%dma_start3A_34, %dma_start3A_35] : memref<10000x128xf32, #tpu.memory_space<hbm>> -> memref<10000x128xf32, #tpu.memory_space<hbm>>
    tpu.enqueue_indirect_dma source(%dma_start3A_36 : memref<10000x128xf32, #tpu.memory_space<hbm>>) target(%arg10 : memref<125x128xf32, #tpu.memory_space<vmem>>) offsets(%dma_start3A_33 : memref<125xi32, #tpu.memory_space<vmem>>) semaphore(%arg12 : memref<!tpu.dma_semaphore, #tpu.memory_space<semaphore_mem>>)
    %scan3A_37 = arith.constant 0 : i32
    %scan3A_38 = arith.constant 0 : i32
    %scan3A_39 = arith.constant 20 : i32
    %scan3A_40 = arith.addi %scan3A_38, %scan3A_39 : i32
    %scan3A_41 = arith.constant 1 : i32
    scf.for %scan3A_68 = %scan3A_38 to %scan3A_40 step %scan3A_41  : i32 {
      %mul3A = arith.constant 2 : i32
      %mul3A_69 = arith.muli %mul3A, %scan3A_68 : i32
      %add3A = arith.constant 0 : i32
      %add3A_70 = arith.addi %mul3A_69, %add3A : i32
      %add3A_71 = arith.constant 1 : i32
      %add3A_72 = arith.addi %add3A_70, %add3A_71 : i32
      %lt3A_73 = arith.constant 40 : i32
      %lt3A_74 = arith.cmpi slt, %add3A_72, %lt3A_73 : i32
      %ge3A = arith.constant 1 : i32
      %ge3A_75 = arith.cmpi sge, %add3A_70, %ge3A : i32
      %and3A = arith.andi %lt3A_74, %ge3A_75 : i1
      %convert_element_type3A_76 = arith.extui %and3A : i1 to i32
      %cond3A_77 = arith.constant 0 : i32
      %cond3A_78 = arith.cmpi ne, %convert_element_type3A_76, %cond3A_77 : i32
      scf.if %cond3A_78 {
        %sub3A = arith.constant 1 : i32
        %sub3A_131 = arith.subi %add3A_70, %sub3A : i32
        %dma_wait3A_132 = arith.constant 0 : i32
        %dma_wait3A_133 = tpu.memref_slice %arg9[%sub3A_131, %dma_wait3A_132] : memref<40x125xi32, #tpu.memory_space<vmem>> -> memref<1x125xi32, #tpu.memory_space<vmem>>
        %dma_wait3A_134 = tpu.memref_squeeze %dma_wait3A_133 : memref<1x125xi32, #tpu.memory_space<vmem>> -> memref<125xi32, #tpu.memory_space<vmem>>
        %dma_wait3A_135 = arith.constant 0 : i32
        %dma_wait3A_136 = arith.constant 0 : i32
        %dma_wait3A_137 = tpu.memref_slice %arg7[%dma_wait3A_135, %dma_wait3A_136] : memref<10000x128xf32, #tpu.memory_space<vmem_shared>> -> memref<10000x128xf32, #tpu.memory_space<vmem_shared>>
        tpu.wait_indirect_dma semaphore(%arg15 : memref<!tpu.dma_semaphore, #tpu.memory_space<semaphore_mem>>) src(%arg11 : memref<125x128xf32, #tpu.memory_space<vmem>>) dst(%dma_wait3A_137 : memref<10000x128xf32, #tpu.memory_space<vmem_shared>>)
      } else {
      }
      %add3A_79 = arith.constant 1 : i32
      %add3A_80 = arith.addi %add3A_70, %add3A_79 : i32
      %lt3A_81 = arith.constant 40 : i32
      %lt3A_82 = arith.cmpi slt, %add3A_80, %lt3A_81 : i32
      %convert_element_type3A_83 = arith.extui %lt3A_82 : i1 to i32
      %cond3A_84 = arith.constant 0 : i32
      %cond3A_85 = arith.cmpi ne, %convert_element_type3A_83, %cond3A_84 : i32
      scf.if %cond3A_85 {
        %add3A_131 = arith.constant 1 : i32
        %add3A_132 = arith.addi %add3A_70, %add3A_131 : i32
        %dma_start3A_133 = arith.constant 0 : i32
        %dma_start3A_134 = tpu.memref_slice %arg8[%add3A_132, %dma_start3A_133] : memref<40x125xi32, #tpu.memory_space<vmem>> -> memref<1x125xi32, #tpu.memory_space<vmem>>
        %dma_start3A_135 = tpu.memref_squeeze %dma_start3A_134 : memref<1x125xi32, #tpu.memory_space<vmem>> -> memref<125xi32, #tpu.memory_space<vmem>>
        %dma_start3A_136 = arith.constant 0 : i32
        %dma_start3A_137 = arith.constant 0 : i32
        %dma_start3A_138 = tpu.memref_slice %arg2[%dma_start3A_136, %dma_start3A_137] : memref<10000x128xf32, #tpu.memory_space<hbm>> -> memref<10000x128xf32, #tpu.memory_space<hbm>>
        tpu.enqueue_indirect_dma source(%dma_start3A_138 : memref<10000x128xf32, #tpu.memory_space<hbm>>) target(%arg11 : memref<125x128xf32, #tpu.memory_space<vmem>>) offsets(%dma_start3A_135 : memref<125xi32, #tpu.memory_space<vmem>>) semaphore(%arg13 : memref<!tpu.dma_semaphore, #tpu.memory_space<semaphore_mem>>)
      } else {
      }
      %dma_wait3A_86 = arith.constant 0 : i32
      %dma_wait3A_87 = tpu.memref_slice %arg8[%add3A_70, %dma_wait3A_86] : memref<40x125xi32, #tpu.memory_space<vmem>> -> memref<1x125xi32, #tpu.memory_space<vmem>>
      %dma_wait3A_88 = tpu.memref_squeeze %dma_wait3A_87 : memref<1x125xi32, #tpu.memory_space<vmem>> -> memref<125xi32, #tpu.memory_space<vmem>>
      %dma_wait3A_89 = arith.constant 0 : i32
      %dma_wait3A_90 = arith.constant 0 : i32
      %dma_wait3A_91 = tpu.memref_slice %arg2[%dma_wait3A_89, %dma_wait3A_90] : memref<10000x128xf32, #tpu.memory_space<hbm>> -> memref<10000x128xf32, #tpu.memory_space<hbm>>
      tpu.wait_indirect_dma semaphore(%arg12 : memref<!tpu.dma_semaphore, #tpu.memory_space<semaphore_mem>>) src(%dma_wait3A_91 : memref<10000x128xf32, #tpu.memory_space<hbm>>) dst(%arg10 : memref<125x128xf32, #tpu.memory_space<vmem>>)
      %dma_start3A_92 = arith.constant 0 : i32
      %dma_start3A_93 = tpu.memref_slice %arg9[%add3A_70, %dma_start3A_92] : memref<40x125xi32, #tpu.memory_space<vmem>> -> memref<1x125xi32, #tpu.memory_space<vmem>>
      %dma_start3A_94 = tpu.memref_squeeze %dma_start3A_93 : memref<1x125xi32, #tpu.memory_space<vmem>> -> memref<125xi32, #tpu.memory_space<vmem>>
      %dma_start3A_95 = arith.constant 0 : i32
      %dma_start3A_96 = arith.constant 0 : i32
      %dma_start3A_97 = tpu.memref_slice %arg7[%dma_start3A_95, %dma_start3A_96] : memref<10000x128xf32, #tpu.memory_space<vmem_shared>> -> memref<10000x128xf32, #tpu.memory_space<vmem_shared>>
      tpu.enqueue_indirect_dma source(%arg10 : memref<125x128xf32, #tpu.memory_space<vmem>>) target(%dma_start3A_97 : memref<10000x128xf32, #tpu.memory_space<vmem_shared>>) offsets(%dma_start3A_94 : memref<125xi32, #tpu.memory_space<vmem>>) semaphore(%arg14 : memref<!tpu.dma_semaphore, #tpu.memory_space<semaphore_mem>>) {add = true}
      %mul3A_98 = arith.constant 2 : i32
      %mul3A_99 = arith.muli %mul3A_98, %scan3A_68 : i32
      %add3A_100 = arith.constant 1 : i32
      %add3A_101 = arith.addi %mul3A_99, %add3A_100 : i32
      %add3A_102 = arith.constant 1 : i32
      %add3A_103 = arith.addi %add3A_101, %add3A_102 : i32
      %lt3A_104 = arith.constant 40 : i32
      %lt3A_105 = arith.cmpi slt, %add3A_103, %lt3A_104 : i32
      %ge3A_106 = arith.constant 1 : i32
      %ge3A_107 = arith.cmpi sge, %add3A_101, %ge3A_106 : i32
      %and3A_108 = arith.andi %lt3A_105, %ge3A_107 : i1
      %convert_element_type3A_109 = arith.extui %and3A_108 : i1 to i32
      %cond3A_110 = arith.constant 0 : i32
      %cond3A_111 = arith.cmpi ne, %convert_element_type3A_109, %cond3A_110 : i32
      scf.if %cond3A_111 {
        %sub3A = arith.constant 1 : i32
        %sub3A_131 = arith.subi %add3A_101, %sub3A : i32
        %dma_wait3A_132 = arith.constant 0 : i32
        %dma_wait3A_133 = tpu.memref_slice %arg9[%sub3A_131, %dma_wait3A_132] : memref<40x125xi32, #tpu.memory_space<vmem>> -> memref<1x125xi32, #tpu.memory_space<vmem>>
        %dma_wait3A_134 = tpu.memref_squeeze %dma_wait3A_133 : memref<1x125xi32, #tpu.memory_space<vmem>> -> memref<125xi32, #tpu.memory_space<vmem>>
        %dma_wait3A_135 = arith.constant 0 : i32
        %dma_wait3A_136 = arith.constant 0 : i32
        %dma_wait3A_137 = tpu.memref_slice %arg7[%dma_wait3A_135, %dma_wait3A_136] : memref<10000x128xf32, #tpu.memory_space<vmem_shared>> -> memref<10000x128xf32, #tpu.memory_space<vmem_shared>>
        tpu.wait_indirect_dma semaphore(%arg14 : memref<!tpu.dma_semaphore, #tpu.memory_space<semaphore_mem>>) src(%arg10 : memref<125x128xf32, #tpu.memory_space<vmem>>) dst(%dma_wait3A_137 : memref<10000x128xf32, #tpu.memory_space<vmem_shared>>)
      } else {
      }
      %add3A_112 = arith.constant 1 : i32
      %add3A_113 = arith.addi %add3A_101, %add3A_112 : i32
      %lt3A_114 = arith.constant 40 : i32
      %lt3A_115 = arith.cmpi slt, %add3A_113, %lt3A_114 : i32
      %convert_element_type3A_116 = arith.extui %lt3A_115 : i1 to i32
      %cond3A_117 = arith.constant 0 : i32
      %cond3A_118 = arith.cmpi ne, %convert_element_type3A_116, %cond3A_117 : i32
      scf.if %cond3A_118 {
        %add3A_131 = arith.constant 1 : i32
        %add3A_132 = arith.addi %add3A_101, %add3A_131 : i32
        %dma_start3A_133 = arith.constant 0 : i32
        %dma_start3A_134 = tpu.memref_slice %arg8[%add3A_132, %dma_start3A_133] : memref<40x125xi32, #tpu.memory_space<vmem>> -> memref<1x125xi32, #tpu.memory_space<vmem>>
        %dma_start3A_135 = tpu.memref_squeeze %dma_start3A_134 : memref<1x125xi32, #tpu.memory_space<vmem>> -> memref<125xi32, #tpu.memory_space<vmem>>
        %dma_start3A_136 = arith.constant 0 : i32
        %dma_start3A_137 = arith.constant 0 : i32
        %dma_start3A_138 = tpu.memref_slice %arg2[%dma_start3A_136, %dma_start3A_137] : memref<10000x128xf32, #tpu.memory_space<hbm>> -> memref<10000x128xf32, #tpu.memory_space<hbm>>
        tpu.enqueue_indirect_dma source(%dma_start3A_138 : memref<10000x128xf32, #tpu.memory_space<hbm>>) target(%arg10 : memref<125x128xf32, #tpu.memory_space<vmem>>) offsets(%dma_start3A_135 : memref<125xi32, #tpu.memory_space<vmem>>) semaphore(%arg12 : memref<!tpu.dma_semaphore, #tpu.memory_space<semaphore_mem>>)
      } else {
      }
      %dma_wait3A_119 = arith.constant 0 : i32
      %dma_wait3A_120 = tpu.memref_slice %arg8[%add3A_101, %dma_wait3A_119] : memref<40x125xi32, #tpu.memory_space<vmem>> -> memref<1x125xi32, #tpu.memory_space<vmem>>
      %dma_wait3A_121 = tpu.memref_squeeze %dma_wait3A_120 : memref<1x125xi32, #tpu.memory_space<vmem>> -> memref<125xi32, #tpu.memory_space<vmem>>
      %dma_wait3A_122 = arith.constant 0 : i32
      %dma_wait3A_123 = arith.constant 0 : i32
      %dma_wait3A_124 = tpu.memref_slice %arg2[%dma_wait3A_122, %dma_wait3A_123] : memref<10000x128xf32, #tpu.memory_space<hbm>> -> memref<10000x128xf32, #tpu.memory_space<hbm>>
      tpu.wait_indirect_dma semaphore(%arg13 : memref<!tpu.dma_semaphore, #tpu.memory_space<semaphore_mem>>) src(%dma_wait3A_124 : memref<10000x128xf32, #tpu.memory_space<hbm>>) dst(%arg11 : memref<125x128xf32, #tpu.memory_space<vmem>>)
      %dma_start3A_125 = arith.constant 0 : i32
      %dma_start3A_126 = tpu.memref_slice %arg9[%add3A_101, %dma_start3A_125] : memref<40x125xi32, #tpu.memory_space<vmem>> -> memref<1x125xi32, #tpu.memory_space<vmem>>
      %dma_start3A_127 = tpu.memref_squeeze %dma_start3A_126 : memref<1x125xi32, #tpu.memory_space<vmem>> -> memref<125xi32, #tpu.memory_space<vmem>>
      %dma_start3A_128 = arith.constant 0 : i32
      %dma_start3A_129 = arith.constant 0 : i32
      %dma_start3A_130 = tpu.memref_slice %arg7[%dma_start3A_128, %dma_start3A_129] : memref<10000x128xf32, #tpu.memory_space<vmem_shared>> -> memref<10000x128xf32, #tpu.memory_space<vmem_shared>>
      tpu.enqueue_indirect_dma source(%arg11 : memref<125x128xf32, #tpu.memory_space<vmem>>) target(%dma_start3A_130 : memref<10000x128xf32, #tpu.memory_space<vmem_shared>>) offsets(%dma_start3A_127 : memref<125xi32, #tpu.memory_space<vmem>>) semaphore(%arg15 : memref<!tpu.dma_semaphore, #tpu.memory_space<semaphore_mem>>) {add = true}
    }
    %scan3A_42 = arith.constant 20 : i32
    %dma_wait3A_43 = arith.constant 38 : i32
    %dma_wait3A_44 = arith.constant 0 : i32
    %dma_wait3A_45 = tpu.memref_slice %arg9[%dma_wait3A_43, %dma_wait3A_44] : memref<40x125xi32, #tpu.memory_space<vmem>> -> memref<1x125xi32, #tpu.memory_space<vmem>>
    %dma_wait3A_46 = tpu.memref_squeeze %dma_wait3A_45 : memref<1x125xi32, #tpu.memory_space<vmem>> -> memref<125xi32, #tpu.memory_space<vmem>>
    %dma_wait3A_47 = arith.constant 0 : i32
    %dma_wait3A_48 = arith.constant 0 : i32
    %dma_wait3A_49 = tpu.memref_slice %arg7[%dma_wait3A_47, %dma_wait3A_48] : memref<10000x128xf32, #tpu.memory_space<vmem_shared>> -> memref<10000x128xf32, #tpu.memory_space<vmem_shared>>
    tpu.wait_indirect_dma semaphore(%arg14 : memref<!tpu.dma_semaphore, #tpu.memory_space<semaphore_mem>>) src(%arg10 : memref<125x128xf32, #tpu.memory_space<vmem>>) dst(%dma_wait3A_49 : memref<10000x128xf32, #tpu.memory_space<vmem_shared>>)
    %dma_wait3A_50 = arith.constant 39 : i32
    %dma_wait3A_51 = arith.constant 0 : i32
    %dma_wait3A_52 = tpu.memref_slice %arg9[%dma_wait3A_50, %dma_wait3A_51] : memref<40x125xi32, #tpu.memory_space<vmem>> -> memref<1x125xi32, #tpu.memory_space<vmem>>
    %dma_wait3A_53 = tpu.memref_squeeze %dma_wait3A_52 : memref<1x125xi32, #tpu.memory_space<vmem>> -> memref<125xi32, #tpu.memory_space<vmem>>
    %dma_wait3A_54 = arith.constant 0 : i32
    %dma_wait3A_55 = arith.constant 0 : i32
    %dma_wait3A_56 = tpu.memref_slice %arg7[%dma_wait3A_54, %dma_wait3A_55] : memref<10000x128xf32, #tpu.memory_space<vmem_shared>> -> memref<10000x128xf32, #tpu.memory_space<vmem_shared>>
    tpu.wait_indirect_dma semaphore(%arg15 : memref<!tpu.dma_semaphore, #tpu.memory_space<semaphore_mem>>) src(%arg11 : memref<125x128xf32, #tpu.memory_space<vmem>>) dst(%dma_wait3A_56 : memref<10000x128xf32, #tpu.memory_space<vmem_shared>>)
    %barrier3A_57 = arith.constant 0 : index
    tpu.barrier barrier_id(%barrier3A_57)
    %lt3A_58 = arith.constant 15 : i32
    %lt3A_59 = arith.cmpi slt, %arg1, %lt3A_58 : i32
    %convert_element_type3A_60 = arith.extui %lt3A_59 : i1 to i32
    %cond3A_61 = arith.constant 0 : i32
    %cond3A_62 = arith.cmpi ne, %convert_element_type3A_60, %cond3A_61 : i32
    scf.if %cond3A_62 {
      %mul3A = arith.constant 624 : i32
      %mul3A_68 = arith.muli %arg1, %mul3A : i32
      %mul3A_69 = arith.constant 624 : i32
      %mul3A_70 = arith.muli %arg1, %mul3A_69 : i32
      "tpu.region"() ({
        %run_scoped3A = tpu.sem_alloc : memref<!tpu.dma_semaphore, #tpu.memory_space<semaphore_mem>>
        %dma_start3A_71 = arith.constant 0 : i32
        %dma_start3A_72 = tpu.memref_slice %arg6[%arg0, %mul3A_70, %dma_start3A_71] : memref<2x10000x128xf32, #tpu.memory_space<hbm>> -> memref<1x624x128xf32, #tpu.memory_space<hbm>>
        %dma_start3A_73 = tpu.memref_squeeze %dma_start3A_72 : memref<1x624x128xf32, #tpu.memory_space<hbm>> -> memref<624x128xf32, #tpu.memory_space<hbm>>
        %dma_start3A_74 = arith.constant 0 : i32
        %dma_start3A_75 = tpu.memref_slice %arg7[%mul3A_68, %dma_start3A_74] : memref<10000x128xf32, #tpu.memory_space<vmem_shared>> -> memref<624x128xf32, #tpu.memory_space<vmem_shared>>
        tpu.enqueue_dma source(%dma_start3A_75 : memref<624x128xf32, #tpu.memory_space<vmem_shared>>) target(%dma_start3A_73 : memref<624x128xf32, #tpu.memory_space<hbm>>) target_semaphore(%run_scoped3A : memref<!tpu.dma_semaphore, #tpu.memory_space<semaphore_mem>>)
        %dma_wait3A_76 = arith.constant 0 : i32
        %dma_wait3A_77 = tpu.memref_slice %arg6[%arg0, %mul3A_70, %dma_wait3A_76] : memref<2x10000x128xf32, #tpu.memory_space<hbm>> -> memref<1x624x128xf32, #tpu.memory_space<hbm>>
        %dma_wait3A_78 = tpu.memref_squeeze %dma_wait3A_77 : memref<1x624x128xf32, #tpu.memory_space<hbm>> -> memref<624x128xf32, #tpu.memory_space<hbm>>
        %dma_wait3A_79 = arith.constant 0 : i32
        %dma_wait3A_80 = tpu.memref_slice %arg7[%mul3A_68, %dma_wait3A_79] : memref<10000x128xf32, #tpu.memory_space<vmem_shared>> -> memref<624x128xf32, #tpu.memory_space<vmem_shared>>
        tpu.wait_dma2 semaphore(%run_scoped3A : memref<!tpu.dma_semaphore, #tpu.memory_space<semaphore_mem>>) src(%dma_wait3A_80 : memref<624x128xf32, #tpu.memory_space<vmem_shared>>) dst(%dma_wait3A_78 : memref<624x128xf32, #tpu.memory_space<hbm>>)
        tpu.yield
      }) : () -> ()
    } else {
    }
    %eq3A_63 = arith.constant 15 : i32
    %eq3A_64 = arith.cmpi eq, %arg1, %eq3A_63 : i32
    %convert_element_type3A_65 = arith.extui %eq3A_64 : i1 to i32
    %cond3A_66 = arith.constant 0 : i32
    %cond3A_67 = arith.cmpi ne, %convert_element_type3A_65, %cond3A_66 : i32
    scf.if %cond3A_67 {
      "tpu.region"() ({
        %run_scoped3A = tpu.sem_alloc : memref<!tpu.dma_semaphore, #tpu.memory_space<semaphore_mem>>
        %dma_start3A_68 = arith.constant 9360 : i32
        %dma_start3A_69 = arith.constant 0 : i32
        %dma_start3A_70 = tpu.memref_slice %arg6[%arg0, %dma_start3A_68, %dma_start3A_69] : memref<2x10000x128xf32, #tpu.memory_space<hbm>> -> memref<1x640x128xf32, #tpu.memory_space<hbm>>
        %dma_start3A_71 = tpu.memref_squeeze %dma_start3A_70 : memref<1x640x128xf32, #tpu.memory_space<hbm>> -> memref<640x128xf32, #tpu.memory_space<hbm>>
        %dma_start3A_72 = arith.constant 9360 : i32
        %dma_start3A_73 = arith.constant 0 : i32
        %dma_start3A_74 = tpu.memref_slice %arg7[%dma_start3A_72, %dma_start3A_73] : memref<10000x128xf32, #tpu.memory_space<vmem_shared>> -> memref<640x128xf32, #tpu.memory_space<vmem_shared>>
        tpu.enqueue_dma source(%dma_start3A_74 : memref<640x128xf32, #tpu.memory_space<vmem_shared>>) target(%dma_start3A_71 : memref<640x128xf32, #tpu.memory_space<hbm>>) target_semaphore(%run_scoped3A : memref<!tpu.dma_semaphore, #tpu.memory_space<semaphore_mem>>)
        %dma_wait3A_75 = arith.constant 9360 : i32
        %dma_wait3A_76 = arith.constant 0 : i32
        %dma_wait3A_77 = tpu.memref_slice %arg6[%arg0, %dma_wait3A_75, %dma_wait3A_76] : memref<2x10000x128xf32, #tpu.memory_space<hbm>> -> memref<1x640x128xf32, #tpu.memory_space<hbm>>
        %dma_wait3A_78 = tpu.memref_squeeze %dma_wait3A_77 : memref<1x640x128xf32, #tpu.memory_space<hbm>> -> memref<640x128xf32, #tpu.memory_space<hbm>>
        %dma_wait3A_79 = arith.constant 9360 : i32
        %dma_wait3A_80 = arith.constant 0 : i32
        %dma_wait3A_81 = tpu.memref_slice %arg7[%dma_wait3A_79, %dma_wait3A_80] : memref<10000x128xf32, #tpu.memory_space<vmem_shared>> -> memref<640x128xf32, #tpu.memory_space<vmem_shared>>
        tpu.wait_dma2 semaphore(%run_scoped3A : memref<!tpu.dma_semaphore, #tpu.memory_space<semaphore_mem>>) src(%dma_wait3A_81 : memref<640x128xf32, #tpu.memory_space<vmem_shared>>) dst(%dma_wait3A_78 : memref<640x128xf32, #tpu.memory_space<hbm>>)
        tpu.yield
      }) : () -> ()
    } else {
    }
    return
  }
}

#map = affine_map<(d0, d1) -> (0, 0)>
#map1 = affine_map<(d0, d1) -> (0, 0, 0, 0)>
#map2 = affine_map<(d0, d1) -> (0, 0, 0)>
module attributes {stable_mosaic.version = 14 : i64} {
  func.func @agg_kernel(%arg0: i32, %arg1: i32, %arg2: memref<10000x128xf32, #tpu.memory_space<hbm>>, %arg3: memref<2x16x80x125xi32, #tpu.memory_space<hbm>>, %arg4: memref<2x16x80x125xi32, #tpu.memory_space<hbm>>, %arg5: memref<10000x128xf32, #tpu.memory_space<hbm>>, %arg6: memref<2x10000x128xf32, #tpu.memory_space<hbm>>, %arg7: memref<10000x128xf32, #tpu.memory_space<vmem_shared>>, %arg8: memref<40x125xi32, #tpu.memory_space<vmem>>, %arg9: memref<40x125xi32, #tpu.memory_space<vmem>>, %arg10: memref<125x128xf32, #tpu.memory_space<vmem>>, %arg11: memref<125x128xf32, #tpu.memory_space<vmem>>, %arg12: memref<!tpu.dma_semaphore, #tpu.memory_space<semaphore_mem>>, %arg13: memref<!tpu.dma_semaphore, #tpu.memory_space<semaphore_mem>>, %arg14: memref<!tpu.dma_semaphore, #tpu.memory_space<semaphore_mem>>, %arg15: memref<!tpu.dma_semaphore, #tpu.memory_space<semaphore_mem>>) attributes {dimension_semantics = [#tpu.dimension_semantics<core_parallel>, #tpu.dimension_semantics<subcore_parallel>], iteration_bounds = array<i64: 2, 16>, scalar_prefetch = 0 : i64, scratch_operands = 9 : i64, tpu.core_type = #tpu.core_type<sc_vector_subcore>, window_params = [{transform_indices = #map}, {transform_indices = #map1}, {transform_indices = #map1}, {transform_indices = #map}, {transform_indices = #map2}]} {
    %lt3A = arith.constant 15 : i32
    %lt3A_0 = arith.cmpi slt, %arg1, %lt3A : i32
    %convert_element_type3A = arith.extui %lt3A_0 : i1 to i32
    %cond3A = arith.constant 0 : i32
    %cond3A_1 = arith.cmpi ne, %convert_element_type3A, %cond3A : i32
    scf.if %cond3A_1 {
      %mul3A = arith.constant 624 : i32
      %mul3A_68 = arith.muli %arg1, %mul3A : i32
      %mul3A_69 = arith.constant 624 : i32
      %mul3A_70 = arith.muli %arg1, %mul3A_69 : i32
      "tpu.region"() ({
        %run_scoped3A = tpu.sem_alloc : memref<!tpu.dma_semaphore, #tpu.memory_space<semaphore_mem>>
        %dma_start3A_71 = arith.constant 0 : i32
        %dma_start3A_72 = tpu.memref_slice %arg7[%mul3A_70, %dma_start3A_71] : memref<10000x128xf32, #tpu.memory_space<vmem_shared>> -> memref<624x128xf32, #tpu.memory_space<vmem_shared>>
        %dma_start3A_73 = arith.constant 0 : i32
        %dma_start3A_74 = tpu.memref_slice %arg5[%mul3A_68, %dma_start3A_73] : memref<10000x128xf32, #tpu.memory_space<hbm>> -> memref<624x128xf32, #tpu.memory_space<hbm>>
        tpu.enqueue_dma source(%dma_start3A_74 : memref<624x128xf32, #tpu.memory_space<hbm>>) target(%dma_start3A_72 : memref<624x128xf32, #tpu.memory_space<vmem_shared>>) target_semaphore(%run_scoped3A : memref<!tpu.dma_semaphore, #tpu.memory_space<semaphore_mem>>)
        %dma_wait3A_75 = arith.constant 0 : i32
        %dma_wait3A_76 = tpu.memref_slice %arg7[%mul3A_70, %dma_wait3A_75] : memref<10000x128xf32, #tpu.memory_space<vmem_shared>> -> memref<624x128xf32, #tpu.memory_space<vmem_shared>>
        %dma_wait3A_77 = arith.constant 0 : i32
        %dma_wait3A_78 = tpu.memref_slice %arg5[%mul3A_68, %dma_wait3A_77] : memref<10000x128xf32, #tpu.memory_space<hbm>> -> memref<624x128xf32, #tpu.memory_space<hbm>>
        tpu.wait_dma2 semaphore(%run_scoped3A : memref<!tpu.dma_semaphore, #tpu.memory_space<semaphore_mem>>) src(%dma_wait3A_78 : memref<624x128xf32, #tpu.memory_space<hbm>>) dst(%dma_wait3A_76 : memref<624x128xf32, #tpu.memory_space<vmem_shared>>)
        tpu.yield
      }) : () -> ()
    } else {
    }
    %eq3A = arith.constant 15 : i32
    %eq3A_2 = arith.cmpi eq, %arg1, %eq3A : i32
    %convert_element_type3A_3 = arith.extui %eq3A_2 : i1 to i32
    %cond3A_4 = arith.constant 0 : i32
    %cond3A_5 = arith.cmpi ne, %convert_element_type3A_3, %cond3A_4 : i32
    scf.if %cond3A_5 {
      "tpu.region"() ({
        %run_scoped3A = tpu.sem_alloc : memref<!tpu.dma_semaphore, #tpu.memory_space<semaphore_mem>>
        %dma_start3A_68 = arith.constant 9360 : i32
        %dma_start3A_69 = arith.constant 0 : i32
        %dma_start3A_70 = tpu.memref_slice %arg7[%dma_start3A_68, %dma_start3A_69] : memref<10000x128xf32, #tpu.memory_space<vmem_shared>> -> memref<640x128xf32, #tpu.memory_space<vmem_shared>>
        %dma_start3A_71 = arith.constant 9360 : i32
        %dma_start3A_72 = arith.constant 0 : i32
        %dma_start3A_73 = tpu.memref_slice %arg5[%dma_start3A_71, %dma_start3A_72] : memref<10000x128xf32, #tpu.memory_space<hbm>> -> memref<640x128xf32, #tpu.memory_space<hbm>>
        tpu.enqueue_dma source(%dma_start3A_73 : memref<640x128xf32, #tpu.memory_space<hbm>>) target(%dma_start3A_70 : memref<640x128xf32, #tpu.memory_space<vmem_shared>>) target_semaphore(%run_scoped3A : memref<!tpu.dma_semaphore, #tpu.memory_space<semaphore_mem>>)
        %dma_wait3A_74 = arith.constant 9360 : i32
        %dma_wait3A_75 = arith.constant 0 : i32
        %dma_wait3A_76 = tpu.memref_slice %arg7[%dma_wait3A_74, %dma_wait3A_75] : memref<10000x128xf32, #tpu.memory_space<vmem_shared>> -> memref<640x128xf32, #tpu.memory_space<vmem_shared>>
        %dma_wait3A_77 = arith.constant 9360 : i32
        %dma_wait3A_78 = arith.constant 0 : i32
        %dma_wait3A_79 = tpu.memref_slice %arg5[%dma_wait3A_77, %dma_wait3A_78] : memref<10000x128xf32, #tpu.memory_space<hbm>> -> memref<640x128xf32, #tpu.memory_space<hbm>>
        tpu.wait_dma2 semaphore(%run_scoped3A : memref<!tpu.dma_semaphore, #tpu.memory_space<semaphore_mem>>) src(%dma_wait3A_79 : memref<640x128xf32, #tpu.memory_space<hbm>>) dst(%dma_wait3A_76 : memref<640x128xf32, #tpu.memory_space<vmem_shared>>)
        tpu.yield
      }) : () -> ()
    } else {
    }
    %barrier3A = arith.constant 0 : index
    tpu.barrier barrier_id(%barrier3A)
    "tpu.region"() ({
      %run_scoped3A = tpu.sem_alloc : memref<!tpu.dma_semaphore, #tpu.memory_space<semaphore_mem>>
      %dma_start3A_68 = arith.constant 0 : i32
      %dma_start3A_69 = arith.constant 0 : i32
      %dma_start3A_70 = tpu.memref_slice %arg3[%arg0, %arg1, %dma_start3A_68, %dma_start3A_69] : memref<2x16x80x125xi32, #tpu.memory_space<hbm>> -> memref<1x1x40x125xi32, #tpu.memory_space<hbm>>
      %dma_start3A_71 = tpu.memref_squeeze %dma_start3A_70 : memref<1x1x40x125xi32, #tpu.memory_space<hbm>> -> memref<40x125xi32, #tpu.memory_space<hbm>>
      %dma_start3A_72 = arith.constant 0 : i32
      %dma_start3A_73 = arith.constant 0 : i32
      %dma_start3A_74 = tpu.memref_slice %arg3[%arg0, %arg1, %dma_start3A_72, %dma_start3A_73] : memref<2x16x80x125xi32, #tpu.memory_space<hbm>> -> memref<1x1x40x125xi32, #tpu.memory_space<hbm>>
      %dma_start3A_75 = tpu.memref_squeeze %dma_start3A_74 : memref<1x1x40x125xi32, #tpu.memory_space<hbm>> -> memref<40x125xi32, #tpu.memory_space<hbm>>
      tpu.enqueue_dma source(%dma_start3A_75 : memref<40x125xi32, #tpu.memory_space<hbm>>) target(%arg8 : memref<40x125xi32, #tpu.memory_space<vmem>>) target_semaphore(%run_scoped3A : memref<!tpu.dma_semaphore, #tpu.memory_space<semaphore_mem>>)
      %dma_wait3A_76 = arith.constant 0 : i32
      %dma_wait3A_77 = arith.constant 0 : i32
      %dma_wait3A_78 = tpu.memref_slice %arg3[%arg0, %arg1, %dma_wait3A_76, %dma_wait3A_77] : memref<2x16x80x125xi32, #tpu.memory_space<hbm>> -> memref<1x1x40x125xi32, #tpu.memory_space<hbm>>
      %dma_wait3A_79 = tpu.memref_squeeze %dma_wait3A_78 : memref<1x1x40x125xi32, #tpu.memory_space<hbm>> -> memref<40x125xi32, #tpu.memory_space<hbm>>
      %dma_wait3A_80 = arith.constant 0 : i32
      %dma_wait3A_81 = arith.constant 0 : i32
      %dma_wait3A_82 = tpu.memref_slice %arg3[%arg0, %arg1, %dma_wait3A_80, %dma_wait3A_81] : memref<2x16x80x125xi32, #tpu.memory_space<hbm>> -> memref<1x1x40x125xi32, #tpu.memory_space<hbm>>
      %dma_wait3A_83 = tpu.memref_squeeze %dma_wait3A_82 : memref<1x1x40x125xi32, #tpu.memory_space<hbm>> -> memref<40x125xi32, #tpu.memory_space<hbm>>
      tpu.wait_dma2 semaphore(%run_scoped3A : memref<!tpu.dma_semaphore, #tpu.memory_space<semaphore_mem>>) src(%dma_wait3A_83 : memref<40x125xi32, #tpu.memory_space<hbm>>) dst(%arg8 : memref<40x125xi32, #tpu.memory_space<vmem>>)
      tpu.yield
    }) : () -> ()
    "tpu.region"() ({
      %run_scoped3A = tpu.sem_alloc : memref<!tpu.dma_semaphore, #tpu.memory_space<semaphore_mem>>
      %dma_start3A_68 = arith.constant 0 : i32
      %dma_start3A_69 = arith.constant 0 : i32
      %dma_start3A_70 = tpu.memref_slice %arg4[%arg0, %arg1, %dma_start3A_68, %dma_start3A_69] : memref<2x16x80x125xi32, #tpu.memory_space<hbm>> -> memref<1x1x40x125xi32, #tpu.memory_space<hbm>>
      %dma_start3A_71 = tpu.memref_squeeze %dma_start3A_70 : memref<1x1x40x125xi32, #tpu.memory_space<hbm>> -> memref<40x125xi32, #tpu.memory_space<hbm>>
      %dma_start3A_72 = arith.constant 0 : i32
      %dma_start3A_73 = arith.constant 0 : i32
      %dma_start3A_74 = tpu.memref_slice %arg4[%arg0, %arg1, %dma_start3A_72, %dma_start3A_73] : memref<2x16x80x125xi32, #tpu.memory_space<hbm>> -> memref<1x1x40x125xi32, #tpu.memory_space<hbm>>
      %dma_start3A_75 = tpu.memref_squeeze %dma_start3A_74 : memref<1x1x40x125xi32, #tpu.memory_space<hbm>> -> memref<40x125xi32, #tpu.memory_space<hbm>>
      tpu.enqueue_dma source(%dma_start3A_75 : memref<40x125xi32, #tpu.memory_space<hbm>>) target(%arg9 : memref<40x125xi32, #tpu.memory_space<vmem>>) target_semaphore(%run_scoped3A : memref<!tpu.dma_semaphore, #tpu.memory_space<semaphore_mem>>)
      %dma_wait3A_76 = arith.constant 0 : i32
      %dma_wait3A_77 = arith.constant 0 : i32
      %dma_wait3A_78 = tpu.memref_slice %arg4[%arg0, %arg1, %dma_wait3A_76, %dma_wait3A_77] : memref<2x16x80x125xi32, #tpu.memory_space<hbm>> -> memref<1x1x40x125xi32, #tpu.memory_space<hbm>>
      %dma_wait3A_79 = tpu.memref_squeeze %dma_wait3A_78 : memref<1x1x40x125xi32, #tpu.memory_space<hbm>> -> memref<40x125xi32, #tpu.memory_space<hbm>>
      %dma_wait3A_80 = arith.constant 0 : i32
      %dma_wait3A_81 = arith.constant 0 : i32
      %dma_wait3A_82 = tpu.memref_slice %arg4[%arg0, %arg1, %dma_wait3A_80, %dma_wait3A_81] : memref<2x16x80x125xi32, #tpu.memory_space<hbm>> -> memref<1x1x40x125xi32, #tpu.memory_space<hbm>>
      %dma_wait3A_83 = tpu.memref_squeeze %dma_wait3A_82 : memref<1x1x40x125xi32, #tpu.memory_space<hbm>> -> memref<40x125xi32, #tpu.memory_space<hbm>>
      tpu.wait_dma2 semaphore(%run_scoped3A : memref<!tpu.dma_semaphore, #tpu.memory_space<semaphore_mem>>) src(%dma_wait3A_83 : memref<40x125xi32, #tpu.memory_space<hbm>>) dst(%arg9 : memref<40x125xi32, #tpu.memory_space<vmem>>)
      tpu.yield
    }) : () -> ()
    %dma_start3A = arith.constant 0 : i32
    %dma_start3A_6 = arith.constant 0 : i32
    %dma_start3A_7 = tpu.memref_slice %arg8[%dma_start3A, %dma_start3A_6] : memref<40x125xi32, #tpu.memory_space<vmem>> -> memref<1x125xi32, #tpu.memory_space<vmem>>
    %dma_start3A_8 = tpu.memref_squeeze %dma_start3A_7 : memref<1x125xi32, #tpu.memory_space<vmem>> -> memref<125xi32, #tpu.memory_space<vmem>>
    %dma_start3A_9 = arith.constant 0 : i32
    %dma_start3A_10 = arith.constant 0 : i32
    %dma_start3A_11 = tpu.memref_slice %arg2[%dma_start3A_9, %dma_start3A_10] : memref<10000x128xf32, #tpu.memory_space<hbm>> -> memref<10000x128xf32, #tpu.memory_space<hbm>>
    tpu.enqueue_indirect_dma source(%dma_start3A_11 : memref<10000x128xf32, #tpu.memory_space<hbm>>) target(%arg10 : memref<125x128xf32, #tpu.memory_space<vmem>>) offsets(%dma_start3A_8 : memref<125xi32, #tpu.memory_space<vmem>>) semaphore(%arg12 : memref<!tpu.dma_semaphore, #tpu.memory_space<semaphore_mem>>)
    %scan3A = arith.constant 0 : i32
    %scan3A_12 = arith.constant 0 : i32
    %scan3A_13 = arith.constant 20 : i32
    %scan3A_14 = arith.addi %scan3A_12, %scan3A_13 : i32
    %scan3A_15 = arith.constant 1 : i32
    scf.for %scan3A_68 = %scan3A_12 to %scan3A_14 step %scan3A_15  : i32 {
      %mul3A = arith.constant 2 : i32
      %mul3A_69 = arith.muli %mul3A, %scan3A_68 : i32
      %add3A = arith.constant 0 : i32
      %add3A_70 = arith.addi %mul3A_69, %add3A : i32
      %add3A_71 = arith.constant 1 : i32
      %add3A_72 = arith.addi %add3A_70, %add3A_71 : i32
      %lt3A_73 = arith.constant 40 : i32
      %lt3A_74 = arith.cmpi slt, %add3A_72, %lt3A_73 : i32
      %ge3A = arith.constant 1 : i32
      %ge3A_75 = arith.cmpi sge, %add3A_70, %ge3A : i32
      %and3A = arith.andi %lt3A_74, %ge3A_75 : i1
      %convert_element_type3A_76 = arith.extui %and3A : i1 to i32
      %cond3A_77 = arith.constant 0 : i32
      %cond3A_78 = arith.cmpi ne, %convert_element_type3A_76, %cond3A_77 : i32
      scf.if %cond3A_78 {
        %sub3A = arith.constant 1 : i32
        %sub3A_131 = arith.subi %add3A_70, %sub3A : i32
        %dma_wait3A_132 = arith.constant 0 : i32
        %dma_wait3A_133 = tpu.memref_slice %arg9[%sub3A_131, %dma_wait3A_132] : memref<40x125xi32, #tpu.memory_space<vmem>> -> memref<1x125xi32, #tpu.memory_space<vmem>>
        %dma_wait3A_134 = tpu.memref_squeeze %dma_wait3A_133 : memref<1x125xi32, #tpu.memory_space<vmem>> -> memref<125xi32, #tpu.memory_space<vmem>>
        %dma_wait3A_135 = arith.constant 0 : i32
        %dma_wait3A_136 = arith.constant 0 : i32
        %dma_wait3A_137 = tpu.memref_slice %arg7[%dma_wait3A_135, %dma_wait3A_136] : memref<10000x128xf32, #tpu.memory_space<vmem_shared>> -> memref<10000x128xf32, #tpu.memory_space<vmem_shared>>
        tpu.wait_indirect_dma semaphore(%arg15 : memref<!tpu.dma_semaphore, #tpu.memory_space<semaphore_mem>>) src(%arg11 : memref<125x128xf32, #tpu.memory_space<vmem>>) dst(%dma_wait3A_137 : memref<10000x128xf32, #tpu.memory_space<vmem_shared>>)
      } else {
      }
      %add3A_79 = arith.constant 1 : i32
      %add3A_80 = arith.addi %add3A_70, %add3A_79 : i32
      %lt3A_81 = arith.constant 40 : i32
      %lt3A_82 = arith.cmpi slt, %add3A_80, %lt3A_81 : i32
      %convert_element_type3A_83 = arith.extui %lt3A_82 : i1 to i32
      %cond3A_84 = arith.constant 0 : i32
      %cond3A_85 = arith.cmpi ne, %convert_element_type3A_83, %cond3A_84 : i32
      scf.if %cond3A_85 {
        %add3A_131 = arith.constant 1 : i32
        %add3A_132 = arith.addi %add3A_70, %add3A_131 : i32
        %dma_start3A_133 = arith.constant 0 : i32
        %dma_start3A_134 = tpu.memref_slice %arg8[%add3A_132, %dma_start3A_133] : memref<40x125xi32, #tpu.memory_space<vmem>> -> memref<1x125xi32, #tpu.memory_space<vmem>>
        %dma_start3A_135 = tpu.memref_squeeze %dma_start3A_134 : memref<1x125xi32, #tpu.memory_space<vmem>> -> memref<125xi32, #tpu.memory_space<vmem>>
        %dma_start3A_136 = arith.constant 0 : i32
        %dma_start3A_137 = arith.constant 0 : i32
        %dma_start3A_138 = tpu.memref_slice %arg2[%dma_start3A_136, %dma_start3A_137] : memref<10000x128xf32, #tpu.memory_space<hbm>> -> memref<10000x128xf32, #tpu.memory_space<hbm>>
        tpu.enqueue_indirect_dma source(%dma_start3A_138 : memref<10000x128xf32, #tpu.memory_space<hbm>>) target(%arg11 : memref<125x128xf32, #tpu.memory_space<vmem>>) offsets(%dma_start3A_135 : memref<125xi32, #tpu.memory_space<vmem>>) semaphore(%arg13 : memref<!tpu.dma_semaphore, #tpu.memory_space<semaphore_mem>>)
      } else {
      }
      %dma_wait3A_86 = arith.constant 0 : i32
      %dma_wait3A_87 = tpu.memref_slice %arg8[%add3A_70, %dma_wait3A_86] : memref<40x125xi32, #tpu.memory_space<vmem>> -> memref<1x125xi32, #tpu.memory_space<vmem>>
      %dma_wait3A_88 = tpu.memref_squeeze %dma_wait3A_87 : memref<1x125xi32, #tpu.memory_space<vmem>> -> memref<125xi32, #tpu.memory_space<vmem>>
      %dma_wait3A_89 = arith.constant 0 : i32
      %dma_wait3A_90 = arith.constant 0 : i32
      %dma_wait3A_91 = tpu.memref_slice %arg2[%dma_wait3A_89, %dma_wait3A_90] : memref<10000x128xf32, #tpu.memory_space<hbm>> -> memref<10000x128xf32, #tpu.memory_space<hbm>>
      tpu.wait_indirect_dma semaphore(%arg12 : memref<!tpu.dma_semaphore, #tpu.memory_space<semaphore_mem>>) src(%dma_wait3A_91 : memref<10000x128xf32, #tpu.memory_space<hbm>>) dst(%arg10 : memref<125x128xf32, #tpu.memory_space<vmem>>)
      %dma_start3A_92 = arith.constant 0 : i32
      %dma_start3A_93 = tpu.memref_slice %arg9[%add3A_70, %dma_start3A_92] : memref<40x125xi32, #tpu.memory_space<vmem>> -> memref<1x125xi32, #tpu.memory_space<vmem>>
      %dma_start3A_94 = tpu.memref_squeeze %dma_start3A_93 : memref<1x125xi32, #tpu.memory_space<vmem>> -> memref<125xi32, #tpu.memory_space<vmem>>
      %dma_start3A_95 = arith.constant 0 : i32
      %dma_start3A_96 = arith.constant 0 : i32
      %dma_start3A_97 = tpu.memref_slice %arg7[%dma_start3A_95, %dma_start3A_96] : memref<10000x128xf32, #tpu.memory_space<vmem_shared>> -> memref<10000x128xf32, #tpu.memory_space<vmem_shared>>
      tpu.enqueue_indirect_dma source(%arg10 : memref<125x128xf32, #tpu.memory_space<vmem>>) target(%dma_start3A_97 : memref<10000x128xf32, #tpu.memory_space<vmem_shared>>) offsets(%dma_start3A_94 : memref<125xi32, #tpu.memory_space<vmem>>) semaphore(%arg14 : memref<!tpu.dma_semaphore, #tpu.memory_space<semaphore_mem>>) {add = true}
      %mul3A_98 = arith.constant 2 : i32
      %mul3A_99 = arith.muli %mul3A_98, %scan3A_68 : i32
      %add3A_100 = arith.constant 1 : i32
      %add3A_101 = arith.addi %mul3A_99, %add3A_100 : i32
      %add3A_102 = arith.constant 1 : i32
      %add3A_103 = arith.addi %add3A_101, %add3A_102 : i32
      %lt3A_104 = arith.constant 40 : i32
      %lt3A_105 = arith.cmpi slt, %add3A_103, %lt3A_104 : i32
      %ge3A_106 = arith.constant 1 : i32
      %ge3A_107 = arith.cmpi sge, %add3A_101, %ge3A_106 : i32
      %and3A_108 = arith.andi %lt3A_105, %ge3A_107 : i1
      %convert_element_type3A_109 = arith.extui %and3A_108 : i1 to i32
      %cond3A_110 = arith.constant 0 : i32
      %cond3A_111 = arith.cmpi ne, %convert_element_type3A_109, %cond3A_110 : i32
      scf.if %cond3A_111 {
        %sub3A = arith.constant 1 : i32
        %sub3A_131 = arith.subi %add3A_101, %sub3A : i32
        %dma_wait3A_132 = arith.constant 0 : i32
        %dma_wait3A_133 = tpu.memref_slice %arg9[%sub3A_131, %dma_wait3A_132] : memref<40x125xi32, #tpu.memory_space<vmem>> -> memref<1x125xi32, #tpu.memory_space<vmem>>
        %dma_wait3A_134 = tpu.memref_squeeze %dma_wait3A_133 : memref<1x125xi32, #tpu.memory_space<vmem>> -> memref<125xi32, #tpu.memory_space<vmem>>
        %dma_wait3A_135 = arith.constant 0 : i32
        %dma_wait3A_136 = arith.constant 0 : i32
        %dma_wait3A_137 = tpu.memref_slice %arg7[%dma_wait3A_135, %dma_wait3A_136] : memref<10000x128xf32, #tpu.memory_space<vmem_shared>> -> memref<10000x128xf32, #tpu.memory_space<vmem_shared>>
        tpu.wait_indirect_dma semaphore(%arg14 : memref<!tpu.dma_semaphore, #tpu.memory_space<semaphore_mem>>) src(%arg10 : memref<125x128xf32, #tpu.memory_space<vmem>>) dst(%dma_wait3A_137 : memref<10000x128xf32, #tpu.memory_space<vmem_shared>>)
      } else {
      }
      %add3A_112 = arith.constant 1 : i32
      %add3A_113 = arith.addi %add3A_101, %add3A_112 : i32
      %lt3A_114 = arith.constant 40 : i32
      %lt3A_115 = arith.cmpi slt, %add3A_113, %lt3A_114 : i32
      %convert_element_type3A_116 = arith.extui %lt3A_115 : i1 to i32
      %cond3A_117 = arith.constant 0 : i32
      %cond3A_118 = arith.cmpi ne, %convert_element_type3A_116, %cond3A_117 : i32
      scf.if %cond3A_118 {
        %add3A_131 = arith.constant 1 : i32
        %add3A_132 = arith.addi %add3A_101, %add3A_131 : i32
        %dma_start3A_133 = arith.constant 0 : i32
        %dma_start3A_134 = tpu.memref_slice %arg8[%add3A_132, %dma_start3A_133] : memref<40x125xi32, #tpu.memory_space<vmem>> -> memref<1x125xi32, #tpu.memory_space<vmem>>
        %dma_start3A_135 = tpu.memref_squeeze %dma_start3A_134 : memref<1x125xi32, #tpu.memory_space<vmem>> -> memref<125xi32, #tpu.memory_space<vmem>>
        %dma_start3A_136 = arith.constant 0 : i32
        %dma_start3A_137 = arith.constant 0 : i32
        %dma_start3A_138 = tpu.memref_slice %arg2[%dma_start3A_136, %dma_start3A_137] : memref<10000x128xf32, #tpu.memory_space<hbm>> -> memref<10000x128xf32, #tpu.memory_space<hbm>>
        tpu.enqueue_indirect_dma source(%dma_start3A_138 : memref<10000x128xf32, #tpu.memory_space<hbm>>) target(%arg10 : memref<125x128xf32, #tpu.memory_space<vmem>>) offsets(%dma_start3A_135 : memref<125xi32, #tpu.memory_space<vmem>>) semaphore(%arg12 : memref<!tpu.dma_semaphore, #tpu.memory_space<semaphore_mem>>)
      } else {
      }
      %dma_wait3A_119 = arith.constant 0 : i32
      %dma_wait3A_120 = tpu.memref_slice %arg8[%add3A_101, %dma_wait3A_119] : memref<40x125xi32, #tpu.memory_space<vmem>> -> memref<1x125xi32, #tpu.memory_space<vmem>>
      %dma_wait3A_121 = tpu.memref_squeeze %dma_wait3A_120 : memref<1x125xi32, #tpu.memory_space<vmem>> -> memref<125xi32, #tpu.memory_space<vmem>>
      %dma_wait3A_122 = arith.constant 0 : i32
      %dma_wait3A_123 = arith.constant 0 : i32
      %dma_wait3A_124 = tpu.memref_slice %arg2[%dma_wait3A_122, %dma_wait3A_123] : memref<10000x128xf32, #tpu.memory_space<hbm>> -> memref<10000x128xf32, #tpu.memory_space<hbm>>
      tpu.wait_indirect_dma semaphore(%arg13 : memref<!tpu.dma_semaphore, #tpu.memory_space<semaphore_mem>>) src(%dma_wait3A_124 : memref<10000x128xf32, #tpu.memory_space<hbm>>) dst(%arg11 : memref<125x128xf32, #tpu.memory_space<vmem>>)
      %dma_start3A_125 = arith.constant 0 : i32
      %dma_start3A_126 = tpu.memref_slice %arg9[%add3A_101, %dma_start3A_125] : memref<40x125xi32, #tpu.memory_space<vmem>> -> memref<1x125xi32, #tpu.memory_space<vmem>>
      %dma_start3A_127 = tpu.memref_squeeze %dma_start3A_126 : memref<1x125xi32, #tpu.memory_space<vmem>> -> memref<125xi32, #tpu.memory_space<vmem>>
      %dma_start3A_128 = arith.constant 0 : i32
      %dma_start3A_129 = arith.constant 0 : i32
      %dma_start3A_130 = tpu.memref_slice %arg7[%dma_start3A_128, %dma_start3A_129] : memref<10000x128xf32, #tpu.memory_space<vmem_shared>> -> memref<10000x128xf32, #tpu.memory_space<vmem_shared>>
      tpu.enqueue_indirect_dma source(%arg11 : memref<125x128xf32, #tpu.memory_space<vmem>>) target(%dma_start3A_130 : memref<10000x128xf32, #tpu.memory_space<vmem_shared>>) offsets(%dma_start3A_127 : memref<125xi32, #tpu.memory_space<vmem>>) semaphore(%arg15 : memref<!tpu.dma_semaphore, #tpu.memory_space<semaphore_mem>>) {add = true}
    }
    %scan3A_16 = arith.constant 20 : i32
    %dma_wait3A = arith.constant 38 : i32
    %dma_wait3A_17 = arith.constant 0 : i32
    %dma_wait3A_18 = tpu.memref_slice %arg9[%dma_wait3A, %dma_wait3A_17] : memref<40x125xi32, #tpu.memory_space<vmem>> -> memref<1x125xi32, #tpu.memory_space<vmem>>
    %dma_wait3A_19 = tpu.memref_squeeze %dma_wait3A_18 : memref<1x125xi32, #tpu.memory_space<vmem>> -> memref<125xi32, #tpu.memory_space<vmem>>
    %dma_wait3A_20 = arith.constant 0 : i32
    %dma_wait3A_21 = arith.constant 0 : i32
    %dma_wait3A_22 = tpu.memref_slice %arg7[%dma_wait3A_20, %dma_wait3A_21] : memref<10000x128xf32, #tpu.memory_space<vmem_shared>> -> memref<10000x128xf32, #tpu.memory_space<vmem_shared>>
    tpu.wait_indirect_dma semaphore(%arg14 : memref<!tpu.dma_semaphore, #tpu.memory_space<semaphore_mem>>) src(%arg10 : memref<125x128xf32, #tpu.memory_space<vmem>>) dst(%dma_wait3A_22 : memref<10000x128xf32, #tpu.memory_space<vmem_shared>>)
    %dma_wait3A_23 = arith.constant 39 : i32
    %dma_wait3A_24 = arith.constant 0 : i32
    %dma_wait3A_25 = tpu.memref_slice %arg9[%dma_wait3A_23, %dma_wait3A_24] : memref<40x125xi32, #tpu.memory_space<vmem>> -> memref<1x125xi32, #tpu.memory_space<vmem>>
    %dma_wait3A_26 = tpu.memref_squeeze %dma_wait3A_25 : memref<1x125xi32, #tpu.memory_space<vmem>> -> memref<125xi32, #tpu.memory_space<vmem>>
    %dma_wait3A_27 = arith.constant 0 : i32
    %dma_wait3A_28 = arith.constant 0 : i32
    %dma_wait3A_29 = tpu.memref_slice %arg7[%dma_wait3A_27, %dma_wait3A_28] : memref<10000x128xf32, #tpu.memory_space<vmem_shared>> -> memref<10000x128xf32, #tpu.memory_space<vmem_shared>>
    tpu.wait_indirect_dma semaphore(%arg15 : memref<!tpu.dma_semaphore, #tpu.memory_space<semaphore_mem>>) src(%arg11 : memref<125x128xf32, #tpu.memory_space<vmem>>) dst(%dma_wait3A_29 : memref<10000x128xf32, #tpu.memory_space<vmem_shared>>)
    "tpu.region"() ({
      %run_scoped3A = tpu.sem_alloc : memref<!tpu.dma_semaphore, #tpu.memory_space<semaphore_mem>>
      %dma_start3A_68 = arith.constant 40 : i32
      %dma_start3A_69 = arith.constant 0 : i32
      %dma_start3A_70 = tpu.memref_slice %arg3[%arg0, %arg1, %dma_start3A_68, %dma_start3A_69] : memref<2x16x80x125xi32, #tpu.memory_space<hbm>> -> memref<1x1x40x125xi32, #tpu.memory_space<hbm>>
      %dma_start3A_71 = tpu.memref_squeeze %dma_start3A_70 : memref<1x1x40x125xi32, #tpu.memory_space<hbm>> -> memref<40x125xi32, #tpu.memory_space<hbm>>
      %dma_start3A_72 = arith.constant 40 : i32
      %dma_start3A_73 = arith.constant 0 : i32
      %dma_start3A_74 = tpu.memref_slice %arg3[%arg0, %arg1, %dma_start3A_72, %dma_start3A_73] : memref<2x16x80x125xi32, #tpu.memory_space<hbm>> -> memref<1x1x40x125xi32, #tpu.memory_space<hbm>>
      %dma_start3A_75 = tpu.memref_squeeze %dma_start3A_74 : memref<1x1x40x125xi32, #tpu.memory_space<hbm>> -> memref<40x125xi32, #tpu.memory_space<hbm>>
      tpu.enqueue_dma source(%dma_start3A_75 : memref<40x125xi32, #tpu.memory_space<hbm>>) target(%arg8 : memref<40x125xi32, #tpu.memory_space<vmem>>) target_semaphore(%run_scoped3A : memref<!tpu.dma_semaphore, #tpu.memory_space<semaphore_mem>>)
      %dma_wait3A_76 = arith.constant 40 : i32
      %dma_wait3A_77 = arith.constant 0 : i32
      %dma_wait3A_78 = tpu.memref_slice %arg3[%arg0, %arg1, %dma_wait3A_76, %dma_wait3A_77] : memref<2x16x80x125xi32, #tpu.memory_space<hbm>> -> memref<1x1x40x125xi32, #tpu.memory_space<hbm>>
      %dma_wait3A_79 = tpu.memref_squeeze %dma_wait3A_78 : memref<1x1x40x125xi32, #tpu.memory_space<hbm>> -> memref<40x125xi32, #tpu.memory_space<hbm>>
      %dma_wait3A_80 = arith.constant 40 : i32
      %dma_wait3A_81 = arith.constant 0 : i32
      %dma_wait3A_82 = tpu.memref_slice %arg3[%arg0, %arg1, %dma_wait3A_80, %dma_wait3A_81] : memref<2x16x80x125xi32, #tpu.memory_space<hbm>> -> memref<1x1x40x125xi32, #tpu.memory_space<hbm>>
      %dma_wait3A_83 = tpu.memref_squeeze %dma_wait3A_82 : memref<1x1x40x125xi32, #tpu.memory_space<hbm>> -> memref<40x125xi32, #tpu.memory_space<hbm>>
      tpu.wait_dma2 semaphore(%run_scoped3A : memref<!tpu.dma_semaphore, #tpu.memory_space<semaphore_mem>>) src(%dma_wait3A_83 : memref<40x125xi32, #tpu.memory_space<hbm>>) dst(%arg8 : memref<40x125xi32, #tpu.memory_space<vmem>>)
      tpu.yield
    }) : () -> ()
    "tpu.region"() ({
      %run_scoped3A = tpu.sem_alloc : memref<!tpu.dma_semaphore, #tpu.memory_space<semaphore_mem>>
      %dma_start3A_68 = arith.constant 40 : i32
      %dma_start3A_69 = arith.constant 0 : i32
      %dma_start3A_70 = tpu.memref_slice %arg4[%arg0, %arg1, %dma_start3A_68, %dma_start3A_69] : memref<2x16x80x125xi32, #tpu.memory_space<hbm>> -> memref<1x1x40x125xi32, #tpu.memory_space<hbm>>
      %dma_start3A_71 = tpu.memref_squeeze %dma_start3A_70 : memref<1x1x40x125xi32, #tpu.memory_space<hbm>> -> memref<40x125xi32, #tpu.memory_space<hbm>>
      %dma_start3A_72 = arith.constant 40 : i32
      %dma_start3A_73 = arith.constant 0 : i32
      %dma_start3A_74 = tpu.memref_slice %arg4[%arg0, %arg1, %dma_start3A_72, %dma_start3A_73] : memref<2x16x80x125xi32, #tpu.memory_space<hbm>> -> memref<1x1x40x125xi32, #tpu.memory_space<hbm>>
      %dma_start3A_75 = tpu.memref_squeeze %dma_start3A_74 : memref<1x1x40x125xi32, #tpu.memory_space<hbm>> -> memref<40x125xi32, #tpu.memory_space<hbm>>
      tpu.enqueue_dma source(%dma_start3A_75 : memref<40x125xi32, #tpu.memory_space<hbm>>) target(%arg9 : memref<40x125xi32, #tpu.memory_space<vmem>>) target_semaphore(%run_scoped3A : memref<!tpu.dma_semaphore, #tpu.memory_space<semaphore_mem>>)
      %dma_wait3A_76 = arith.constant 40 : i32
      %dma_wait3A_77 = arith.constant 0 : i32
      %dma_wait3A_78 = tpu.memref_slice %arg4[%arg0, %arg1, %dma_wait3A_76, %dma_wait3A_77] : memref<2x16x80x125xi32, #tpu.memory_space<hbm>> -> memref<1x1x40x125xi32, #tpu.memory_space<hbm>>
      %dma_wait3A_79 = tpu.memref_squeeze %dma_wait3A_78 : memref<1x1x40x125xi32, #tpu.memory_space<hbm>> -> memref<40x125xi32, #tpu.memory_space<hbm>>
      %dma_wait3A_80 = arith.constant 40 : i32
      %dma_wait3A_81 = arith.constant 0 : i32
      %dma_wait3A_82 = tpu.memref_slice %arg4[%arg0, %arg1, %dma_wait3A_80, %dma_wait3A_81] : memref<2x16x80x125xi32, #tpu.memory_space<hbm>> -> memref<1x1x40x125xi32, #tpu.memory_space<hbm>>
      %dma_wait3A_83 = tpu.memref_squeeze %dma_wait3A_82 : memref<1x1x40x125xi32, #tpu.memory_space<hbm>> -> memref<40x125xi32, #tpu.memory_space<hbm>>
      tpu.wait_dma2 semaphore(%run_scoped3A : memref<!tpu.dma_semaphore, #tpu.memory_space<semaphore_mem>>) src(%dma_wait3A_83 : memref<40x125xi32, #tpu.memory_space<hbm>>) dst(%arg9 : memref<40x125xi32, #tpu.memory_space<vmem>>)
      tpu.yield
    }) : () -> ()
    %dma_start3A_30 = arith.constant 0 : i32
    %dma_start3A_31 = arith.constant 0 : i32
    %dma_start3A_32 = tpu.memref_slice %arg8[%dma_start3A_30, %dma_start3A_31] : memref<40x125xi32, #tpu.memory_space<vmem>> -> memref<1x125xi32, #tpu.memory_space<vmem>>
    %dma_start3A_33 = tpu.memref_squeeze %dma_start3A_32 : memref<1x125xi32, #tpu.memory_space<vmem>> -> memref<125xi32, #tpu.memory_space<vmem>>
    %dma_start3A_34 = arith.constant 0 : i32
    %dma_start3A_35 = arith.constant 0 : i32
    %dma_start3A_36 = tpu.memref_slice %arg2[%dma_start3A_34, %dma_start3A_35] : memref<10000x128xf32, #tpu.memory_space<hbm>> -> memref<10000x128xf32, #tpu.memory_space<hbm>>
    tpu.enqueue_indirect_dma source(%dma_start3A_36 : memref<10000x128xf32, #tpu.memory_space<hbm>>) target(%arg10 : memref<125x128xf32, #tpu.memory_space<vmem>>) offsets(%dma_start3A_33 : memref<125xi32, #tpu.memory_space<vmem>>) semaphore(%arg12 : memref<!tpu.dma_semaphore, #tpu.memory_space<semaphore_mem>>)
    %scan3A_37 = arith.constant 0 : i32
    %scan3A_38 = arith.constant 0 : i32
    %scan3A_39 = arith.constant 20 : i32
    %scan3A_40 = arith.addi %scan3A_38, %scan3A_39 : i32
    %scan3A_41 = arith.constant 1 : i32
    scf.for %scan3A_68 = %scan3A_38 to %scan3A_40 step %scan3A_41  : i32 {
      %mul3A = arith.constant 2 : i32
      %mul3A_69 = arith.muli %mul3A, %scan3A_68 : i32
      %add3A = arith.constant 0 : i32
      %add3A_70 = arith.addi %mul3A_69, %add3A : i32
      %add3A_71 = arith.constant 1 : i32
      %add3A_72 = arith.addi %add3A_70, %add3A_71 : i32
      %lt3A_73 = arith.constant 40 : i32
      %lt3A_74 = arith.cmpi slt, %add3A_72, %lt3A_73 : i32
      %ge3A = arith.constant 1 : i32
      %ge3A_75 = arith.cmpi sge, %add3A_70, %ge3A : i32
      %and3A = arith.andi %lt3A_74, %ge3A_75 : i1
      %convert_element_type3A_76 = arith.extui %and3A : i1 to i32
      %cond3A_77 = arith.constant 0 : i32
      %cond3A_78 = arith.cmpi ne, %convert_element_type3A_76, %cond3A_77 : i32
      scf.if %cond3A_78 {
        %sub3A = arith.constant 1 : i32
        %sub3A_131 = arith.subi %add3A_70, %sub3A : i32
        %dma_wait3A_132 = arith.constant 0 : i32
        %dma_wait3A_133 = tpu.memref_slice %arg9[%sub3A_131, %dma_wait3A_132] : memref<40x125xi32, #tpu.memory_space<vmem>> -> memref<1x125xi32, #tpu.memory_space<vmem>>
        %dma_wait3A_134 = tpu.memref_squeeze %dma_wait3A_133 : memref<1x125xi32, #tpu.memory_space<vmem>> -> memref<125xi32, #tpu.memory_space<vmem>>
        %dma_wait3A_135 = arith.constant 0 : i32
        %dma_wait3A_136 = arith.constant 0 : i32
        %dma_wait3A_137 = tpu.memref_slice %arg7[%dma_wait3A_135, %dma_wait3A_136] : memref<10000x128xf32, #tpu.memory_space<vmem_shared>> -> memref<10000x128xf32, #tpu.memory_space<vmem_shared>>
        tpu.wait_indirect_dma semaphore(%arg15 : memref<!tpu.dma_semaphore, #tpu.memory_space<semaphore_mem>>) src(%arg11 : memref<125x128xf32, #tpu.memory_space<vmem>>) dst(%dma_wait3A_137 : memref<10000x128xf32, #tpu.memory_space<vmem_shared>>)
      } else {
      }
      %add3A_79 = arith.constant 1 : i32
      %add3A_80 = arith.addi %add3A_70, %add3A_79 : i32
      %lt3A_81 = arith.constant 40 : i32
      %lt3A_82 = arith.cmpi slt, %add3A_80, %lt3A_81 : i32
      %convert_element_type3A_83 = arith.extui %lt3A_82 : i1 to i32
      %cond3A_84 = arith.constant 0 : i32
      %cond3A_85 = arith.cmpi ne, %convert_element_type3A_83, %cond3A_84 : i32
      scf.if %cond3A_85 {
        %add3A_131 = arith.constant 1 : i32
        %add3A_132 = arith.addi %add3A_70, %add3A_131 : i32
        %dma_start3A_133 = arith.constant 0 : i32
        %dma_start3A_134 = tpu.memref_slice %arg8[%add3A_132, %dma_start3A_133] : memref<40x125xi32, #tpu.memory_space<vmem>> -> memref<1x125xi32, #tpu.memory_space<vmem>>
        %dma_start3A_135 = tpu.memref_squeeze %dma_start3A_134 : memref<1x125xi32, #tpu.memory_space<vmem>> -> memref<125xi32, #tpu.memory_space<vmem>>
        %dma_start3A_136 = arith.constant 0 : i32
        %dma_start3A_137 = arith.constant 0 : i32
        %dma_start3A_138 = tpu.memref_slice %arg2[%dma_start3A_136, %dma_start3A_137] : memref<10000x128xf32, #tpu.memory_space<hbm>> -> memref<10000x128xf32, #tpu.memory_space<hbm>>
        tpu.enqueue_indirect_dma source(%dma_start3A_138 : memref<10000x128xf32, #tpu.memory_space<hbm>>) target(%arg11 : memref<125x128xf32, #tpu.memory_space<vmem>>) offsets(%dma_start3A_135 : memref<125xi32, #tpu.memory_space<vmem>>) semaphore(%arg13 : memref<!tpu.dma_semaphore, #tpu.memory_space<semaphore_mem>>)
      } else {
      }
      %dma_wait3A_86 = arith.constant 0 : i32
      %dma_wait3A_87 = tpu.memref_slice %arg8[%add3A_70, %dma_wait3A_86] : memref<40x125xi32, #tpu.memory_space<vmem>> -> memref<1x125xi32, #tpu.memory_space<vmem>>
      %dma_wait3A_88 = tpu.memref_squeeze %dma_wait3A_87 : memref<1x125xi32, #tpu.memory_space<vmem>> -> memref<125xi32, #tpu.memory_space<vmem>>
      %dma_wait3A_89 = arith.constant 0 : i32
      %dma_wait3A_90 = arith.constant 0 : i32
      %dma_wait3A_91 = tpu.memref_slice %arg2[%dma_wait3A_89, %dma_wait3A_90] : memref<10000x128xf32, #tpu.memory_space<hbm>> -> memref<10000x128xf32, #tpu.memory_space<hbm>>
      tpu.wait_indirect_dma semaphore(%arg12 : memref<!tpu.dma_semaphore, #tpu.memory_space<semaphore_mem>>) src(%dma_wait3A_91 : memref<10000x128xf32, #tpu.memory_space<hbm>>) dst(%arg10 : memref<125x128xf32, #tpu.memory_space<vmem>>)
      %dma_start3A_92 = arith.constant 0 : i32
      %dma_start3A_93 = tpu.memref_slice %arg9[%add3A_70, %dma_start3A_92] : memref<40x125xi32, #tpu.memory_space<vmem>> -> memref<1x125xi32, #tpu.memory_space<vmem>>
      %dma_start3A_94 = tpu.memref_squeeze %dma_start3A_93 : memref<1x125xi32, #tpu.memory_space<vmem>> -> memref<125xi32, #tpu.memory_space<vmem>>
      %dma_start3A_95 = arith.constant 0 : i32
      %dma_start3A_96 = arith.constant 0 : i32
      %dma_start3A_97 = tpu.memref_slice %arg7[%dma_start3A_95, %dma_start3A_96] : memref<10000x128xf32, #tpu.memory_space<vmem_shared>> -> memref<10000x128xf32, #tpu.memory_space<vmem_shared>>
      tpu.enqueue_indirect_dma source(%arg10 : memref<125x128xf32, #tpu.memory_space<vmem>>) target(%dma_start3A_97 : memref<10000x128xf32, #tpu.memory_space<vmem_shared>>) offsets(%dma_start3A_94 : memref<125xi32, #tpu.memory_space<vmem>>) semaphore(%arg14 : memref<!tpu.dma_semaphore, #tpu.memory_space<semaphore_mem>>) {add = true}
      %mul3A_98 = arith.constant 2 : i32
      %mul3A_99 = arith.muli %mul3A_98, %scan3A_68 : i32
      %add3A_100 = arith.constant 1 : i32
      %add3A_101 = arith.addi %mul3A_99, %add3A_100 : i32
      %add3A_102 = arith.constant 1 : i32
      %add3A_103 = arith.addi %add3A_101, %add3A_102 : i32
      %lt3A_104 = arith.constant 40 : i32
      %lt3A_105 = arith.cmpi slt, %add3A_103, %lt3A_104 : i32
      %ge3A_106 = arith.constant 1 : i32
      %ge3A_107 = arith.cmpi sge, %add3A_101, %ge3A_106 : i32
      %and3A_108 = arith.andi %lt3A_105, %ge3A_107 : i1
      %convert_element_type3A_109 = arith.extui %and3A_108 : i1 to i32
      %cond3A_110 = arith.constant 0 : i32
      %cond3A_111 = arith.cmpi ne, %convert_element_type3A_109, %cond3A_110 : i32
      scf.if %cond3A_111 {
        %sub3A = arith.constant 1 : i32
        %sub3A_131 = arith.subi %add3A_101, %sub3A : i32
        %dma_wait3A_132 = arith.constant 0 : i32
        %dma_wait3A_133 = tpu.memref_slice %arg9[%sub3A_131, %dma_wait3A_132] : memref<40x125xi32, #tpu.memory_space<vmem>> -> memref<1x125xi32, #tpu.memory_space<vmem>>
        %dma_wait3A_134 = tpu.memref_squeeze %dma_wait3A_133 : memref<1x125xi32, #tpu.memory_space<vmem>> -> memref<125xi32, #tpu.memory_space<vmem>>
        %dma_wait3A_135 = arith.constant 0 : i32
        %dma_wait3A_136 = arith.constant 0 : i32
        %dma_wait3A_137 = tpu.memref_slice %arg7[%dma_wait3A_135, %dma_wait3A_136] : memref<10000x128xf32, #tpu.memory_space<vmem_shared>> -> memref<10000x128xf32, #tpu.memory_space<vmem_shared>>
        tpu.wait_indirect_dma semaphore(%arg14 : memref<!tpu.dma_semaphore, #tpu.memory_space<semaphore_mem>>) src(%arg10 : memref<125x128xf32, #tpu.memory_space<vmem>>) dst(%dma_wait3A_137 : memref<10000x128xf32, #tpu.memory_space<vmem_shared>>)
      } else {
      }
      %add3A_112 = arith.constant 1 : i32
      %add3A_113 = arith.addi %add3A_101, %add3A_112 : i32
      %lt3A_114 = arith.constant 40 : i32
      %lt3A_115 = arith.cmpi slt, %add3A_113, %lt3A_114 : i32
      %convert_element_type3A_116 = arith.extui %lt3A_115 : i1 to i32
      %cond3A_117 = arith.constant 0 : i32
      %cond3A_118 = arith.cmpi ne, %convert_element_type3A_116, %cond3A_117 : i32
      scf.if %cond3A_118 {
        %add3A_131 = arith.constant 1 : i32
        %add3A_132 = arith.addi %add3A_101, %add3A_131 : i32
        %dma_start3A_133 = arith.constant 0 : i32
        %dma_start3A_134 = tpu.memref_slice %arg8[%add3A_132, %dma_start3A_133] : memref<40x125xi32, #tpu.memory_space<vmem>> -> memref<1x125xi32, #tpu.memory_space<vmem>>
        %dma_start3A_135 = tpu.memref_squeeze %dma_start3A_134 : memref<1x125xi32, #tpu.memory_space<vmem>> -> memref<125xi32, #tpu.memory_space<vmem>>
        %dma_start3A_136 = arith.constant 0 : i32
        %dma_start3A_137 = arith.constant 0 : i32
        %dma_start3A_138 = tpu.memref_slice %arg2[%dma_start3A_136, %dma_start3A_137] : memref<10000x128xf32, #tpu.memory_space<hbm>> -> memref<10000x128xf32, #tpu.memory_space<hbm>>
        tpu.enqueue_indirect_dma source(%dma_start3A_138 : memref<10000x128xf32, #tpu.memory_space<hbm>>) target(%arg10 : memref<125x128xf32, #tpu.memory_space<vmem>>) offsets(%dma_start3A_135 : memref<125xi32, #tpu.memory_space<vmem>>) semaphore(%arg12 : memref<!tpu.dma_semaphore, #tpu.memory_space<semaphore_mem>>)
      } else {
      }
      %dma_wait3A_119 = arith.constant 0 : i32
      %dma_wait3A_120 = tpu.memref_slice %arg8[%add3A_101, %dma_wait3A_119] : memref<40x125xi32, #tpu.memory_space<vmem>> -> memref<1x125xi32, #tpu.memory_space<vmem>>
      %dma_wait3A_121 = tpu.memref_squeeze %dma_wait3A_120 : memref<1x125xi32, #tpu.memory_space<vmem>> -> memref<125xi32, #tpu.memory_space<vmem>>
      %dma_wait3A_122 = arith.constant 0 : i32
      %dma_wait3A_123 = arith.constant 0 : i32
      %dma_wait3A_124 = tpu.memref_slice %arg2[%dma_wait3A_122, %dma_wait3A_123] : memref<10000x128xf32, #tpu.memory_space<hbm>> -> memref<10000x128xf32, #tpu.memory_space<hbm>>
      tpu.wait_indirect_dma semaphore(%arg13 : memref<!tpu.dma_semaphore, #tpu.memory_space<semaphore_mem>>) src(%dma_wait3A_124 : memref<10000x128xf32, #tpu.memory_space<hbm>>) dst(%arg11 : memref<125x128xf32, #tpu.memory_space<vmem>>)
      %dma_start3A_125 = arith.constant 0 : i32
      %dma_start3A_126 = tpu.memref_slice %arg9[%add3A_101, %dma_start3A_125] : memref<40x125xi32, #tpu.memory_space<vmem>> -> memref<1x125xi32, #tpu.memory_space<vmem>>
      %dma_start3A_127 = tpu.memref_squeeze %dma_start3A_126 : memref<1x125xi32, #tpu.memory_space<vmem>> -> memref<125xi32, #tpu.memory_space<vmem>>
      %dma_start3A_128 = arith.constant 0 : i32
      %dma_start3A_129 = arith.constant 0 : i32
      %dma_start3A_130 = tpu.memref_slice %arg7[%dma_start3A_128, %dma_start3A_129] : memref<10000x128xf32, #tpu.memory_space<vmem_shared>> -> memref<10000x128xf32, #tpu.memory_space<vmem_shared>>
      tpu.enqueue_indirect_dma source(%arg11 : memref<125x128xf32, #tpu.memory_space<vmem>>) target(%dma_start3A_130 : memref<10000x128xf32, #tpu.memory_space<vmem_shared>>) offsets(%dma_start3A_127 : memref<125xi32, #tpu.memory_space<vmem>>) semaphore(%arg15 : memref<!tpu.dma_semaphore, #tpu.memory_space<semaphore_mem>>) {add = true}
    }
    %scan3A_42 = arith.constant 20 : i32
    %dma_wait3A_43 = arith.constant 38 : i32
    %dma_wait3A_44 = arith.constant 0 : i32
    %dma_wait3A_45 = tpu.memref_slice %arg9[%dma_wait3A_43, %dma_wait3A_44] : memref<40x125xi32, #tpu.memory_space<vmem>> -> memref<1x125xi32, #tpu.memory_space<vmem>>
    %dma_wait3A_46 = tpu.memref_squeeze %dma_wait3A_45 : memref<1x125xi32, #tpu.memory_space<vmem>> -> memref<125xi32, #tpu.memory_space<vmem>>
    %dma_wait3A_47 = arith.constant 0 : i32
    %dma_wait3A_48 = arith.constant 0 : i32
    %dma_wait3A_49 = tpu.memref_slice %arg7[%dma_wait3A_47, %dma_wait3A_48] : memref<10000x128xf32, #tpu.memory_space<vmem_shared>> -> memref<10000x128xf32, #tpu.memory_space<vmem_shared>>
    tpu.wait_indirect_dma semaphore(%arg14 : memref<!tpu.dma_semaphore, #tpu.memory_space<semaphore_mem>>) src(%arg10 : memref<125x128xf32, #tpu.memory_space<vmem>>) dst(%dma_wait3A_49 : memref<10000x128xf32, #tpu.memory_space<vmem_shared>>)
    %dma_wait3A_50 = arith.constant 39 : i32
    %dma_wait3A_51 = arith.constant 0 : i32
    %dma_wait3A_52 = tpu.memref_slice %arg9[%dma_wait3A_50, %dma_wait3A_51] : memref<40x125xi32, #tpu.memory_space<vmem>> -> memref<1x125xi32, #tpu.memory_space<vmem>>
    %dma_wait3A_53 = tpu.memref_squeeze %dma_wait3A_52 : memref<1x125xi32, #tpu.memory_space<vmem>> -> memref<125xi32, #tpu.memory_space<vmem>>
    %dma_wait3A_54 = arith.constant 0 : i32
    %dma_wait3A_55 = arith.constant 0 : i32
    %dma_wait3A_56 = tpu.memref_slice %arg7[%dma_wait3A_54, %dma_wait3A_55] : memref<10000x128xf32, #tpu.memory_space<vmem_shared>> -> memref<10000x128xf32, #tpu.memory_space<vmem_shared>>
    tpu.wait_indirect_dma semaphore(%arg15 : memref<!tpu.dma_semaphore, #tpu.memory_space<semaphore_mem>>) src(%arg11 : memref<125x128xf32, #tpu.memory_space<vmem>>) dst(%dma_wait3A_56 : memref<10000x128xf32, #tpu.memory_space<vmem_shared>>)
    %barrier3A_57 = arith.constant 0 : index
    tpu.barrier barrier_id(%barrier3A_57)
    %lt3A_58 = arith.constant 15 : i32
    %lt3A_59 = arith.cmpi slt, %arg1, %lt3A_58 : i32
    %convert_element_type3A_60 = arith.extui %lt3A_59 : i1 to i32
    %cond3A_61 = arith.constant 0 : i32
    %cond3A_62 = arith.cmpi ne, %convert_element_type3A_60, %cond3A_61 : i32
    scf.if %cond3A_62 {
      %mul3A = arith.constant 624 : i32
      %mul3A_68 = arith.muli %arg1, %mul3A : i32
      %mul3A_69 = arith.constant 624 : i32
      %mul3A_70 = arith.muli %arg1, %mul3A_69 : i32
      "tpu.region"() ({
        %run_scoped3A = tpu.sem_alloc : memref<!tpu.dma_semaphore, #tpu.memory_space<semaphore_mem>>
        %dma_start3A_71 = arith.constant 0 : i32
        %dma_start3A_72 = tpu.memref_slice %arg6[%arg0, %mul3A_70, %dma_start3A_71] : memref<2x10000x128xf32, #tpu.memory_space<hbm>> -> memref<1x624x128xf32, #tpu.memory_space<hbm>>
        %dma_start3A_73 = tpu.memref_squeeze %dma_start3A_72 : memref<1x624x128xf32, #tpu.memory_space<hbm>> -> memref<624x128xf32, #tpu.memory_space<hbm>>
        %dma_start3A_74 = arith.constant 0 : i32
        %dma_start3A_75 = tpu.memref_slice %arg7[%mul3A_68, %dma_start3A_74] : memref<10000x128xf32, #tpu.memory_space<vmem_shared>> -> memref<624x128xf32, #tpu.memory_space<vmem_shared>>
        tpu.enqueue_dma source(%dma_start3A_75 : memref<624x128xf32, #tpu.memory_space<vmem_shared>>) target(%dma_start3A_73 : memref<624x128xf32, #tpu.memory_space<hbm>>) target_semaphore(%run_scoped3A : memref<!tpu.dma_semaphore, #tpu.memory_space<semaphore_mem>>)
        %dma_wait3A_76 = arith.constant 0 : i32
        %dma_wait3A_77 = tpu.memref_slice %arg6[%arg0, %mul3A_70, %dma_wait3A_76] : memref<2x10000x128xf32, #tpu.memory_space<hbm>> -> memref<1x624x128xf32, #tpu.memory_space<hbm>>
        %dma_wait3A_78 = tpu.memref_squeeze %dma_wait3A_77 : memref<1x624x128xf32, #tpu.memory_space<hbm>> -> memref<624x128xf32, #tpu.memory_space<hbm>>
        %dma_wait3A_79 = arith.constant 0 : i32
        %dma_wait3A_80 = tpu.memref_slice %arg7[%mul3A_68, %dma_wait3A_79] : memref<10000x128xf32, #tpu.memory_space<vmem_shared>> -> memref<624x128xf32, #tpu.memory_space<vmem_shared>>
        tpu.wait_dma2 semaphore(%run_scoped3A : memref<!tpu.dma_semaphore, #tpu.memory_space<semaphore_mem>>) src(%dma_wait3A_80 : memref<624x128xf32, #tpu.memory_space<vmem_shared>>) dst(%dma_wait3A_78 : memref<624x128xf32, #tpu.memory_space<hbm>>)
        tpu.yield
      }) : () -> ()
    } else {
    }
    %eq3A_63 = arith.constant 15 : i32
    %eq3A_64 = arith.cmpi eq, %arg1, %eq3A_63 : i32
    %convert_element_type3A_65 = arith.extui %eq3A_64 : i1 to i32
    %cond3A_66 = arith.constant 0 : i32
    %cond3A_67 = arith.cmpi ne, %convert_element_type3A_65, %cond3A_66 : i32
    scf.if %cond3A_67 {
      "tpu.region"() ({
        %run_scoped3A = tpu.sem_alloc : memref<!tpu.dma_semaphore, #tpu.memory_space<semaphore_mem>>
        %dma_start3A_68 = arith.constant 9360 : i32
        %dma_start3A_69 = arith.constant 0 : i32
        %dma_start3A_70 = tpu.memref_slice %arg6[%arg0, %dma_start3A_68, %dma_start3A_69] : memref<2x10000x128xf32, #tpu.memory_space<hbm>> -> memref<1x640x128xf32, #tpu.memory_space<hbm>>
        %dma_start3A_71 = tpu.memref_squeeze %dma_start3A_70 : memref<1x640x128xf32, #tpu.memory_space<hbm>> -> memref<640x128xf32, #tpu.memory_space<hbm>>
        %dma_start3A_72 = arith.constant 9360 : i32
        %dma_start3A_73 = arith.constant 0 : i32
        %dma_start3A_74 = tpu.memref_slice %arg7[%dma_start3A_72, %dma_start3A_73] : memref<10000x128xf32, #tpu.memory_space<vmem_shared>> -> memref<640x128xf32, #tpu.memory_space<vmem_shared>>
        tpu.enqueue_dma source(%dma_start3A_74 : memref<640x128xf32, #tpu.memory_space<vmem_shared>>) target(%dma_start3A_71 : memref<640x128xf32, #tpu.memory_space<hbm>>) target_semaphore(%run_scoped3A : memref<!tpu.dma_semaphore, #tpu.memory_space<semaphore_mem>>)
        %dma_wait3A_75 = arith.constant 9360 : i32
        %dma_wait3A_76 = arith.constant 0 : i32
        %dma_wait3A_77 = tpu.memref_slice %arg6[%arg0, %dma_wait3A_75, %dma_wait3A_76] : memref<2x10000x128xf32, #tpu.memory_space<hbm>> -> memref<1x640x128xf32, #tpu.memory_space<hbm>>
        %dma_wait3A_78 = tpu.memref_squeeze %dma_wait3A_77 : memref<1x640x128xf32, #tpu.memory_space<hbm>> -> memref<640x128xf32, #tpu.memory_space<hbm>>
        %dma_wait3A_79 = arith.constant 9360 : i32
        %dma_wait3A_80 = arith.constant 0 : i32
        %dma_wait3A_81 = tpu.memref_slice %arg7[%dma_wait3A_79, %dma_wait3A_80] : memref<10000x128xf32, #tpu.memory_space<vmem_shared>> -> memref<640x128xf32, #tpu.memory_space<vmem_shared>>
        tpu.wait_dma2 semaphore(%run_scoped3A : memref<!tpu.dma_semaphore, #tpu.memory_space<semaphore_mem>>) src(%dma_wait3A_81 : memref<640x128xf32, #tpu.memory_space<vmem_shared>>) dst(%dma_wait3A_78 : memref<640x128xf32, #tpu.memory_space<hbm>>)
        tpu.yield
      }) : () -> ()
    } else {
    }
    return
  }
}

#map = affine_map<(d0, d1) -> (0, 0, 0, 0)>
#map1 = affine_map<(d0, d1) -> (0)>
module attributes {stable_mosaic.version = 14 : i64} {
  func.func @deg_kernel(%arg0: i32, %arg1: i32, %arg2: memref<2x16x160x125xi32, #tpu.memory_space<hbm>>, %arg3: memref<125xf32, #tpu.memory_space<hbm>>, %arg4: memref<10000xf32, #tpu.memory_space<hbm>>, %arg5: memref<10000xf32, #tpu.memory_space<hbm>>, %arg6: memref<10000xf32, #tpu.memory_space<hbm>>, %arg7: memref<10000xf32, #tpu.memory_space<vmem_shared>>, %arg8: memref<160x125xi32, #tpu.memory_space<vmem>>, %arg9: memref<125xf32, #tpu.memory_space<vmem>>, %arg10: memref<!tpu.dma_semaphore, #tpu.memory_space<semaphore_mem>>, %arg11: memref<!tpu.dma_semaphore, #tpu.memory_space<semaphore_mem>>) attributes {dimension_semantics = [#tpu.dimension_semantics<core_parallel>, #tpu.dimension_semantics<subcore_parallel>], iteration_bounds = array<i64: 2, 16>, scalar_prefetch = 0 : i64, scratch_operands = 5 : i64, tpu.core_type = #tpu.core_type<sc_vector_subcore>, window_params = [{transform_indices = #map}, {transform_indices = #map1}, {transform_indices = #map1}, {transform_indices = #map1}, {transform_indices = #map1}]} {
    %eq3A = arith.constant 0 : i32
    %eq3A_0 = arith.cmpi eq, %arg1, %eq3A : i32
    %convert_element_type3A = arith.extui %eq3A_0 : i1 to i32
    %cond3A = arith.constant 0 : i32
    %cond3A_1 = arith.cmpi ne, %convert_element_type3A, %cond3A : i32
    scf.if %cond3A_1 {
      "tpu.region"() ({
        %run_scoped3A = tpu.sem_alloc : memref<!tpu.dma_semaphore, #tpu.memory_space<semaphore_mem>>
        tpu.enqueue_dma source(%arg4 : memref<10000xf32, #tpu.memory_space<hbm>>) target(%arg7 : memref<10000xf32, #tpu.memory_space<vmem_shared>>) target_semaphore(%run_scoped3A : memref<!tpu.dma_semaphore, #tpu.memory_space<semaphore_mem>>)
        tpu.wait_dma2 semaphore(%run_scoped3A : memref<!tpu.dma_semaphore, #tpu.memory_space<semaphore_mem>>) src(%arg4 : memref<10000xf32, #tpu.memory_space<hbm>>) dst(%arg7 : memref<10000xf32, #tpu.memory_space<vmem_shared>>)
        tpu.yield
      }) : () -> ()
    } else {
    }
    "tpu.region"() ({
      %run_scoped3A = tpu.sem_alloc : memref<!tpu.dma_semaphore, #tpu.memory_space<semaphore_mem>>
      %dma_start3A_28 = arith.constant 0 : i32
      %dma_start3A_29 = arith.constant 0 : i32
      %dma_start3A_30 = tpu.memref_slice %arg2[%arg0, %arg1, %dma_start3A_28, %dma_start3A_29] : memref<2x16x160x125xi32, #tpu.memory_space<hbm>> -> memref<1x1x160x125xi32, #tpu.memory_space<hbm>>
      %dma_start3A_31 = tpu.memref_squeeze %dma_start3A_30 : memref<1x1x160x125xi32, #tpu.memory_space<hbm>> -> memref<160x125xi32, #tpu.memory_space<hbm>>
      %dma_start3A_32 = arith.constant 0 : i32
      %dma_start3A_33 = arith.constant 0 : i32
      %dma_start3A_34 = tpu.memref_slice %arg2[%arg0, %arg1, %dma_start3A_32, %dma_start3A_33] : memref<2x16x160x125xi32, #tpu.memory_space<hbm>> -> memref<1x1x160x125xi32, #tpu.memory_space<hbm>>
      %dma_start3A_35 = tpu.memref_squeeze %dma_start3A_34 : memref<1x1x160x125xi32, #tpu.memory_space<hbm>> -> memref<160x125xi32, #tpu.memory_space<hbm>>
      tpu.enqueue_dma source(%dma_start3A_35 : memref<160x125xi32, #tpu.memory_space<hbm>>) target(%arg8 : memref<160x125xi32, #tpu.memory_space<vmem>>) target_semaphore(%run_scoped3A : memref<!tpu.dma_semaphore, #tpu.memory_space<semaphore_mem>>)
      %dma_wait3A = arith.constant 0 : i32
      %dma_wait3A_36 = arith.constant 0 : i32
      %dma_wait3A_37 = tpu.memref_slice %arg2[%arg0, %arg1, %dma_wait3A, %dma_wait3A_36] : memref<2x16x160x125xi32, #tpu.memory_space<hbm>> -> memref<1x1x160x125xi32, #tpu.memory_space<hbm>>
      %dma_wait3A_38 = tpu.memref_squeeze %dma_wait3A_37 : memref<1x1x160x125xi32, #tpu.memory_space<hbm>> -> memref<160x125xi32, #tpu.memory_space<hbm>>
      %dma_wait3A_39 = arith.constant 0 : i32
      %dma_wait3A_40 = arith.constant 0 : i32
      %dma_wait3A_41 = tpu.memref_slice %arg2[%arg0, %arg1, %dma_wait3A_39, %dma_wait3A_40] : memref<2x16x160x125xi32, #tpu.memory_space<hbm>> -> memref<1x1x160x125xi32, #tpu.memory_space<hbm>>
      %dma_wait3A_42 = tpu.memref_squeeze %dma_wait3A_41 : memref<1x1x160x125xi32, #tpu.memory_space<hbm>> -> memref<160x125xi32, #tpu.memory_space<hbm>>
      tpu.wait_dma2 semaphore(%run_scoped3A : memref<!tpu.dma_semaphore, #tpu.memory_space<semaphore_mem>>) src(%dma_wait3A_42 : memref<160x125xi32, #tpu.memory_space<hbm>>) dst(%arg8 : memref<160x125xi32, #tpu.memory_space<vmem>>)
      tpu.yield
    }) : () -> ()
    "tpu.region"() ({
      %run_scoped3A = tpu.sem_alloc : memref<!tpu.dma_semaphore, #tpu.memory_space<semaphore_mem>>
      tpu.enqueue_dma source(%arg3 : memref<125xf32, #tpu.memory_space<hbm>>) target(%arg9 : memref<125xf32, #tpu.memory_space<vmem>>) target_semaphore(%run_scoped3A : memref<!tpu.dma_semaphore, #tpu.memory_space<semaphore_mem>>)
      tpu.wait_dma2 semaphore(%run_scoped3A : memref<!tpu.dma_semaphore, #tpu.memory_space<semaphore_mem>>) src(%arg3 : memref<125xf32, #tpu.memory_space<hbm>>) dst(%arg9 : memref<125xf32, #tpu.memory_space<vmem>>)
      tpu.yield
    }) : () -> ()
    %barrier3A = arith.constant 0 : index
    tpu.barrier barrier_id(%barrier3A)
    %dma_start3A = arith.constant 0 : i32
    %dma_start3A_2 = arith.constant 0 : i32
    %dma_start3A_3 = tpu.memref_slice %arg8[%dma_start3A, %dma_start3A_2] : memref<160x125xi32, #tpu.memory_space<vmem>> -> memref<1x125xi32, #tpu.memory_space<vmem>>
    %dma_start3A_4 = tpu.memref_squeeze %dma_start3A_3 : memref<1x125xi32, #tpu.memory_space<vmem>> -> memref<125xi32, #tpu.memory_space<vmem>>
    %dma_start3A_5 = arith.constant 0 : i32
    %dma_start3A_6 = tpu.memref_slice %arg7[%dma_start3A_5] : memref<10000xf32, #tpu.memory_space<vmem_shared>> -> memref<10000xf32, #tpu.memory_space<vmem_shared>>
    tpu.enqueue_indirect_dma source(%arg9 : memref<125xf32, #tpu.memory_space<vmem>>) target(%dma_start3A_6 : memref<10000xf32, #tpu.memory_space<vmem_shared>>) offsets(%dma_start3A_4 : memref<125xi32, #tpu.memory_space<vmem>>) semaphore(%arg10 : memref<!tpu.dma_semaphore, #tpu.memory_space<semaphore_mem>>) {add = true}
    %scan3A = arith.constant 0 : i32
    %scan3A_7 = arith.constant 0 : i32
    %scan3A_8 = arith.constant 80 : i32
    %scan3A_9 = arith.addi %scan3A_7, %scan3A_8 : i32
    %scan3A_10 = arith.constant 1 : i32
    scf.for %scan3A_28 = %scan3A_7 to %scan3A_9 step %scan3A_10  : i32 {
      %mul3A = arith.constant 2 : i32
      %mul3A_29 = arith.muli %mul3A, %scan3A_28 : i32
      %add3A = arith.constant 0 : i32
      %add3A_30 = arith.addi %mul3A_29, %add3A : i32
      %add3A_31 = arith.constant 1 : i32
      %add3A_32 = arith.addi %add3A_30, %add3A_31 : i32
      %lt3A = arith.constant 160 : i32
      %lt3A_33 = arith.cmpi slt, %add3A_32, %lt3A : i32
      %convert_element_type3A_34 = arith.extui %lt3A_33 : i1 to i32
      %cond3A_35 = arith.constant 0 : i32
      %cond3A_36 = arith.cmpi ne, %convert_element_type3A_34, %cond3A_35 : i32
      scf.if %cond3A_36 {
        %add3A_57 = arith.constant 1 : i32
        %add3A_58 = arith.addi %add3A_30, %add3A_57 : i32
        %dma_start3A_59 = arith.constant 0 : i32
        %dma_start3A_60 = tpu.memref_slice %arg8[%add3A_58, %dma_start3A_59] : memref<160x125xi32, #tpu.memory_space<vmem>> -> memref<1x125xi32, #tpu.memory_space<vmem>>
        %dma_start3A_61 = tpu.memref_squeeze %dma_start3A_60 : memref<1x125xi32, #tpu.memory_space<vmem>> -> memref<125xi32, #tpu.memory_space<vmem>>
        %dma_start3A_62 = arith.constant 0 : i32
        %dma_start3A_63 = tpu.memref_slice %arg7[%dma_start3A_62] : memref<10000xf32, #tpu.memory_space<vmem_shared>> -> memref<10000xf32, #tpu.memory_space<vmem_shared>>
        tpu.enqueue_indirect_dma source(%arg9 : memref<125xf32, #tpu.memory_space<vmem>>) target(%dma_start3A_63 : memref<10000xf32, #tpu.memory_space<vmem_shared>>) offsets(%dma_start3A_61 : memref<125xi32, #tpu.memory_space<vmem>>) semaphore(%arg11 : memref<!tpu.dma_semaphore, #tpu.memory_space<semaphore_mem>>) {add = true}
      } else {
      }
      %dma_wait3A = arith.constant 0 : i32
      %dma_wait3A_37 = tpu.memref_slice %arg8[%add3A_30, %dma_wait3A] : memref<160x125xi32, #tpu.memory_space<vmem>> -> memref<1x125xi32, #tpu.memory_space<vmem>>
      %dma_wait3A_38 = tpu.memref_squeeze %dma_wait3A_37 : memref<1x125xi32, #tpu.memory_space<vmem>> -> memref<125xi32, #tpu.memory_space<vmem>>
      %dma_wait3A_39 = arith.constant 0 : i32
      %dma_wait3A_40 = tpu.memref_slice %arg7[%dma_wait3A_39] : memref<10000xf32, #tpu.memory_space<vmem_shared>> -> memref<10000xf32, #tpu.memory_space<vmem_shared>>
      tpu.wait_indirect_dma semaphore(%arg10 : memref<!tpu.dma_semaphore, #tpu.memory_space<semaphore_mem>>) src(%arg9 : memref<125xf32, #tpu.memory_space<vmem>>) dst(%dma_wait3A_40 : memref<10000xf32, #tpu.memory_space<vmem_shared>>)
      %mul3A_41 = arith.constant 2 : i32
      %mul3A_42 = arith.muli %mul3A_41, %scan3A_28 : i32
      %add3A_43 = arith.constant 1 : i32
      %add3A_44 = arith.addi %mul3A_42, %add3A_43 : i32
      %add3A_45 = arith.constant 1 : i32
      %add3A_46 = arith.addi %add3A_44, %add3A_45 : i32
      %lt3A_47 = arith.constant 160 : i32
      %lt3A_48 = arith.cmpi slt, %add3A_46, %lt3A_47 : i32
      %convert_element_type3A_49 = arith.extui %lt3A_48 : i1 to i32
      %cond3A_50 = arith.constant 0 : i32
      %cond3A_51 = arith.cmpi ne, %convert_element_type3A_49, %cond3A_50 : i32
      scf.if %cond3A_51 {
        %add3A_57 = arith.constant 1 : i32
        %add3A_58 = arith.addi %add3A_44, %add3A_57 : i32
        %dma_start3A_59 = arith.constant 0 : i32
        %dma_start3A_60 = tpu.memref_slice %arg8[%add3A_58, %dma_start3A_59] : memref<160x125xi32, #tpu.memory_space<vmem>> -> memref<1x125xi32, #tpu.memory_space<vmem>>
        %dma_start3A_61 = tpu.memref_squeeze %dma_start3A_60 : memref<1x125xi32, #tpu.memory_space<vmem>> -> memref<125xi32, #tpu.memory_space<vmem>>
        %dma_start3A_62 = arith.constant 0 : i32
        %dma_start3A_63 = tpu.memref_slice %arg7[%dma_start3A_62] : memref<10000xf32, #tpu.memory_space<vmem_shared>> -> memref<10000xf32, #tpu.memory_space<vmem_shared>>
        tpu.enqueue_indirect_dma source(%arg9 : memref<125xf32, #tpu.memory_space<vmem>>) target(%dma_start3A_63 : memref<10000xf32, #tpu.memory_space<vmem_shared>>) offsets(%dma_start3A_61 : memref<125xi32, #tpu.memory_space<vmem>>) semaphore(%arg10 : memref<!tpu.dma_semaphore, #tpu.memory_space<semaphore_mem>>) {add = true}
      } else {
      }
      %dma_wait3A_52 = arith.constant 0 : i32
      %dma_wait3A_53 = tpu.memref_slice %arg8[%add3A_44, %dma_wait3A_52] : memref<160x125xi32, #tpu.memory_space<vmem>> -> memref<1x125xi32, #tpu.memory_space<vmem>>
      %dma_wait3A_54 = tpu.memref_squeeze %dma_wait3A_53 : memref<1x125xi32, #tpu.memory_space<vmem>> -> memref<125xi32, #tpu.memory_space<vmem>>
      %dma_wait3A_55 = arith.constant 0 : i32
      %dma_wait3A_56 = tpu.memref_slice %arg7[%dma_wait3A_55] : memref<10000xf32, #tpu.memory_space<vmem_shared>> -> memref<10000xf32, #tpu.memory_space<vmem_shared>>
      tpu.wait_indirect_dma semaphore(%arg11 : memref<!tpu.dma_semaphore, #tpu.memory_space<semaphore_mem>>) src(%arg9 : memref<125xf32, #tpu.memory_space<vmem>>) dst(%dma_wait3A_56 : memref<10000xf32, #tpu.memory_space<vmem_shared>>)
    }
    %scan3A_11 = arith.constant 80 : i32
    %barrier3A_12 = arith.constant 0 : index
    tpu.barrier barrier_id(%barrier3A_12)
    %eq3A_13 = arith.constant 0 : i32
    %eq3A_14 = arith.cmpi eq, %arg0, %eq3A_13 : i32
    %eq3A_15 = arith.constant 0 : i32
    %eq3A_16 = arith.cmpi eq, %arg1, %eq3A_15 : i32
    %and3A = arith.andi %eq3A_14, %eq3A_16 : i1
    %convert_element_type3A_17 = arith.extui %and3A : i1 to i32
    %cond3A_18 = arith.constant 0 : i32
    %cond3A_19 = arith.cmpi ne, %convert_element_type3A_17, %cond3A_18 : i32
    scf.if %cond3A_19 {
      "tpu.region"() ({
        %run_scoped3A = tpu.sem_alloc : memref<!tpu.dma_semaphore, #tpu.memory_space<semaphore_mem>>
        tpu.enqueue_dma source(%arg7 : memref<10000xf32, #tpu.memory_space<vmem_shared>>) target(%arg5 : memref<10000xf32, #tpu.memory_space<hbm>>) target_semaphore(%run_scoped3A : memref<!tpu.dma_semaphore, #tpu.memory_space<semaphore_mem>>)
        tpu.wait_dma2 semaphore(%run_scoped3A : memref<!tpu.dma_semaphore, #tpu.memory_space<semaphore_mem>>) src(%arg7 : memref<10000xf32, #tpu.memory_space<vmem_shared>>) dst(%arg5 : memref<10000xf32, #tpu.memory_space<hbm>>)
        tpu.yield
      }) : () -> ()
    } else {
    }
    %eq3A_20 = arith.constant 1 : i32
    %eq3A_21 = arith.cmpi eq, %arg0, %eq3A_20 : i32
    %eq3A_22 = arith.constant 0 : i32
    %eq3A_23 = arith.cmpi eq, %arg1, %eq3A_22 : i32
    %and3A_24 = arith.andi %eq3A_21, %eq3A_23 : i1
    %convert_element_type3A_25 = arith.extui %and3A_24 : i1 to i32
    %cond3A_26 = arith.constant 0 : i32
    %cond3A_27 = arith.cmpi ne, %convert_element_type3A_25, %cond3A_26 : i32
    scf.if %cond3A_27 {
      "tpu.region"() ({
        %run_scoped3A = tpu.sem_alloc : memref<!tpu.dma_semaphore, #tpu.memory_space<semaphore_mem>>
        tpu.enqueue_dma source(%arg7 : memref<10000xf32, #tpu.memory_space<vmem_shared>>) target(%arg6 : memref<10000xf32, #tpu.memory_space<hbm>>) target_semaphore(%run_scoped3A : memref<!tpu.dma_semaphore, #tpu.memory_space<semaphore_mem>>)
        tpu.wait_dma2 semaphore(%run_scoped3A : memref<!tpu.dma_semaphore, #tpu.memory_space<semaphore_mem>>) src(%arg7 : memref<10000xf32, #tpu.memory_space<vmem_shared>>) dst(%arg6 : memref<10000xf32, #tpu.memory_space<hbm>>)
        tpu.yield
      }) : () -> ()
    } else {
    }
    return
  }
}

#map = affine_map<(d0, d1) -> (0, 0)>
#map1 = affine_map<(d0, d1) -> (0, 0, 0, 0)>
#map2 = affine_map<(d0, d1) -> (0, 0, 0)>
module attributes {stable_mosaic.version = 14 : i64} {
  func.func @agg_kernel(%arg0: i32, %arg1: i32, %arg2: memref<10000x64xf32, #tpu.memory_space<hbm>>, %arg3: memref<2x16x80x125xi32, #tpu.memory_space<hbm>>, %arg4: memref<2x16x80x125xi32, #tpu.memory_space<hbm>>, %arg5: memref<10000x64xf32, #tpu.memory_space<hbm>>, %arg6: memref<2x10000x64xf32, #tpu.memory_space<hbm>>, %arg7: memref<10000x64xf32, #tpu.memory_space<vmem_shared>>, %arg8: memref<40x125xi32, #tpu.memory_space<vmem>>, %arg9: memref<40x125xi32, #tpu.memory_space<vmem>>, %arg10: memref<125x64xf32, #tpu.memory_space<vmem>>, %arg11: memref<125x64xf32, #tpu.memory_space<vmem>>, %arg12: memref<!tpu.dma_semaphore, #tpu.memory_space<semaphore_mem>>, %arg13: memref<!tpu.dma_semaphore, #tpu.memory_space<semaphore_mem>>, %arg14: memref<!tpu.dma_semaphore, #tpu.memory_space<semaphore_mem>>, %arg15: memref<!tpu.dma_semaphore, #tpu.memory_space<semaphore_mem>>) attributes {dimension_semantics = [#tpu.dimension_semantics<core_parallel>, #tpu.dimension_semantics<subcore_parallel>], iteration_bounds = array<i64: 2, 16>, scalar_prefetch = 0 : i64, scratch_operands = 9 : i64, tpu.core_type = #tpu.core_type<sc_vector_subcore>, window_params = [{transform_indices = #map}, {transform_indices = #map1}, {transform_indices = #map1}, {transform_indices = #map}, {transform_indices = #map2}]} {
    %lt3A = arith.constant 15 : i32
    %lt3A_0 = arith.cmpi slt, %arg1, %lt3A : i32
    %convert_element_type3A = arith.extui %lt3A_0 : i1 to i32
    %cond3A = arith.constant 0 : i32
    %cond3A_1 = arith.cmpi ne, %convert_element_type3A, %cond3A : i32
    scf.if %cond3A_1 {
      %mul3A = arith.constant 624 : i32
      %mul3A_68 = arith.muli %arg1, %mul3A : i32
      %mul3A_69 = arith.constant 624 : i32
      %mul3A_70 = arith.muli %arg1, %mul3A_69 : i32
      "tpu.region"() ({
        %run_scoped3A = tpu.sem_alloc : memref<!tpu.dma_semaphore, #tpu.memory_space<semaphore_mem>>
        %dma_start3A_71 = arith.constant 0 : i32
        %dma_start3A_72 = tpu.memref_slice %arg7[%mul3A_70, %dma_start3A_71] : memref<10000x64xf32, #tpu.memory_space<vmem_shared>> -> memref<624x64xf32, #tpu.memory_space<vmem_shared>>
        %dma_start3A_73 = arith.constant 0 : i32
        %dma_start3A_74 = tpu.memref_slice %arg5[%mul3A_68, %dma_start3A_73] : memref<10000x64xf32, #tpu.memory_space<hbm>> -> memref<624x64xf32, #tpu.memory_space<hbm>>
        tpu.enqueue_dma source(%dma_start3A_74 : memref<624x64xf32, #tpu.memory_space<hbm>>) target(%dma_start3A_72 : memref<624x64xf32, #tpu.memory_space<vmem_shared>>) target_semaphore(%run_scoped3A : memref<!tpu.dma_semaphore, #tpu.memory_space<semaphore_mem>>)
        %dma_wait3A_75 = arith.constant 0 : i32
        %dma_wait3A_76 = tpu.memref_slice %arg7[%mul3A_70, %dma_wait3A_75] : memref<10000x64xf32, #tpu.memory_space<vmem_shared>> -> memref<624x64xf32, #tpu.memory_space<vmem_shared>>
        %dma_wait3A_77 = arith.constant 0 : i32
        %dma_wait3A_78 = tpu.memref_slice %arg5[%mul3A_68, %dma_wait3A_77] : memref<10000x64xf32, #tpu.memory_space<hbm>> -> memref<624x64xf32, #tpu.memory_space<hbm>>
        tpu.wait_dma2 semaphore(%run_scoped3A : memref<!tpu.dma_semaphore, #tpu.memory_space<semaphore_mem>>) src(%dma_wait3A_78 : memref<624x64xf32, #tpu.memory_space<hbm>>) dst(%dma_wait3A_76 : memref<624x64xf32, #tpu.memory_space<vmem_shared>>)
        tpu.yield
      }) : () -> ()
    } else {
    }
    %eq3A = arith.constant 15 : i32
    %eq3A_2 = arith.cmpi eq, %arg1, %eq3A : i32
    %convert_element_type3A_3 = arith.extui %eq3A_2 : i1 to i32
    %cond3A_4 = arith.constant 0 : i32
    %cond3A_5 = arith.cmpi ne, %convert_element_type3A_3, %cond3A_4 : i32
    scf.if %cond3A_5 {
      "tpu.region"() ({
        %run_scoped3A = tpu.sem_alloc : memref<!tpu.dma_semaphore, #tpu.memory_space<semaphore_mem>>
        %dma_start3A_68 = arith.constant 9360 : i32
        %dma_start3A_69 = arith.constant 0 : i32
        %dma_start3A_70 = tpu.memref_slice %arg7[%dma_start3A_68, %dma_start3A_69] : memref<10000x64xf32, #tpu.memory_space<vmem_shared>> -> memref<640x64xf32, #tpu.memory_space<vmem_shared>>
        %dma_start3A_71 = arith.constant 9360 : i32
        %dma_start3A_72 = arith.constant 0 : i32
        %dma_start3A_73 = tpu.memref_slice %arg5[%dma_start3A_71, %dma_start3A_72] : memref<10000x64xf32, #tpu.memory_space<hbm>> -> memref<640x64xf32, #tpu.memory_space<hbm>>
        tpu.enqueue_dma source(%dma_start3A_73 : memref<640x64xf32, #tpu.memory_space<hbm>>) target(%dma_start3A_70 : memref<640x64xf32, #tpu.memory_space<vmem_shared>>) target_semaphore(%run_scoped3A : memref<!tpu.dma_semaphore, #tpu.memory_space<semaphore_mem>>)
        %dma_wait3A_74 = arith.constant 9360 : i32
        %dma_wait3A_75 = arith.constant 0 : i32
        %dma_wait3A_76 = tpu.memref_slice %arg7[%dma_wait3A_74, %dma_wait3A_75] : memref<10000x64xf32, #tpu.memory_space<vmem_shared>> -> memref<640x64xf32, #tpu.memory_space<vmem_shared>>
        %dma_wait3A_77 = arith.constant 9360 : i32
        %dma_wait3A_78 = arith.constant 0 : i32
        %dma_wait3A_79 = tpu.memref_slice %arg5[%dma_wait3A_77, %dma_wait3A_78] : memref<10000x64xf32, #tpu.memory_space<hbm>> -> memref<640x64xf32, #tpu.memory_space<hbm>>
        tpu.wait_dma2 semaphore(%run_scoped3A : memref<!tpu.dma_semaphore, #tpu.memory_space<semaphore_mem>>) src(%dma_wait3A_79 : memref<640x64xf32, #tpu.memory_space<hbm>>) dst(%dma_wait3A_76 : memref<640x64xf32, #tpu.memory_space<vmem_shared>>)
        tpu.yield
      }) : () -> ()
    } else {
    }
    %barrier3A = arith.constant 0 : index
    tpu.barrier barrier_id(%barrier3A)
    "tpu.region"() ({
      %run_scoped3A = tpu.sem_alloc : memref<!tpu.dma_semaphore, #tpu.memory_space<semaphore_mem>>
      %dma_start3A_68 = arith.constant 0 : i32
      %dma_start3A_69 = arith.constant 0 : i32
      %dma_start3A_70 = tpu.memref_slice %arg3[%arg0, %arg1, %dma_start3A_68, %dma_start3A_69] : memref<2x16x80x125xi32, #tpu.memory_space<hbm>> -> memref<1x1x40x125xi32, #tpu.memory_space<hbm>>
      %dma_start3A_71 = tpu.memref_squeeze %dma_start3A_70 : memref<1x1x40x125xi32, #tpu.memory_space<hbm>> -> memref<40x125xi32, #tpu.memory_space<hbm>>
      %dma_start3A_72 = arith.constant 0 : i32
      %dma_start3A_73 = arith.constant 0 : i32
      %dma_start3A_74 = tpu.memref_slice %arg3[%arg0, %arg1, %dma_start3A_72, %dma_start3A_73] : memref<2x16x80x125xi32, #tpu.memory_space<hbm>> -> memref<1x1x40x125xi32, #tpu.memory_space<hbm>>
      %dma_start3A_75 = tpu.memref_squeeze %dma_start3A_74 : memref<1x1x40x125xi32, #tpu.memory_space<hbm>> -> memref<40x125xi32, #tpu.memory_space<hbm>>
      tpu.enqueue_dma source(%dma_start3A_75 : memref<40x125xi32, #tpu.memory_space<hbm>>) target(%arg8 : memref<40x125xi32, #tpu.memory_space<vmem>>) target_semaphore(%run_scoped3A : memref<!tpu.dma_semaphore, #tpu.memory_space<semaphore_mem>>)
      %dma_wait3A_76 = arith.constant 0 : i32
      %dma_wait3A_77 = arith.constant 0 : i32
      %dma_wait3A_78 = tpu.memref_slice %arg3[%arg0, %arg1, %dma_wait3A_76, %dma_wait3A_77] : memref<2x16x80x125xi32, #tpu.memory_space<hbm>> -> memref<1x1x40x125xi32, #tpu.memory_space<hbm>>
      %dma_wait3A_79 = tpu.memref_squeeze %dma_wait3A_78 : memref<1x1x40x125xi32, #tpu.memory_space<hbm>> -> memref<40x125xi32, #tpu.memory_space<hbm>>
      %dma_wait3A_80 = arith.constant 0 : i32
      %dma_wait3A_81 = arith.constant 0 : i32
      %dma_wait3A_82 = tpu.memref_slice %arg3[%arg0, %arg1, %dma_wait3A_80, %dma_wait3A_81] : memref<2x16x80x125xi32, #tpu.memory_space<hbm>> -> memref<1x1x40x125xi32, #tpu.memory_space<hbm>>
      %dma_wait3A_83 = tpu.memref_squeeze %dma_wait3A_82 : memref<1x1x40x125xi32, #tpu.memory_space<hbm>> -> memref<40x125xi32, #tpu.memory_space<hbm>>
      tpu.wait_dma2 semaphore(%run_scoped3A : memref<!tpu.dma_semaphore, #tpu.memory_space<semaphore_mem>>) src(%dma_wait3A_83 : memref<40x125xi32, #tpu.memory_space<hbm>>) dst(%arg8 : memref<40x125xi32, #tpu.memory_space<vmem>>)
      tpu.yield
    }) : () -> ()
    "tpu.region"() ({
      %run_scoped3A = tpu.sem_alloc : memref<!tpu.dma_semaphore, #tpu.memory_space<semaphore_mem>>
      %dma_start3A_68 = arith.constant 0 : i32
      %dma_start3A_69 = arith.constant 0 : i32
      %dma_start3A_70 = tpu.memref_slice %arg4[%arg0, %arg1, %dma_start3A_68, %dma_start3A_69] : memref<2x16x80x125xi32, #tpu.memory_space<hbm>> -> memref<1x1x40x125xi32, #tpu.memory_space<hbm>>
      %dma_start3A_71 = tpu.memref_squeeze %dma_start3A_70 : memref<1x1x40x125xi32, #tpu.memory_space<hbm>> -> memref<40x125xi32, #tpu.memory_space<hbm>>
      %dma_start3A_72 = arith.constant 0 : i32
      %dma_start3A_73 = arith.constant 0 : i32
      %dma_start3A_74 = tpu.memref_slice %arg4[%arg0, %arg1, %dma_start3A_72, %dma_start3A_73] : memref<2x16x80x125xi32, #tpu.memory_space<hbm>> -> memref<1x1x40x125xi32, #tpu.memory_space<hbm>>
      %dma_start3A_75 = tpu.memref_squeeze %dma_start3A_74 : memref<1x1x40x125xi32, #tpu.memory_space<hbm>> -> memref<40x125xi32, #tpu.memory_space<hbm>>
      tpu.enqueue_dma source(%dma_start3A_75 : memref<40x125xi32, #tpu.memory_space<hbm>>) target(%arg9 : memref<40x125xi32, #tpu.memory_space<vmem>>) target_semaphore(%run_scoped3A : memref<!tpu.dma_semaphore, #tpu.memory_space<semaphore_mem>>)
      %dma_wait3A_76 = arith.constant 0 : i32
      %dma_wait3A_77 = arith.constant 0 : i32
      %dma_wait3A_78 = tpu.memref_slice %arg4[%arg0, %arg1, %dma_wait3A_76, %dma_wait3A_77] : memref<2x16x80x125xi32, #tpu.memory_space<hbm>> -> memref<1x1x40x125xi32, #tpu.memory_space<hbm>>
      %dma_wait3A_79 = tpu.memref_squeeze %dma_wait3A_78 : memref<1x1x40x125xi32, #tpu.memory_space<hbm>> -> memref<40x125xi32, #tpu.memory_space<hbm>>
      %dma_wait3A_80 = arith.constant 0 : i32
      %dma_wait3A_81 = arith.constant 0 : i32
      %dma_wait3A_82 = tpu.memref_slice %arg4[%arg0, %arg1, %dma_wait3A_80, %dma_wait3A_81] : memref<2x16x80x125xi32, #tpu.memory_space<hbm>> -> memref<1x1x40x125xi32, #tpu.memory_space<hbm>>
      %dma_wait3A_83 = tpu.memref_squeeze %dma_wait3A_82 : memref<1x1x40x125xi32, #tpu.memory_space<hbm>> -> memref<40x125xi32, #tpu.memory_space<hbm>>
      tpu.wait_dma2 semaphore(%run_scoped3A : memref<!tpu.dma_semaphore, #tpu.memory_space<semaphore_mem>>) src(%dma_wait3A_83 : memref<40x125xi32, #tpu.memory_space<hbm>>) dst(%arg9 : memref<40x125xi32, #tpu.memory_space<vmem>>)
      tpu.yield
    }) : () -> ()
    %dma_start3A = arith.constant 0 : i32
    %dma_start3A_6 = arith.constant 0 : i32
    %dma_start3A_7 = tpu.memref_slice %arg8[%dma_start3A, %dma_start3A_6] : memref<40x125xi32, #tpu.memory_space<vmem>> -> memref<1x125xi32, #tpu.memory_space<vmem>>
    %dma_start3A_8 = tpu.memref_squeeze %dma_start3A_7 : memref<1x125xi32, #tpu.memory_space<vmem>> -> memref<125xi32, #tpu.memory_space<vmem>>
    %dma_start3A_9 = arith.constant 0 : i32
    %dma_start3A_10 = arith.constant 0 : i32
    %dma_start3A_11 = tpu.memref_slice %arg2[%dma_start3A_9, %dma_start3A_10] : memref<10000x64xf32, #tpu.memory_space<hbm>> -> memref<10000x64xf32, #tpu.memory_space<hbm>>
    tpu.enqueue_indirect_dma source(%dma_start3A_11 : memref<10000x64xf32, #tpu.memory_space<hbm>>) target(%arg10 : memref<125x64xf32, #tpu.memory_space<vmem>>) offsets(%dma_start3A_8 : memref<125xi32, #tpu.memory_space<vmem>>) semaphore(%arg12 : memref<!tpu.dma_semaphore, #tpu.memory_space<semaphore_mem>>)
    %scan3A = arith.constant 0 : i32
    %scan3A_12 = arith.constant 0 : i32
    %scan3A_13 = arith.constant 20 : i32
    %scan3A_14 = arith.addi %scan3A_12, %scan3A_13 : i32
    %scan3A_15 = arith.constant 1 : i32
    scf.for %scan3A_68 = %scan3A_12 to %scan3A_14 step %scan3A_15  : i32 {
      %mul3A = arith.constant 2 : i32
      %mul3A_69 = arith.muli %mul3A, %scan3A_68 : i32
      %add3A = arith.constant 0 : i32
      %add3A_70 = arith.addi %mul3A_69, %add3A : i32
      %add3A_71 = arith.constant 1 : i32
      %add3A_72 = arith.addi %add3A_70, %add3A_71 : i32
      %lt3A_73 = arith.constant 40 : i32
      %lt3A_74 = arith.cmpi slt, %add3A_72, %lt3A_73 : i32
      %ge3A = arith.constant 1 : i32
      %ge3A_75 = arith.cmpi sge, %add3A_70, %ge3A : i32
      %and3A = arith.andi %lt3A_74, %ge3A_75 : i1
      %convert_element_type3A_76 = arith.extui %and3A : i1 to i32
      %cond3A_77 = arith.constant 0 : i32
      %cond3A_78 = arith.cmpi ne, %convert_element_type3A_76, %cond3A_77 : i32
      scf.if %cond3A_78 {
        %sub3A = arith.constant 1 : i32
        %sub3A_131 = arith.subi %add3A_70, %sub3A : i32
        %dma_wait3A_132 = arith.constant 0 : i32
        %dma_wait3A_133 = tpu.memref_slice %arg9[%sub3A_131, %dma_wait3A_132] : memref<40x125xi32, #tpu.memory_space<vmem>> -> memref<1x125xi32, #tpu.memory_space<vmem>>
        %dma_wait3A_134 = tpu.memref_squeeze %dma_wait3A_133 : memref<1x125xi32, #tpu.memory_space<vmem>> -> memref<125xi32, #tpu.memory_space<vmem>>
        %dma_wait3A_135 = arith.constant 0 : i32
        %dma_wait3A_136 = arith.constant 0 : i32
        %dma_wait3A_137 = tpu.memref_slice %arg7[%dma_wait3A_135, %dma_wait3A_136] : memref<10000x64xf32, #tpu.memory_space<vmem_shared>> -> memref<10000x64xf32, #tpu.memory_space<vmem_shared>>
        tpu.wait_indirect_dma semaphore(%arg15 : memref<!tpu.dma_semaphore, #tpu.memory_space<semaphore_mem>>) src(%arg11 : memref<125x64xf32, #tpu.memory_space<vmem>>) dst(%dma_wait3A_137 : memref<10000x64xf32, #tpu.memory_space<vmem_shared>>)
      } else {
      }
      %add3A_79 = arith.constant 1 : i32
      %add3A_80 = arith.addi %add3A_70, %add3A_79 : i32
      %lt3A_81 = arith.constant 40 : i32
      %lt3A_82 = arith.cmpi slt, %add3A_80, %lt3A_81 : i32
      %convert_element_type3A_83 = arith.extui %lt3A_82 : i1 to i32
      %cond3A_84 = arith.constant 0 : i32
      %cond3A_85 = arith.cmpi ne, %convert_element_type3A_83, %cond3A_84 : i32
      scf.if %cond3A_85 {
        %add3A_131 = arith.constant 1 : i32
        %add3A_132 = arith.addi %add3A_70, %add3A_131 : i32
        %dma_start3A_133 = arith.constant 0 : i32
        %dma_start3A_134 = tpu.memref_slice %arg8[%add3A_132, %dma_start3A_133] : memref<40x125xi32, #tpu.memory_space<vmem>> -> memref<1x125xi32, #tpu.memory_space<vmem>>
        %dma_start3A_135 = tpu.memref_squeeze %dma_start3A_134 : memref<1x125xi32, #tpu.memory_space<vmem>> -> memref<125xi32, #tpu.memory_space<vmem>>
        %dma_start3A_136 = arith.constant 0 : i32
        %dma_start3A_137 = arith.constant 0 : i32
        %dma_start3A_138 = tpu.memref_slice %arg2[%dma_start3A_136, %dma_start3A_137] : memref<10000x64xf32, #tpu.memory_space<hbm>> -> memref<10000x64xf32, #tpu.memory_space<hbm>>
        tpu.enqueue_indirect_dma source(%dma_start3A_138 : memref<10000x64xf32, #tpu.memory_space<hbm>>) target(%arg11 : memref<125x64xf32, #tpu.memory_space<vmem>>) offsets(%dma_start3A_135 : memref<125xi32, #tpu.memory_space<vmem>>) semaphore(%arg13 : memref<!tpu.dma_semaphore, #tpu.memory_space<semaphore_mem>>)
      } else {
      }
      %dma_wait3A_86 = arith.constant 0 : i32
      %dma_wait3A_87 = tpu.memref_slice %arg8[%add3A_70, %dma_wait3A_86] : memref<40x125xi32, #tpu.memory_space<vmem>> -> memref<1x125xi32, #tpu.memory_space<vmem>>
      %dma_wait3A_88 = tpu.memref_squeeze %dma_wait3A_87 : memref<1x125xi32, #tpu.memory_space<vmem>> -> memref<125xi32, #tpu.memory_space<vmem>>
      %dma_wait3A_89 = arith.constant 0 : i32
      %dma_wait3A_90 = arith.constant 0 : i32
      %dma_wait3A_91 = tpu.memref_slice %arg2[%dma_wait3A_89, %dma_wait3A_90] : memref<10000x64xf32, #tpu.memory_space<hbm>> -> memref<10000x64xf32, #tpu.memory_space<hbm>>
      tpu.wait_indirect_dma semaphore(%arg12 : memref<!tpu.dma_semaphore, #tpu.memory_space<semaphore_mem>>) src(%dma_wait3A_91 : memref<10000x64xf32, #tpu.memory_space<hbm>>) dst(%arg10 : memref<125x64xf32, #tpu.memory_space<vmem>>)
      %dma_start3A_92 = arith.constant 0 : i32
      %dma_start3A_93 = tpu.memref_slice %arg9[%add3A_70, %dma_start3A_92] : memref<40x125xi32, #tpu.memory_space<vmem>> -> memref<1x125xi32, #tpu.memory_space<vmem>>
      %dma_start3A_94 = tpu.memref_squeeze %dma_start3A_93 : memref<1x125xi32, #tpu.memory_space<vmem>> -> memref<125xi32, #tpu.memory_space<vmem>>
      %dma_start3A_95 = arith.constant 0 : i32
      %dma_start3A_96 = arith.constant 0 : i32
      %dma_start3A_97 = tpu.memref_slice %arg7[%dma_start3A_95, %dma_start3A_96] : memref<10000x64xf32, #tpu.memory_space<vmem_shared>> -> memref<10000x64xf32, #tpu.memory_space<vmem_shared>>
      tpu.enqueue_indirect_dma source(%arg10 : memref<125x64xf32, #tpu.memory_space<vmem>>) target(%dma_start3A_97 : memref<10000x64xf32, #tpu.memory_space<vmem_shared>>) offsets(%dma_start3A_94 : memref<125xi32, #tpu.memory_space<vmem>>) semaphore(%arg14 : memref<!tpu.dma_semaphore, #tpu.memory_space<semaphore_mem>>) {add = true}
      %mul3A_98 = arith.constant 2 : i32
      %mul3A_99 = arith.muli %mul3A_98, %scan3A_68 : i32
      %add3A_100 = arith.constant 1 : i32
      %add3A_101 = arith.addi %mul3A_99, %add3A_100 : i32
      %add3A_102 = arith.constant 1 : i32
      %add3A_103 = arith.addi %add3A_101, %add3A_102 : i32
      %lt3A_104 = arith.constant 40 : i32
      %lt3A_105 = arith.cmpi slt, %add3A_103, %lt3A_104 : i32
      %ge3A_106 = arith.constant 1 : i32
      %ge3A_107 = arith.cmpi sge, %add3A_101, %ge3A_106 : i32
      %and3A_108 = arith.andi %lt3A_105, %ge3A_107 : i1
      %convert_element_type3A_109 = arith.extui %and3A_108 : i1 to i32
      %cond3A_110 = arith.constant 0 : i32
      %cond3A_111 = arith.cmpi ne, %convert_element_type3A_109, %cond3A_110 : i32
      scf.if %cond3A_111 {
        %sub3A = arith.constant 1 : i32
        %sub3A_131 = arith.subi %add3A_101, %sub3A : i32
        %dma_wait3A_132 = arith.constant 0 : i32
        %dma_wait3A_133 = tpu.memref_slice %arg9[%sub3A_131, %dma_wait3A_132] : memref<40x125xi32, #tpu.memory_space<vmem>> -> memref<1x125xi32, #tpu.memory_space<vmem>>
        %dma_wait3A_134 = tpu.memref_squeeze %dma_wait3A_133 : memref<1x125xi32, #tpu.memory_space<vmem>> -> memref<125xi32, #tpu.memory_space<vmem>>
        %dma_wait3A_135 = arith.constant 0 : i32
        %dma_wait3A_136 = arith.constant 0 : i32
        %dma_wait3A_137 = tpu.memref_slice %arg7[%dma_wait3A_135, %dma_wait3A_136] : memref<10000x64xf32, #tpu.memory_space<vmem_shared>> -> memref<10000x64xf32, #tpu.memory_space<vmem_shared>>
        tpu.wait_indirect_dma semaphore(%arg14 : memref<!tpu.dma_semaphore, #tpu.memory_space<semaphore_mem>>) src(%arg10 : memref<125x64xf32, #tpu.memory_space<vmem>>) dst(%dma_wait3A_137 : memref<10000x64xf32, #tpu.memory_space<vmem_shared>>)
      } else {
      }
      %add3A_112 = arith.constant 1 : i32
      %add3A_113 = arith.addi %add3A_101, %add3A_112 : i32
      %lt3A_114 = arith.constant 40 : i32
      %lt3A_115 = arith.cmpi slt, %add3A_113, %lt3A_114 : i32
      %convert_element_type3A_116 = arith.extui %lt3A_115 : i1 to i32
      %cond3A_117 = arith.constant 0 : i32
      %cond3A_118 = arith.cmpi ne, %convert_element_type3A_116, %cond3A_117 : i32
      scf.if %cond3A_118 {
        %add3A_131 = arith.constant 1 : i32
        %add3A_132 = arith.addi %add3A_101, %add3A_131 : i32
        %dma_start3A_133 = arith.constant 0 : i32
        %dma_start3A_134 = tpu.memref_slice %arg8[%add3A_132, %dma_start3A_133] : memref<40x125xi32, #tpu.memory_space<vmem>> -> memref<1x125xi32, #tpu.memory_space<vmem>>
        %dma_start3A_135 = tpu.memref_squeeze %dma_start3A_134 : memref<1x125xi32, #tpu.memory_space<vmem>> -> memref<125xi32, #tpu.memory_space<vmem>>
        %dma_start3A_136 = arith.constant 0 : i32
        %dma_start3A_137 = arith.constant 0 : i32
        %dma_start3A_138 = tpu.memref_slice %arg2[%dma_start3A_136, %dma_start3A_137] : memref<10000x64xf32, #tpu.memory_space<hbm>> -> memref<10000x64xf32, #tpu.memory_space<hbm>>
        tpu.enqueue_indirect_dma source(%dma_start3A_138 : memref<10000x64xf32, #tpu.memory_space<hbm>>) target(%arg10 : memref<125x64xf32, #tpu.memory_space<vmem>>) offsets(%dma_start3A_135 : memref<125xi32, #tpu.memory_space<vmem>>) semaphore(%arg12 : memref<!tpu.dma_semaphore, #tpu.memory_space<semaphore_mem>>)
      } else {
      }
      %dma_wait3A_119 = arith.constant 0 : i32
      %dma_wait3A_120 = tpu.memref_slice %arg8[%add3A_101, %dma_wait3A_119] : memref<40x125xi32, #tpu.memory_space<vmem>> -> memref<1x125xi32, #tpu.memory_space<vmem>>
      %dma_wait3A_121 = tpu.memref_squeeze %dma_wait3A_120 : memref<1x125xi32, #tpu.memory_space<vmem>> -> memref<125xi32, #tpu.memory_space<vmem>>
      %dma_wait3A_122 = arith.constant 0 : i32
      %dma_wait3A_123 = arith.constant 0 : i32
      %dma_wait3A_124 = tpu.memref_slice %arg2[%dma_wait3A_122, %dma_wait3A_123] : memref<10000x64xf32, #tpu.memory_space<hbm>> -> memref<10000x64xf32, #tpu.memory_space<hbm>>
      tpu.wait_indirect_dma semaphore(%arg13 : memref<!tpu.dma_semaphore, #tpu.memory_space<semaphore_mem>>) src(%dma_wait3A_124 : memref<10000x64xf32, #tpu.memory_space<hbm>>) dst(%arg11 : memref<125x64xf32, #tpu.memory_space<vmem>>)
      %dma_start3A_125 = arith.constant 0 : i32
      %dma_start3A_126 = tpu.memref_slice %arg9[%add3A_101, %dma_start3A_125] : memref<40x125xi32, #tpu.memory_space<vmem>> -> memref<1x125xi32, #tpu.memory_space<vmem>>
      %dma_start3A_127 = tpu.memref_squeeze %dma_start3A_126 : memref<1x125xi32, #tpu.memory_space<vmem>> -> memref<125xi32, #tpu.memory_space<vmem>>
      %dma_start3A_128 = arith.constant 0 : i32
      %dma_start3A_129 = arith.constant 0 : i32
      %dma_start3A_130 = tpu.memref_slice %arg7[%dma_start3A_128, %dma_start3A_129] : memref<10000x64xf32, #tpu.memory_space<vmem_shared>> -> memref<10000x64xf32, #tpu.memory_space<vmem_shared>>
      tpu.enqueue_indirect_dma source(%arg11 : memref<125x64xf32, #tpu.memory_space<vmem>>) target(%dma_start3A_130 : memref<10000x64xf32, #tpu.memory_space<vmem_shared>>) offsets(%dma_start3A_127 : memref<125xi32, #tpu.memory_space<vmem>>) semaphore(%arg15 : memref<!tpu.dma_semaphore, #tpu.memory_space<semaphore_mem>>) {add = true}
    }
    %scan3A_16 = arith.constant 20 : i32
    %dma_wait3A = arith.constant 38 : i32
    %dma_wait3A_17 = arith.constant 0 : i32
    %dma_wait3A_18 = tpu.memref_slice %arg9[%dma_wait3A, %dma_wait3A_17] : memref<40x125xi32, #tpu.memory_space<vmem>> -> memref<1x125xi32, #tpu.memory_space<vmem>>
    %dma_wait3A_19 = tpu.memref_squeeze %dma_wait3A_18 : memref<1x125xi32, #tpu.memory_space<vmem>> -> memref<125xi32, #tpu.memory_space<vmem>>
    %dma_wait3A_20 = arith.constant 0 : i32
    %dma_wait3A_21 = arith.constant 0 : i32
    %dma_wait3A_22 = tpu.memref_slice %arg7[%dma_wait3A_20, %dma_wait3A_21] : memref<10000x64xf32, #tpu.memory_space<vmem_shared>> -> memref<10000x64xf32, #tpu.memory_space<vmem_shared>>
    tpu.wait_indirect_dma semaphore(%arg14 : memref<!tpu.dma_semaphore, #tpu.memory_space<semaphore_mem>>) src(%arg10 : memref<125x64xf32, #tpu.memory_space<vmem>>) dst(%dma_wait3A_22 : memref<10000x64xf32, #tpu.memory_space<vmem_shared>>)
    %dma_wait3A_23 = arith.constant 39 : i32
    %dma_wait3A_24 = arith.constant 0 : i32
    %dma_wait3A_25 = tpu.memref_slice %arg9[%dma_wait3A_23, %dma_wait3A_24] : memref<40x125xi32, #tpu.memory_space<vmem>> -> memref<1x125xi32, #tpu.memory_space<vmem>>
    %dma_wait3A_26 = tpu.memref_squeeze %dma_wait3A_25 : memref<1x125xi32, #tpu.memory_space<vmem>> -> memref<125xi32, #tpu.memory_space<vmem>>
    %dma_wait3A_27 = arith.constant 0 : i32
    %dma_wait3A_28 = arith.constant 0 : i32
    %dma_wait3A_29 = tpu.memref_slice %arg7[%dma_wait3A_27, %dma_wait3A_28] : memref<10000x64xf32, #tpu.memory_space<vmem_shared>> -> memref<10000x64xf32, #tpu.memory_space<vmem_shared>>
    tpu.wait_indirect_dma semaphore(%arg15 : memref<!tpu.dma_semaphore, #tpu.memory_space<semaphore_mem>>) src(%arg11 : memref<125x64xf32, #tpu.memory_space<vmem>>) dst(%dma_wait3A_29 : memref<10000x64xf32, #tpu.memory_space<vmem_shared>>)
    "tpu.region"() ({
      %run_scoped3A = tpu.sem_alloc : memref<!tpu.dma_semaphore, #tpu.memory_space<semaphore_mem>>
      %dma_start3A_68 = arith.constant 40 : i32
      %dma_start3A_69 = arith.constant 0 : i32
      %dma_start3A_70 = tpu.memref_slice %arg3[%arg0, %arg1, %dma_start3A_68, %dma_start3A_69] : memref<2x16x80x125xi32, #tpu.memory_space<hbm>> -> memref<1x1x40x125xi32, #tpu.memory_space<hbm>>
      %dma_start3A_71 = tpu.memref_squeeze %dma_start3A_70 : memref<1x1x40x125xi32, #tpu.memory_space<hbm>> -> memref<40x125xi32, #tpu.memory_space<hbm>>
      %dma_start3A_72 = arith.constant 40 : i32
      %dma_start3A_73 = arith.constant 0 : i32
      %dma_start3A_74 = tpu.memref_slice %arg3[%arg0, %arg1, %dma_start3A_72, %dma_start3A_73] : memref<2x16x80x125xi32, #tpu.memory_space<hbm>> -> memref<1x1x40x125xi32, #tpu.memory_space<hbm>>
      %dma_start3A_75 = tpu.memref_squeeze %dma_start3A_74 : memref<1x1x40x125xi32, #tpu.memory_space<hbm>> -> memref<40x125xi32, #tpu.memory_space<hbm>>
      tpu.enqueue_dma source(%dma_start3A_75 : memref<40x125xi32, #tpu.memory_space<hbm>>) target(%arg8 : memref<40x125xi32, #tpu.memory_space<vmem>>) target_semaphore(%run_scoped3A : memref<!tpu.dma_semaphore, #tpu.memory_space<semaphore_mem>>)
      %dma_wait3A_76 = arith.constant 40 : i32
      %dma_wait3A_77 = arith.constant 0 : i32
      %dma_wait3A_78 = tpu.memref_slice %arg3[%arg0, %arg1, %dma_wait3A_76, %dma_wait3A_77] : memref<2x16x80x125xi32, #tpu.memory_space<hbm>> -> memref<1x1x40x125xi32, #tpu.memory_space<hbm>>
      %dma_wait3A_79 = tpu.memref_squeeze %dma_wait3A_78 : memref<1x1x40x125xi32, #tpu.memory_space<hbm>> -> memref<40x125xi32, #tpu.memory_space<hbm>>
      %dma_wait3A_80 = arith.constant 40 : i32
      %dma_wait3A_81 = arith.constant 0 : i32
      %dma_wait3A_82 = tpu.memref_slice %arg3[%arg0, %arg1, %dma_wait3A_80, %dma_wait3A_81] : memref<2x16x80x125xi32, #tpu.memory_space<hbm>> -> memref<1x1x40x125xi32, #tpu.memory_space<hbm>>
      %dma_wait3A_83 = tpu.memref_squeeze %dma_wait3A_82 : memref<1x1x40x125xi32, #tpu.memory_space<hbm>> -> memref<40x125xi32, #tpu.memory_space<hbm>>
      tpu.wait_dma2 semaphore(%run_scoped3A : memref<!tpu.dma_semaphore, #tpu.memory_space<semaphore_mem>>) src(%dma_wait3A_83 : memref<40x125xi32, #tpu.memory_space<hbm>>) dst(%arg8 : memref<40x125xi32, #tpu.memory_space<vmem>>)
      tpu.yield
    }) : () -> ()
    "tpu.region"() ({
      %run_scoped3A = tpu.sem_alloc : memref<!tpu.dma_semaphore, #tpu.memory_space<semaphore_mem>>
      %dma_start3A_68 = arith.constant 40 : i32
      %dma_start3A_69 = arith.constant 0 : i32
      %dma_start3A_70 = tpu.memref_slice %arg4[%arg0, %arg1, %dma_start3A_68, %dma_start3A_69] : memref<2x16x80x125xi32, #tpu.memory_space<hbm>> -> memref<1x1x40x125xi32, #tpu.memory_space<hbm>>
      %dma_start3A_71 = tpu.memref_squeeze %dma_start3A_70 : memref<1x1x40x125xi32, #tpu.memory_space<hbm>> -> memref<40x125xi32, #tpu.memory_space<hbm>>
      %dma_start3A_72 = arith.constant 40 : i32
      %dma_start3A_73 = arith.constant 0 : i32
      %dma_start3A_74 = tpu.memref_slice %arg4[%arg0, %arg1, %dma_start3A_72, %dma_start3A_73] : memref<2x16x80x125xi32, #tpu.memory_space<hbm>> -> memref<1x1x40x125xi32, #tpu.memory_space<hbm>>
      %dma_start3A_75 = tpu.memref_squeeze %dma_start3A_74 : memref<1x1x40x125xi32, #tpu.memory_space<hbm>> -> memref<40x125xi32, #tpu.memory_space<hbm>>
      tpu.enqueue_dma source(%dma_start3A_75 : memref<40x125xi32, #tpu.memory_space<hbm>>) target(%arg9 : memref<40x125xi32, #tpu.memory_space<vmem>>) target_semaphore(%run_scoped3A : memref<!tpu.dma_semaphore, #tpu.memory_space<semaphore_mem>>)
      %dma_wait3A_76 = arith.constant 40 : i32
      %dma_wait3A_77 = arith.constant 0 : i32
      %dma_wait3A_78 = tpu.memref_slice %arg4[%arg0, %arg1, %dma_wait3A_76, %dma_wait3A_77] : memref<2x16x80x125xi32, #tpu.memory_space<hbm>> -> memref<1x1x40x125xi32, #tpu.memory_space<hbm>>
      %dma_wait3A_79 = tpu.memref_squeeze %dma_wait3A_78 : memref<1x1x40x125xi32, #tpu.memory_space<hbm>> -> memref<40x125xi32, #tpu.memory_space<hbm>>
      %dma_wait3A_80 = arith.constant 40 : i32
      %dma_wait3A_81 = arith.constant 0 : i32
      %dma_wait3A_82 = tpu.memref_slice %arg4[%arg0, %arg1, %dma_wait3A_80, %dma_wait3A_81] : memref<2x16x80x125xi32, #tpu.memory_space<hbm>> -> memref<1x1x40x125xi32, #tpu.memory_space<hbm>>
      %dma_wait3A_83 = tpu.memref_squeeze %dma_wait3A_82 : memref<1x1x40x125xi32, #tpu.memory_space<hbm>> -> memref<40x125xi32, #tpu.memory_space<hbm>>
      tpu.wait_dma2 semaphore(%run_scoped3A : memref<!tpu.dma_semaphore, #tpu.memory_space<semaphore_mem>>) src(%dma_wait3A_83 : memref<40x125xi32, #tpu.memory_space<hbm>>) dst(%arg9 : memref<40x125xi32, #tpu.memory_space<vmem>>)
      tpu.yield
    }) : () -> ()
    %dma_start3A_30 = arith.constant 0 : i32
    %dma_start3A_31 = arith.constant 0 : i32
    %dma_start3A_32 = tpu.memref_slice %arg8[%dma_start3A_30, %dma_start3A_31] : memref<40x125xi32, #tpu.memory_space<vmem>> -> memref<1x125xi32, #tpu.memory_space<vmem>>
    %dma_start3A_33 = tpu.memref_squeeze %dma_start3A_32 : memref<1x125xi32, #tpu.memory_space<vmem>> -> memref<125xi32, #tpu.memory_space<vmem>>
    %dma_start3A_34 = arith.constant 0 : i32
    %dma_start3A_35 = arith.constant 0 : i32
    %dma_start3A_36 = tpu.memref_slice %arg2[%dma_start3A_34, %dma_start3A_35] : memref<10000x64xf32, #tpu.memory_space<hbm>> -> memref<10000x64xf32, #tpu.memory_space<hbm>>
    tpu.enqueue_indirect_dma source(%dma_start3A_36 : memref<10000x64xf32, #tpu.memory_space<hbm>>) target(%arg10 : memref<125x64xf32, #tpu.memory_space<vmem>>) offsets(%dma_start3A_33 : memref<125xi32, #tpu.memory_space<vmem>>) semaphore(%arg12 : memref<!tpu.dma_semaphore, #tpu.memory_space<semaphore_mem>>)
    %scan3A_37 = arith.constant 0 : i32
    %scan3A_38 = arith.constant 0 : i32
    %scan3A_39 = arith.constant 20 : i32
    %scan3A_40 = arith.addi %scan3A_38, %scan3A_39 : i32
    %scan3A_41 = arith.constant 1 : i32
    scf.for %scan3A_68 = %scan3A_38 to %scan3A_40 step %scan3A_41  : i32 {
      %mul3A = arith.constant 2 : i32
      %mul3A_69 = arith.muli %mul3A, %scan3A_68 : i32
      %add3A = arith.constant 0 : i32
      %add3A_70 = arith.addi %mul3A_69, %add3A : i32
      %add3A_71 = arith.constant 1 : i32
      %add3A_72 = arith.addi %add3A_70, %add3A_71 : i32
      %lt3A_73 = arith.constant 40 : i32
      %lt3A_74 = arith.cmpi slt, %add3A_72, %lt3A_73 : i32
      %ge3A = arith.constant 1 : i32
      %ge3A_75 = arith.cmpi sge, %add3A_70, %ge3A : i32
      %and3A = arith.andi %lt3A_74, %ge3A_75 : i1
      %convert_element_type3A_76 = arith.extui %and3A : i1 to i32
      %cond3A_77 = arith.constant 0 : i32
      %cond3A_78 = arith.cmpi ne, %convert_element_type3A_76, %cond3A_77 : i32
      scf.if %cond3A_78 {
        %sub3A = arith.constant 1 : i32
        %sub3A_131 = arith.subi %add3A_70, %sub3A : i32
        %dma_wait3A_132 = arith.constant 0 : i32
        %dma_wait3A_133 = tpu.memref_slice %arg9[%sub3A_131, %dma_wait3A_132] : memref<40x125xi32, #tpu.memory_space<vmem>> -> memref<1x125xi32, #tpu.memory_space<vmem>>
        %dma_wait3A_134 = tpu.memref_squeeze %dma_wait3A_133 : memref<1x125xi32, #tpu.memory_space<vmem>> -> memref<125xi32, #tpu.memory_space<vmem>>
        %dma_wait3A_135 = arith.constant 0 : i32
        %dma_wait3A_136 = arith.constant 0 : i32
        %dma_wait3A_137 = tpu.memref_slice %arg7[%dma_wait3A_135, %dma_wait3A_136] : memref<10000x64xf32, #tpu.memory_space<vmem_shared>> -> memref<10000x64xf32, #tpu.memory_space<vmem_shared>>
        tpu.wait_indirect_dma semaphore(%arg15 : memref<!tpu.dma_semaphore, #tpu.memory_space<semaphore_mem>>) src(%arg11 : memref<125x64xf32, #tpu.memory_space<vmem>>) dst(%dma_wait3A_137 : memref<10000x64xf32, #tpu.memory_space<vmem_shared>>)
      } else {
      }
      %add3A_79 = arith.constant 1 : i32
      %add3A_80 = arith.addi %add3A_70, %add3A_79 : i32
      %lt3A_81 = arith.constant 40 : i32
      %lt3A_82 = arith.cmpi slt, %add3A_80, %lt3A_81 : i32
      %convert_element_type3A_83 = arith.extui %lt3A_82 : i1 to i32
      %cond3A_84 = arith.constant 0 : i32
      %cond3A_85 = arith.cmpi ne, %convert_element_type3A_83, %cond3A_84 : i32
      scf.if %cond3A_85 {
        %add3A_131 = arith.constant 1 : i32
        %add3A_132 = arith.addi %add3A_70, %add3A_131 : i32
        %dma_start3A_133 = arith.constant 0 : i32
        %dma_start3A_134 = tpu.memref_slice %arg8[%add3A_132, %dma_start3A_133] : memref<40x125xi32, #tpu.memory_space<vmem>> -> memref<1x125xi32, #tpu.memory_space<vmem>>
        %dma_start3A_135 = tpu.memref_squeeze %dma_start3A_134 : memref<1x125xi32, #tpu.memory_space<vmem>> -> memref<125xi32, #tpu.memory_space<vmem>>
        %dma_start3A_136 = arith.constant 0 : i32
        %dma_start3A_137 = arith.constant 0 : i32
        %dma_start3A_138 = tpu.memref_slice %arg2[%dma_start3A_136, %dma_start3A_137] : memref<10000x64xf32, #tpu.memory_space<hbm>> -> memref<10000x64xf32, #tpu.memory_space<hbm>>
        tpu.enqueue_indirect_dma source(%dma_start3A_138 : memref<10000x64xf32, #tpu.memory_space<hbm>>) target(%arg11 : memref<125x64xf32, #tpu.memory_space<vmem>>) offsets(%dma_start3A_135 : memref<125xi32, #tpu.memory_space<vmem>>) semaphore(%arg13 : memref<!tpu.dma_semaphore, #tpu.memory_space<semaphore_mem>>)
      } else {
      }
      %dma_wait3A_86 = arith.constant 0 : i32
      %dma_wait3A_87 = tpu.memref_slice %arg8[%add3A_70, %dma_wait3A_86] : memref<40x125xi32, #tpu.memory_space<vmem>> -> memref<1x125xi32, #tpu.memory_space<vmem>>
      %dma_wait3A_88 = tpu.memref_squeeze %dma_wait3A_87 : memref<1x125xi32, #tpu.memory_space<vmem>> -> memref<125xi32, #tpu.memory_space<vmem>>
      %dma_wait3A_89 = arith.constant 0 : i32
      %dma_wait3A_90 = arith.constant 0 : i32
      %dma_wait3A_91 = tpu.memref_slice %arg2[%dma_wait3A_89, %dma_wait3A_90] : memref<10000x64xf32, #tpu.memory_space<hbm>> -> memref<10000x64xf32, #tpu.memory_space<hbm>>
      tpu.wait_indirect_dma semaphore(%arg12 : memref<!tpu.dma_semaphore, #tpu.memory_space<semaphore_mem>>) src(%dma_wait3A_91 : memref<10000x64xf32, #tpu.memory_space<hbm>>) dst(%arg10 : memref<125x64xf32, #tpu.memory_space<vmem>>)
      %dma_start3A_92 = arith.constant 0 : i32
      %dma_start3A_93 = tpu.memref_slice %arg9[%add3A_70, %dma_start3A_92] : memref<40x125xi32, #tpu.memory_space<vmem>> -> memref<1x125xi32, #tpu.memory_space<vmem>>
      %dma_start3A_94 = tpu.memref_squeeze %dma_start3A_93 : memref<1x125xi32, #tpu.memory_space<vmem>> -> memref<125xi32, #tpu.memory_space<vmem>>
      %dma_start3A_95 = arith.constant 0 : i32
      %dma_start3A_96 = arith.constant 0 : i32
      %dma_start3A_97 = tpu.memref_slice %arg7[%dma_start3A_95, %dma_start3A_96] : memref<10000x64xf32, #tpu.memory_space<vmem_shared>> -> memref<10000x64xf32, #tpu.memory_space<vmem_shared>>
      tpu.enqueue_indirect_dma source(%arg10 : memref<125x64xf32, #tpu.memory_space<vmem>>) target(%dma_start3A_97 : memref<10000x64xf32, #tpu.memory_space<vmem_shared>>) offsets(%dma_start3A_94 : memref<125xi32, #tpu.memory_space<vmem>>) semaphore(%arg14 : memref<!tpu.dma_semaphore, #tpu.memory_space<semaphore_mem>>) {add = true}
      %mul3A_98 = arith.constant 2 : i32
      %mul3A_99 = arith.muli %mul3A_98, %scan3A_68 : i32
      %add3A_100 = arith.constant 1 : i32
      %add3A_101 = arith.addi %mul3A_99, %add3A_100 : i32
      %add3A_102 = arith.constant 1 : i32
      %add3A_103 = arith.addi %add3A_101, %add3A_102 : i32
      %lt3A_104 = arith.constant 40 : i32
      %lt3A_105 = arith.cmpi slt, %add3A_103, %lt3A_104 : i32
      %ge3A_106 = arith.constant 1 : i32
      %ge3A_107 = arith.cmpi sge, %add3A_101, %ge3A_106 : i32
      %and3A_108 = arith.andi %lt3A_105, %ge3A_107 : i1
      %convert_element_type3A_109 = arith.extui %and3A_108 : i1 to i32
      %cond3A_110 = arith.constant 0 : i32
      %cond3A_111 = arith.cmpi ne, %convert_element_type3A_109, %cond3A_110 : i32
      scf.if %cond3A_111 {
        %sub3A = arith.constant 1 : i32
        %sub3A_131 = arith.subi %add3A_101, %sub3A : i32
        %dma_wait3A_132 = arith.constant 0 : i32
        %dma_wait3A_133 = tpu.memref_slice %arg9[%sub3A_131, %dma_wait3A_132] : memref<40x125xi32, #tpu.memory_space<vmem>> -> memref<1x125xi32, #tpu.memory_space<vmem>>
        %dma_wait3A_134 = tpu.memref_squeeze %dma_wait3A_133 : memref<1x125xi32, #tpu.memory_space<vmem>> -> memref<125xi32, #tpu.memory_space<vmem>>
        %dma_wait3A_135 = arith.constant 0 : i32
        %dma_wait3A_136 = arith.constant 0 : i32
        %dma_wait3A_137 = tpu.memref_slice %arg7[%dma_wait3A_135, %dma_wait3A_136] : memref<10000x64xf32, #tpu.memory_space<vmem_shared>> -> memref<10000x64xf32, #tpu.memory_space<vmem_shared>>
        tpu.wait_indirect_dma semaphore(%arg14 : memref<!tpu.dma_semaphore, #tpu.memory_space<semaphore_mem>>) src(%arg10 : memref<125x64xf32, #tpu.memory_space<vmem>>) dst(%dma_wait3A_137 : memref<10000x64xf32, #tpu.memory_space<vmem_shared>>)
      } else {
      }
      %add3A_112 = arith.constant 1 : i32
      %add3A_113 = arith.addi %add3A_101, %add3A_112 : i32
      %lt3A_114 = arith.constant 40 : i32
      %lt3A_115 = arith.cmpi slt, %add3A_113, %lt3A_114 : i32
      %convert_element_type3A_116 = arith.extui %lt3A_115 : i1 to i32
      %cond3A_117 = arith.constant 0 : i32
      %cond3A_118 = arith.cmpi ne, %convert_element_type3A_116, %cond3A_117 : i32
      scf.if %cond3A_118 {
        %add3A_131 = arith.constant 1 : i32
        %add3A_132 = arith.addi %add3A_101, %add3A_131 : i32
        %dma_start3A_133 = arith.constant 0 : i32
        %dma_start3A_134 = tpu.memref_slice %arg8[%add3A_132, %dma_start3A_133] : memref<40x125xi32, #tpu.memory_space<vmem>> -> memref<1x125xi32, #tpu.memory_space<vmem>>
        %dma_start3A_135 = tpu.memref_squeeze %dma_start3A_134 : memref<1x125xi32, #tpu.memory_space<vmem>> -> memref<125xi32, #tpu.memory_space<vmem>>
        %dma_start3A_136 = arith.constant 0 : i32
        %dma_start3A_137 = arith.constant 0 : i32
        %dma_start3A_138 = tpu.memref_slice %arg2[%dma_start3A_136, %dma_start3A_137] : memref<10000x64xf32, #tpu.memory_space<hbm>> -> memref<10000x64xf32, #tpu.memory_space<hbm>>
        tpu.enqueue_indirect_dma source(%dma_start3A_138 : memref<10000x64xf32, #tpu.memory_space<hbm>>) target(%arg10 : memref<125x64xf32, #tpu.memory_space<vmem>>) offsets(%dma_start3A_135 : memref<125xi32, #tpu.memory_space<vmem>>) semaphore(%arg12 : memref<!tpu.dma_semaphore, #tpu.memory_space<semaphore_mem>>)
      } else {
      }
      %dma_wait3A_119 = arith.constant 0 : i32
      %dma_wait3A_120 = tpu.memref_slice %arg8[%add3A_101, %dma_wait3A_119] : memref<40x125xi32, #tpu.memory_space<vmem>> -> memref<1x125xi32, #tpu.memory_space<vmem>>
      %dma_wait3A_121 = tpu.memref_squeeze %dma_wait3A_120 : memref<1x125xi32, #tpu.memory_space<vmem>> -> memref<125xi32, #tpu.memory_space<vmem>>
      %dma_wait3A_122 = arith.constant 0 : i32
      %dma_wait3A_123 = arith.constant 0 : i32
      %dma_wait3A_124 = tpu.memref_slice %arg2[%dma_wait3A_122, %dma_wait3A_123] : memref<10000x64xf32, #tpu.memory_space<hbm>> -> memref<10000x64xf32, #tpu.memory_space<hbm>>
      tpu.wait_indirect_dma semaphore(%arg13 : memref<!tpu.dma_semaphore, #tpu.memory_space<semaphore_mem>>) src(%dma_wait3A_124 : memref<10000x64xf32, #tpu.memory_space<hbm>>) dst(%arg11 : memref<125x64xf32, #tpu.memory_space<vmem>>)
      %dma_start3A_125 = arith.constant 0 : i32
      %dma_start3A_126 = tpu.memref_slice %arg9[%add3A_101, %dma_start3A_125] : memref<40x125xi32, #tpu.memory_space<vmem>> -> memref<1x125xi32, #tpu.memory_space<vmem>>
      %dma_start3A_127 = tpu.memref_squeeze %dma_start3A_126 : memref<1x125xi32, #tpu.memory_space<vmem>> -> memref<125xi32, #tpu.memory_space<vmem>>
      %dma_start3A_128 = arith.constant 0 : i32
      %dma_start3A_129 = arith.constant 0 : i32
      %dma_start3A_130 = tpu.memref_slice %arg7[%dma_start3A_128, %dma_start3A_129] : memref<10000x64xf32, #tpu.memory_space<vmem_shared>> -> memref<10000x64xf32, #tpu.memory_space<vmem_shared>>
      tpu.enqueue_indirect_dma source(%arg11 : memref<125x64xf32, #tpu.memory_space<vmem>>) target(%dma_start3A_130 : memref<10000x64xf32, #tpu.memory_space<vmem_shared>>) offsets(%dma_start3A_127 : memref<125xi32, #tpu.memory_space<vmem>>) semaphore(%arg15 : memref<!tpu.dma_semaphore, #tpu.memory_space<semaphore_mem>>) {add = true}
    }
    %scan3A_42 = arith.constant 20 : i32
    %dma_wait3A_43 = arith.constant 38 : i32
    %dma_wait3A_44 = arith.constant 0 : i32
    %dma_wait3A_45 = tpu.memref_slice %arg9[%dma_wait3A_43, %dma_wait3A_44] : memref<40x125xi32, #tpu.memory_space<vmem>> -> memref<1x125xi32, #tpu.memory_space<vmem>>
    %dma_wait3A_46 = tpu.memref_squeeze %dma_wait3A_45 : memref<1x125xi32, #tpu.memory_space<vmem>> -> memref<125xi32, #tpu.memory_space<vmem>>
    %dma_wait3A_47 = arith.constant 0 : i32
    %dma_wait3A_48 = arith.constant 0 : i32
    %dma_wait3A_49 = tpu.memref_slice %arg7[%dma_wait3A_47, %dma_wait3A_48] : memref<10000x64xf32, #tpu.memory_space<vmem_shared>> -> memref<10000x64xf32, #tpu.memory_space<vmem_shared>>
    tpu.wait_indirect_dma semaphore(%arg14 : memref<!tpu.dma_semaphore, #tpu.memory_space<semaphore_mem>>) src(%arg10 : memref<125x64xf32, #tpu.memory_space<vmem>>) dst(%dma_wait3A_49 : memref<10000x64xf32, #tpu.memory_space<vmem_shared>>)
    %dma_wait3A_50 = arith.constant 39 : i32
    %dma_wait3A_51 = arith.constant 0 : i32
    %dma_wait3A_52 = tpu.memref_slice %arg9[%dma_wait3A_50, %dma_wait3A_51] : memref<40x125xi32, #tpu.memory_space<vmem>> -> memref<1x125xi32, #tpu.memory_space<vmem>>
    %dma_wait3A_53 = tpu.memref_squeeze %dma_wait3A_52 : memref<1x125xi32, #tpu.memory_space<vmem>> -> memref<125xi32, #tpu.memory_space<vmem>>
    %dma_wait3A_54 = arith.constant 0 : i32
    %dma_wait3A_55 = arith.constant 0 : i32
    %dma_wait3A_56 = tpu.memref_slice %arg7[%dma_wait3A_54, %dma_wait3A_55] : memref<10000x64xf32, #tpu.memory_space<vmem_shared>> -> memref<10000x64xf32, #tpu.memory_space<vmem_shared>>
    tpu.wait_indirect_dma semaphore(%arg15 : memref<!tpu.dma_semaphore, #tpu.memory_space<semaphore_mem>>) src(%arg11 : memref<125x64xf32, #tpu.memory_space<vmem>>) dst(%dma_wait3A_56 : memref<10000x64xf32, #tpu.memory_space<vmem_shared>>)
    %barrier3A_57 = arith.constant 0 : index
    tpu.barrier barrier_id(%barrier3A_57)
    %lt3A_58 = arith.constant 15 : i32
    %lt3A_59 = arith.cmpi slt, %arg1, %lt3A_58 : i32
    %convert_element_type3A_60 = arith.extui %lt3A_59 : i1 to i32
    %cond3A_61 = arith.constant 0 : i32
    %cond3A_62 = arith.cmpi ne, %convert_element_type3A_60, %cond3A_61 : i32
    scf.if %cond3A_62 {
      %mul3A = arith.constant 624 : i32
      %mul3A_68 = arith.muli %arg1, %mul3A : i32
      %mul3A_69 = arith.constant 624 : i32
      %mul3A_70 = arith.muli %arg1, %mul3A_69 : i32
      "tpu.region"() ({
        %run_scoped3A = tpu.sem_alloc : memref<!tpu.dma_semaphore, #tpu.memory_space<semaphore_mem>>
        %dma_start3A_71 = arith.constant 0 : i32
        %dma_start3A_72 = tpu.memref_slice %arg6[%arg0, %mul3A_70, %dma_start3A_71] : memref<2x10000x64xf32, #tpu.memory_space<hbm>> -> memref<1x624x64xf32, #tpu.memory_space<hbm>>
        %dma_start3A_73 = tpu.memref_squeeze %dma_start3A_72 : memref<1x624x64xf32, #tpu.memory_space<hbm>> -> memref<624x64xf32, #tpu.memory_space<hbm>>
        %dma_start3A_74 = arith.constant 0 : i32
        %dma_start3A_75 = tpu.memref_slice %arg7[%mul3A_68, %dma_start3A_74] : memref<10000x64xf32, #tpu.memory_space<vmem_shared>> -> memref<624x64xf32, #tpu.memory_space<vmem_shared>>
        tpu.enqueue_dma source(%dma_start3A_75 : memref<624x64xf32, #tpu.memory_space<vmem_shared>>) target(%dma_start3A_73 : memref<624x64xf32, #tpu.memory_space<hbm>>) target_semaphore(%run_scoped3A : memref<!tpu.dma_semaphore, #tpu.memory_space<semaphore_mem>>)
        %dma_wait3A_76 = arith.constant 0 : i32
        %dma_wait3A_77 = tpu.memref_slice %arg6[%arg0, %mul3A_70, %dma_wait3A_76] : memref<2x10000x64xf32, #tpu.memory_space<hbm>> -> memref<1x624x64xf32, #tpu.memory_space<hbm>>
        %dma_wait3A_78 = tpu.memref_squeeze %dma_wait3A_77 : memref<1x624x64xf32, #tpu.memory_space<hbm>> -> memref<624x64xf32, #tpu.memory_space<hbm>>
        %dma_wait3A_79 = arith.constant 0 : i32
        %dma_wait3A_80 = tpu.memref_slice %arg7[%mul3A_68, %dma_wait3A_79] : memref<10000x64xf32, #tpu.memory_space<vmem_shared>> -> memref<624x64xf32, #tpu.memory_space<vmem_shared>>
        tpu.wait_dma2 semaphore(%run_scoped3A : memref<!tpu.dma_semaphore, #tpu.memory_space<semaphore_mem>>) src(%dma_wait3A_80 : memref<624x64xf32, #tpu.memory_space<vmem_shared>>) dst(%dma_wait3A_78 : memref<624x64xf32, #tpu.memory_space<hbm>>)
        tpu.yield
      }) : () -> ()
    } else {
    }
    %eq3A_63 = arith.constant 15 : i32
    %eq3A_64 = arith.cmpi eq, %arg1, %eq3A_63 : i32
    %convert_element_type3A_65 = arith.extui %eq3A_64 : i1 to i32
    %cond3A_66 = arith.constant 0 : i32
    %cond3A_67 = arith.cmpi ne, %convert_element_type3A_65, %cond3A_66 : i32
    scf.if %cond3A_67 {
      "tpu.region"() ({
        %run_scoped3A = tpu.sem_alloc : memref<!tpu.dma_semaphore, #tpu.memory_space<semaphore_mem>>
        %dma_start3A_68 = arith.constant 9360 : i32
        %dma_start3A_69 = arith.constant 0 : i32
        %dma_start3A_70 = tpu.memref_slice %arg6[%arg0, %dma_start3A_68, %dma_start3A_69] : memref<2x10000x64xf32, #tpu.memory_space<hbm>> -> memref<1x640x64xf32, #tpu.memory_space<hbm>>
        %dma_start3A_71 = tpu.memref_squeeze %dma_start3A_70 : memref<1x640x64xf32, #tpu.memory_space<hbm>> -> memref<640x64xf32, #tpu.memory_space<hbm>>
        %dma_start3A_72 = arith.constant 9360 : i32
        %dma_start3A_73 = arith.constant 0 : i32
        %dma_start3A_74 = tpu.memref_slice %arg7[%dma_start3A_72, %dma_start3A_73] : memref<10000x64xf32, #tpu.memory_space<vmem_shared>> -> memref<640x64xf32, #tpu.memory_space<vmem_shared>>
        tpu.enqueue_dma source(%dma_start3A_74 : memref<640x64xf32, #tpu.memory_space<vmem_shared>>) target(%dma_start3A_71 : memref<640x64xf32, #tpu.memory_space<hbm>>) target_semaphore(%run_scoped3A : memref<!tpu.dma_semaphore, #tpu.memory_space<semaphore_mem>>)
        %dma_wait3A_75 = arith.constant 9360 : i32
        %dma_wait3A_76 = arith.constant 0 : i32
        %dma_wait3A_77 = tpu.memref_slice %arg6[%arg0, %dma_wait3A_75, %dma_wait3A_76] : memref<2x10000x64xf32, #tpu.memory_space<hbm>> -> memref<1x640x64xf32, #tpu.memory_space<hbm>>
        %dma_wait3A_78 = tpu.memref_squeeze %dma_wait3A_77 : memref<1x640x64xf32, #tpu.memory_space<hbm>> -> memref<640x64xf32, #tpu.memory_space<hbm>>
        %dma_wait3A_79 = arith.constant 9360 : i32
        %dma_wait3A_80 = arith.constant 0 : i32
        %dma_wait3A_81 = tpu.memref_slice %arg7[%dma_wait3A_79, %dma_wait3A_80] : memref<10000x64xf32, #tpu.memory_space<vmem_shared>> -> memref<640x64xf32, #tpu.memory_space<vmem_shared>>
        tpu.wait_dma2 semaphore(%run_scoped3A : memref<!tpu.dma_semaphore, #tpu.memory_space<semaphore_mem>>) src(%dma_wait3A_81 : memref<640x64xf32, #tpu.memory_space<vmem_shared>>) dst(%dma_wait3A_78 : memref<640x64xf32, #tpu.memory_space<hbm>>)
        tpu.yield
      }) : () -> ()
    } else {
    }
    return
  }
}

module attributes {stable_mosaic.version = 14 : i64} {
  func.func @_first_body(%arg0: i32, %arg1: memref<1000x1xf32, #tpu.memory_space<vmem>>, %arg2: memref<1000x128xf32, #tpu.memory_space<vmem>>, %arg3: memref<128x128xf32, #tpu.memory_space<vmem>>, %arg4: memref<1000x128xf32, #tpu.memory_space<vmem>>) attributes {dimension_semantics = [#tpu.dimension_semantics<arbitrary>], iteration_bounds = array<i64: 10>, scalar_prefetch = 0 : i64, scratch_operands = 0 : i64, tpu.core_type = #tpu.core_type<tc>, window_params = [{transform_indices = @transform_0, window_bounds = array<i64: 1000, 1>}, {transform_indices = @transform_1, window_bounds = array<i64: 1000, 128>}, {pipeline_mode = #tpu.pipeline_mode<synchronous>, transform_indices = @transform_2, window_bounds = array<i64: 128, 128>}, {transform_indices = @transform_3, window_bounds = array<i64: 1000, 128>}]} {
    %get3A = arith.constant 0 : index
    %get3A_0 = arith.constant 0 : index
    %get3A_1 = vector.load %arg1[%get3A, %get3A_0] : memref<1000x1xf32, #tpu.memory_space<vmem>>, vector<1000x1xf32>
    %gt3A = arith.constant 0.000000e+00 : f32
    %gt3A_2 = vector.broadcast %gt3A : f32 to vector<1000x1xf32>
    %gt3A_3 = arith.cmpf ogt, %get3A_1, %gt3A_2 : vector<1000x1xf32>
    %jit3A = arith.constant 1.000000e+00 : f32
    %broadcast_in_dim3A = vector.broadcast %jit3A : f32 to vector<1000x1xf32>
    %select_n3A = arith.select %gt3A_3, %get3A_1, %broadcast_in_dim3A : vector<1000x1xi1>, vector<1000x1xf32>
    %rsqrt3A = math.rsqrt %select_n3A : vector<1000x1xf32>
    %get3A_4 = arith.constant 0 : index
    %get3A_5 = arith.constant 0 : index
    %get3A_6 = vector.load %arg2[%get3A_4, %get3A_5] : memref<1000x128xf32, #tpu.memory_space<vmem>>, vector<1000x128xf32>
    %mul3A = vector.broadcast %rsqrt3A : vector<1000x1xf32> to vector<1000x128xf32>
    %mul3A_7 = arith.mulf %get3A_6, %mul3A : vector<1000x128xf32>
    %get3A_8 = arith.constant 0 : index
    %get3A_9 = arith.constant 0 : index
    %get3A_10 = vector.load %arg3[%get3A_8, %get3A_9] : memref<128x128xf32, #tpu.memory_space<vmem>>, vector<128x128xf32>
    %dot_general3A = arith.constant dense<0.000000e+00> : vector<1000x128xf32>
    %dot_general3A_11 = tpu.matmul %mul3A_7, %get3A_10, %dot_general3A {dimension_numbers = #tpu.dot_dimension_numbers<[1], [0], [0], [1], [0, 0, 1, 1], [], []>, transpose_lhs_hint = false} : vector<1000x128xf32>, vector<128x128xf32>, vector<1000x128xf32> -> vector<1000x128xf32>
    %swap3A = arith.constant 0 : index
    %swap3A_12 = arith.constant 0 : index
    %swap3A_13 = vector.load %arg4[%swap3A, %swap3A_12] : memref<1000x128xf32, #tpu.memory_space<vmem>>, vector<1000x128xf32>
    tpu.vector_store %arg4[%swap3A, %swap3A_12], %dot_general3A_11 {strides = array<i32>} : memref<1000x128xf32, #tpu.memory_space<vmem>>, vector<1000x128xf32>,
    return
  }
  func.func @transform_0(%arg0: i32) -> (i32, i32) {
    %c0_i32 = arith.constant 0 : i32
    %c0_i32_0 = arith.constant 0 : i32
    return %arg0, %c0_i32 : i32, i32
  }
  func.func @transform_1(%arg0: i32) -> (i32, i32) {
    %c0_i32 = arith.constant 0 : i32
    %c0_i32_0 = arith.constant 0 : i32
    return %arg0, %c0_i32 : i32, i32
  }
  func.func @transform_2(%arg0: i32) -> (i32, i32) {
    %c0_i32 = arith.constant 0 : i32
    %c0_i32_0 = arith.constant 0 : i32
    %c0_i32_1 = arith.constant 0 : i32
    return %c0_i32, %c0_i32_0 : i32, i32
  }
  func.func @transform_3(%arg0: i32) -> (i32, i32) {
    %c0_i32 = arith.constant 0 : i32
    %c0_i32_0 = arith.constant 0 : i32
    return %arg0, %c0_i32 : i32, i32
  }
}

module attributes {stable_mosaic.version = 14 : i64} {
  func.func @_mid_body(%arg0: i32, %arg1: memref<2x1000x128xf32, #tpu.memory_space<vmem>>, %arg2: memref<1000x1xf32, #tpu.memory_space<vmem>>, %arg3: memref<1000x1xf32, #tpu.memory_space<vmem>>, %arg4: memref<128xf32, #tpu.memory_space<vmem>>, %arg5: memref<128x128xf32, #tpu.memory_space<vmem>>, %arg6: memref<1000x128xf32, #tpu.memory_space<vmem>>) attributes {dimension_semantics = [#tpu.dimension_semantics<arbitrary>], iteration_bounds = array<i64: 10>, scalar_prefetch = 0 : i64, scratch_operands = 0 : i64, tpu.core_type = #tpu.core_type<tc>, window_params = [{transform_indices = @transform_0, window_bounds = array<i64: 2, 1000, 128>}, {transform_indices = @transform_1, window_bounds = array<i64: 1000, 1>}, {transform_indices = @transform_2, window_bounds = array<i64: 1000, 1>}, {pipeline_mode = #tpu.pipeline_mode<synchronous>, transform_indices = @transform_3, window_bounds = array<i64: 128>}, {pipeline_mode = #tpu.pipeline_mode<synchronous>, transform_indices = @transform_4, window_bounds = array<i64: 128, 128>}, {transform_indices = @transform_5, window_bounds = array<i64: 1000, 128>}]} {
    %get3A = arith.constant 0 : index
    %get3A_0 = arith.constant 0 : index
    %get3A_1 = arith.constant 0 : index
    %get3A_2 = vector.load %arg1[%get3A, %get3A_0, %get3A_1] : memref<2x1000x128xf32, #tpu.memory_space<vmem>>, vector<1x1000x128xf32>
    %get3A_3 = vector.shape_cast %get3A_2 : vector<1x1000x128xf32> to vector<1000x128xf32>
    %get3A_4 = arith.constant 1 : index
    %get3A_5 = arith.constant 0 : index
    %get3A_6 = arith.constant 0 : index
    %get3A_7 = vector.load %arg1[%get3A_4, %get3A_5, %get3A_6] : memref<2x1000x128xf32, #tpu.memory_space<vmem>>, vector<1x1000x128xf32>
    %get3A_8 = vector.shape_cast %get3A_7 : vector<1x1000x128xf32> to vector<1000x128xf32>
    %add3A = arith.addf %get3A_3, %get3A_8 : vector<1000x128xf32>
    %get3A_9 = arith.constant 0 : index
    %get3A_10 = arith.constant 0 : index
    %get3A_11 = vector.load %arg2[%get3A_9, %get3A_10] : memref<1000x1xf32, #tpu.memory_space<vmem>>, vector<1000x1xf32>
    %gt3A = arith.constant 0.000000e+00 : f32
    %gt3A_12 = vector.broadcast %gt3A : f32 to vector<1000x1xf32>
    %gt3A_13 = arith.cmpf ogt, %get3A_11, %gt3A_12 : vector<1000x1xf32>
    %jit3A = arith.constant 1.000000e+00 : f32
    %broadcast_in_dim3A = vector.broadcast %jit3A : f32 to vector<1000x1xf32>
    %select_n3A = arith.select %gt3A_13, %get3A_11, %broadcast_in_dim3A : vector<1000x1xi1>, vector<1000x1xf32>
    %rsqrt3A = math.rsqrt %select_n3A : vector<1000x1xf32>
    %mul3A = vector.broadcast %rsqrt3A : vector<1000x1xf32> to vector<1000x128xf32>
    %mul3A_14 = arith.mulf %add3A, %mul3A : vector<1000x128xf32>
    %get3A_15 = arith.constant 0 : index
    %get3A_16 = vector.load %arg4[%get3A_15] : memref<128xf32, #tpu.memory_space<vmem>>, vector<128xf32>
    %broadcast_in_dim3A_17 = vector.shape_cast %get3A_16 : vector<128xf32> to vector<1x128xf32>
    %add3A_18 = vector.broadcast %broadcast_in_dim3A_17 : vector<1x128xf32> to vector<1000x128xf32>
    %add3A_19 = arith.addf %mul3A_14, %add3A_18 : vector<1000x128xf32>
    %max3A = arith.constant 0.000000e+00 : f32
    %max3A_20 = vector.broadcast %max3A : f32 to vector<1000x128xf32>
    %max3A_21 = arith.maximumf %add3A_19, %max3A_20 : vector<1000x128xf32>
    %get3A_22 = arith.constant 0 : index
    %get3A_23 = arith.constant 0 : index
    %get3A_24 = vector.load %arg3[%get3A_22, %get3A_23] : memref<1000x1xf32, #tpu.memory_space<vmem>>, vector<1000x1xf32>
    %gt3A_25 = arith.constant 0.000000e+00 : f32
    %gt3A_26 = vector.broadcast %gt3A_25 : f32 to vector<1000x1xf32>
    %gt3A_27 = arith.cmpf ogt, %get3A_24, %gt3A_26 : vector<1000x1xf32>
    %jit3A_28 = arith.constant 1.000000e+00 : f32
    %broadcast_in_dim3A_29 = vector.broadcast %jit3A_28 : f32 to vector<1000x1xf32>
    %select_n3A_30 = arith.select %gt3A_27, %get3A_24, %broadcast_in_dim3A_29 : vector<1000x1xi1>, vector<1000x1xf32>
    %rsqrt3A_31 = math.rsqrt %select_n3A_30 : vector<1000x1xf32>
    %mul3A_32 = vector.broadcast %rsqrt3A_31 : vector<1000x1xf32> to vector<1000x128xf32>
    %mul3A_33 = arith.mulf %max3A_21, %mul3A_32 : vector<1000x128xf32>
    %get3A_34 = arith.constant 0 : index
    %get3A_35 = arith.constant 0 : index
    %get3A_36 = vector.load %arg5[%get3A_34, %get3A_35] : memref<128x128xf32, #tpu.memory_space<vmem>>, vector<128x128xf32>
    %dot_general3A = arith.constant dense<0.000000e+00> : vector<1000x128xf32>
    %dot_general3A_37 = tpu.matmul %mul3A_33, %get3A_36, %dot_general3A {dimension_numbers = #tpu.dot_dimension_numbers<[1], [0], [0], [1], [0, 0, 1, 1], [], []>, transpose_lhs_hint = false} : vector<1000x128xf32>, vector<128x128xf32>, vector<1000x128xf32> -> vector<1000x128xf32>
    %swap3A = arith.constant 0 : index
    %swap3A_38 = arith.constant 0 : index
    %swap3A_39 = vector.load %arg6[%swap3A, %swap3A_38] : memref<1000x128xf32, #tpu.memory_space<vmem>>, vector<1000x128xf32>
    tpu.vector_store %arg6[%swap3A, %swap3A_38], %dot_general3A_37 {strides = array<i32>} : memref<1000x128xf32, #tpu.memory_space<vmem>>, vector<1000x128xf32>,
    return
  }
  func.func @transform_0(%arg0: i32) -> (i32, i32, i32) {
    %c0_i32 = arith.constant 0 : i32
    %c0_i32_0 = arith.constant 0 : i32
    %c0_i32_1 = arith.constant 0 : i32
    return %c0_i32, %arg0, %c0_i32_0 : i32, i32, i32
  }
  func.func @transform_1(%arg0: i32) -> (i32, i32) {
    %c0_i32 = arith.constant 0 : i32
    %c0_i32_0 = arith.constant 0 : i32
    return %arg0, %c0_i32 : i32, i32
  }
  func.func @transform_2(%arg0: i32) -> (i32, i32) {
    %c0_i32 = arith.constant 0 : i32
    %c0_i32_0 = arith.constant 0 : i32
    return %arg0, %c0_i32 : i32, i32
  }
  func.func @transform_3(%arg0: i32) -> i32 {
    %c0_i32 = arith.constant 0 : i32
    %c0_i32_0 = arith.constant 0 : i32
    return %c0_i32 : i32
  }
  func.func @transform_4(%arg0: i32) -> (i32, i32) {
    %c0_i32 = arith.constant 0 : i32
    %c0_i32_0 = arith.constant 0 : i32
    %c0_i32_1 = arith.constant 0 : i32
    return %c0_i32, %c0_i32_0 : i32, i32
  }
  func.func @transform_5(%arg0: i32) -> (i32, i32) {
    %c0_i32 = arith.constant 0 : i32
    %c0_i32_0 = arith.constant 0 : i32
    return %arg0, %c0_i32 : i32, i32
  }
}

module attributes {stable_mosaic.version = 14 : i64} {
  func.func @_mid_body(%arg0: i32, %arg1: memref<2x1000x128xf32, #tpu.memory_space<vmem>>, %arg2: memref<1000x1xf32, #tpu.memory_space<vmem>>, %arg3: memref<1000x1xf32, #tpu.memory_space<vmem>>, %arg4: memref<128xf32, #tpu.memory_space<vmem>>, %arg5: memref<128x64xf32, #tpu.memory_space<vmem>>, %arg6: memref<1000x64xf32, #tpu.memory_space<vmem>>) attributes {dimension_semantics = [#tpu.dimension_semantics<arbitrary>], iteration_bounds = array<i64: 10>, scalar_prefetch = 0 : i64, scratch_operands = 0 : i64, tpu.core_type = #tpu.core_type<tc>, window_params = [{transform_indices = @transform_0, window_bounds = array<i64: 2, 1000, 128>}, {transform_indices = @transform_1, window_bounds = array<i64: 1000, 1>}, {transform_indices = @transform_2, window_bounds = array<i64: 1000, 1>}, {pipeline_mode = #tpu.pipeline_mode<synchronous>, transform_indices = @transform_3, window_bounds = array<i64: 128>}, {pipeline_mode = #tpu.pipeline_mode<synchronous>, transform_indices = @transform_4, window_bounds = array<i64: 128, 64>}, {transform_indices = @transform_5, window_bounds = array<i64: 1000, 64>}]} {
    %get3A = arith.constant 0 : index
    %get3A_0 = arith.constant 0 : index
    %get3A_1 = arith.constant 0 : index
    %get3A_2 = vector.load %arg1[%get3A, %get3A_0, %get3A_1] : memref<2x1000x128xf32, #tpu.memory_space<vmem>>, vector<1x1000x128xf32>
    %get3A_3 = vector.shape_cast %get3A_2 : vector<1x1000x128xf32> to vector<1000x128xf32>
    %get3A_4 = arith.constant 1 : index
    %get3A_5 = arith.constant 0 : index
    %get3A_6 = arith.constant 0 : index
    %get3A_7 = vector.load %arg1[%get3A_4, %get3A_5, %get3A_6] : memref<2x1000x128xf32, #tpu.memory_space<vmem>>, vector<1x1000x128xf32>
    %get3A_8 = vector.shape_cast %get3A_7 : vector<1x1000x128xf32> to vector<1000x128xf32>
    %add3A = arith.addf %get3A_3, %get3A_8 : vector<1000x128xf32>
    %get3A_9 = arith.constant 0 : index
    %get3A_10 = arith.constant 0 : index
    %get3A_11 = vector.load %arg2[%get3A_9, %get3A_10] : memref<1000x1xf32, #tpu.memory_space<vmem>>, vector<1000x1xf32>
    %gt3A = arith.constant 0.000000e+00 : f32
    %gt3A_12 = vector.broadcast %gt3A : f32 to vector<1000x1xf32>
    %gt3A_13 = arith.cmpf ogt, %get3A_11, %gt3A_12 : vector<1000x1xf32>
    %jit3A = arith.constant 1.000000e+00 : f32
    %broadcast_in_dim3A = vector.broadcast %jit3A : f32 to vector<1000x1xf32>
    %select_n3A = arith.select %gt3A_13, %get3A_11, %broadcast_in_dim3A : vector<1000x1xi1>, vector<1000x1xf32>
    %rsqrt3A = math.rsqrt %select_n3A : vector<1000x1xf32>
    %mul3A = vector.broadcast %rsqrt3A : vector<1000x1xf32> to vector<1000x128xf32>
    %mul3A_14 = arith.mulf %add3A, %mul3A : vector<1000x128xf32>
    %get3A_15 = arith.constant 0 : index
    %get3A_16 = vector.load %arg4[%get3A_15] : memref<128xf32, #tpu.memory_space<vmem>>, vector<128xf32>
    %broadcast_in_dim3A_17 = vector.shape_cast %get3A_16 : vector<128xf32> to vector<1x128xf32>
    %add3A_18 = vector.broadcast %broadcast_in_dim3A_17 : vector<1x128xf32> to vector<1000x128xf32>
    %add3A_19 = arith.addf %mul3A_14, %add3A_18 : vector<1000x128xf32>
    %max3A = arith.constant 0.000000e+00 : f32
    %max3A_20 = vector.broadcast %max3A : f32 to vector<1000x128xf32>
    %max3A_21 = arith.maximumf %add3A_19, %max3A_20 : vector<1000x128xf32>
    %get3A_22 = arith.constant 0 : index
    %get3A_23 = arith.constant 0 : index
    %get3A_24 = vector.load %arg3[%get3A_22, %get3A_23] : memref<1000x1xf32, #tpu.memory_space<vmem>>, vector<1000x1xf32>
    %gt3A_25 = arith.constant 0.000000e+00 : f32
    %gt3A_26 = vector.broadcast %gt3A_25 : f32 to vector<1000x1xf32>
    %gt3A_27 = arith.cmpf ogt, %get3A_24, %gt3A_26 : vector<1000x1xf32>
    %jit3A_28 = arith.constant 1.000000e+00 : f32
    %broadcast_in_dim3A_29 = vector.broadcast %jit3A_28 : f32 to vector<1000x1xf32>
    %select_n3A_30 = arith.select %gt3A_27, %get3A_24, %broadcast_in_dim3A_29 : vector<1000x1xi1>, vector<1000x1xf32>
    %rsqrt3A_31 = math.rsqrt %select_n3A_30 : vector<1000x1xf32>
    %mul3A_32 = vector.broadcast %rsqrt3A_31 : vector<1000x1xf32> to vector<1000x128xf32>
    %mul3A_33 = arith.mulf %max3A_21, %mul3A_32 : vector<1000x128xf32>
    %get3A_34 = arith.constant 0 : index
    %get3A_35 = arith.constant 0 : index
    %get3A_36 = vector.load %arg5[%get3A_34, %get3A_35] : memref<128x64xf32, #tpu.memory_space<vmem>>, vector<128x64xf32>
    %dot_general3A = arith.constant dense<0.000000e+00> : vector<1000x64xf32>
    %dot_general3A_37 = tpu.matmul %mul3A_33, %get3A_36, %dot_general3A {dimension_numbers = #tpu.dot_dimension_numbers<[1], [0], [0], [1], [0, 0, 1, 1], [], []>, transpose_lhs_hint = false} : vector<1000x128xf32>, vector<128x64xf32>, vector<1000x64xf32> -> vector<1000x64xf32>
    %swap3A = arith.constant 0 : index
    %swap3A_38 = arith.constant 0 : index
    %swap3A_39 = vector.load %arg6[%swap3A, %swap3A_38] : memref<1000x64xf32, #tpu.memory_space<vmem>>, vector<1000x64xf32>
    tpu.vector_store %arg6[%swap3A, %swap3A_38], %dot_general3A_37 {strides = array<i32>} : memref<1000x64xf32, #tpu.memory_space<vmem>>, vector<1000x64xf32>,
    return
  }
  func.func @transform_0(%arg0: i32) -> (i32, i32, i32) {
    %c0_i32 = arith.constant 0 : i32
    %c0_i32_0 = arith.constant 0 : i32
    %c0_i32_1 = arith.constant 0 : i32
    return %c0_i32, %arg0, %c0_i32_0 : i32, i32, i32
  }
  func.func @transform_1(%arg0: i32) -> (i32, i32) {
    %c0_i32 = arith.constant 0 : i32
    %c0_i32_0 = arith.constant 0 : i32
    return %arg0, %c0_i32 : i32, i32
  }
  func.func @transform_2(%arg0: i32) -> (i32, i32) {
    %c0_i32 = arith.constant 0 : i32
    %c0_i32_0 = arith.constant 0 : i32
    return %arg0, %c0_i32 : i32, i32
  }
  func.func @transform_3(%arg0: i32) -> i32 {
    %c0_i32 = arith.constant 0 : i32
    %c0_i32_0 = arith.constant 0 : i32
    return %c0_i32 : i32
  }
  func.func @transform_4(%arg0: i32) -> (i32, i32) {
    %c0_i32 = arith.constant 0 : i32
    %c0_i32_0 = arith.constant 0 : i32
    %c0_i32_1 = arith.constant 0 : i32
    return %c0_i32, %c0_i32_0 : i32, i32
  }
  func.func @transform_5(%arg0: i32) -> (i32, i32) {
    %c0_i32 = arith.constant 0 : i32
    %c0_i32_0 = arith.constant 0 : i32
    return %arg0, %c0_i32 : i32, i32
  }
}

module attributes {stable_mosaic.version = 14 : i64} {
  func.func @_final_body(%arg0: i32, %arg1: memref<2x1000x64xf32, #tpu.memory_space<vmem>>, %arg2: memref<1000x1xf32, #tpu.memory_space<vmem>>, %arg3: memref<64xf32, #tpu.memory_space<vmem>>, %arg4: memref<1000x64xf32, #tpu.memory_space<vmem>>) attributes {dimension_semantics = [#tpu.dimension_semantics<arbitrary>], iteration_bounds = array<i64: 10>, scalar_prefetch = 0 : i64, scratch_operands = 0 : i64, tpu.core_type = #tpu.core_type<tc>, window_params = [{transform_indices = @transform_0, window_bounds = array<i64: 2, 1000, 64>}, {transform_indices = @transform_1, window_bounds = array<i64: 1000, 1>}, {pipeline_mode = #tpu.pipeline_mode<synchronous>, transform_indices = @transform_2, window_bounds = array<i64: 64>}, {transform_indices = @transform_3, window_bounds = array<i64: 1000, 64>}]} {
    %get3A = arith.constant 0 : index
    %get3A_0 = arith.constant 0 : index
    %get3A_1 = arith.constant 0 : index
    %get3A_2 = vector.load %arg1[%get3A, %get3A_0, %get3A_1] : memref<2x1000x64xf32, #tpu.memory_space<vmem>>, vector<1x1000x64xf32>
    %get3A_3 = vector.shape_cast %get3A_2 : vector<1x1000x64xf32> to vector<1000x64xf32>
    %get3A_4 = arith.constant 1 : index
    %get3A_5 = arith.constant 0 : index
    %get3A_6 = arith.constant 0 : index
    %get3A_7 = vector.load %arg1[%get3A_4, %get3A_5, %get3A_6] : memref<2x1000x64xf32, #tpu.memory_space<vmem>>, vector<1x1000x64xf32>
    %get3A_8 = vector.shape_cast %get3A_7 : vector<1x1000x64xf32> to vector<1000x64xf32>
    %add3A = arith.addf %get3A_3, %get3A_8 : vector<1000x64xf32>
    %get3A_9 = arith.constant 0 : index
    %get3A_10 = arith.constant 0 : index
    %get3A_11 = vector.load %arg2[%get3A_9, %get3A_10] : memref<1000x1xf32, #tpu.memory_space<vmem>>, vector<1000x1xf32>
    %gt3A = arith.constant 0.000000e+00 : f32
    %gt3A_12 = vector.broadcast %gt3A : f32 to vector<1000x1xf32>
    %gt3A_13 = arith.cmpf ogt, %get3A_11, %gt3A_12 : vector<1000x1xf32>
    %jit3A = arith.constant 1.000000e+00 : f32
    %broadcast_in_dim3A = vector.broadcast %jit3A : f32 to vector<1000x1xf32>
    %select_n3A = arith.select %gt3A_13, %get3A_11, %broadcast_in_dim3A : vector<1000x1xi1>, vector<1000x1xf32>
    %rsqrt3A = math.rsqrt %select_n3A : vector<1000x1xf32>
    %mul3A = vector.broadcast %rsqrt3A : vector<1000x1xf32> to vector<1000x64xf32>
    %mul3A_14 = arith.mulf %add3A, %mul3A : vector<1000x64xf32>
    %get3A_15 = arith.constant 0 : index
    %get3A_16 = vector.load %arg3[%get3A_15] : memref<64xf32, #tpu.memory_space<vmem>>, vector<64xf32>
    %broadcast_in_dim3A_17 = vector.shape_cast %get3A_16 : vector<64xf32> to vector<1x64xf32>
    %add3A_18 = vector.broadcast %broadcast_in_dim3A_17 : vector<1x64xf32> to vector<1000x64xf32>
    %add3A_19 = arith.addf %mul3A_14, %add3A_18 : vector<1000x64xf32>
    %swap3A = arith.constant 0 : index
    %swap3A_20 = arith.constant 0 : index
    %swap3A_21 = vector.load %arg4[%swap3A, %swap3A_20] : memref<1000x64xf32, #tpu.memory_space<vmem>>, vector<1000x64xf32>
    tpu.vector_store %arg4[%swap3A, %swap3A_20], %add3A_19 {strides = array<i32>} : memref<1000x64xf32, #tpu.memory_space<vmem>>, vector<1000x64xf32>,
    return
  }
  func.func @transform_0(%arg0: i32) -> (i32, i32, i32) {
    %c0_i32 = arith.constant 0 : i32
    %c0_i32_0 = arith.constant 0 : i32
    %c0_i32_1 = arith.constant 0 : i32
    return %c0_i32, %arg0, %c0_i32_0 : i32, i32, i32
  }
  func.func @transform_1(%arg0: i32) -> (i32, i32) {
    %c0_i32 = arith.constant 0 : i32
    %c0_i32_0 = arith.constant 0 : i32
    return %arg0, %c0_i32 : i32, i32
  }
  func.func @transform_2(%arg0: i32) -> i32 {
    %c0_i32 = arith.constant 0 : i32
    %c0_i32_0 = arith.constant 0 : i32
    return %c0_i32 : i32
  }
  func.func @transform_3(%arg0: i32) -> (i32, i32) {
    %c0_i32 = arith.constant 0 : i32
    %c0_i32_0 = arith.constant 0 : i32
    return %arg0, %c0_i32 : i32, i32
  }
}

</mosaic_0001>

<sc_bundles>
// kernel: kernel.10.cloned.1.call-start
scs
__scs_entry_jumppad:
0x0: {  	(pc) =	sbr.rel $0x88, $3  }
0x1: {  	(tag) =	ssettag $0x0;
	lr =	simm.s32 $0x1  }
0x2: {  	[smem:$0x3F99] =	sst lr;
	_ =	strace $0xD0000000  }
0x3: {  	_ = 	snop  }
0x4: {  	_ = 	snop  }
0x5: {  	_ = 	snop  }
0x6: {  	_ = 	snop  }
0x7: {  	_ = 	snop  }
__scs_overlays_trampoline_lowered:
0x8: {  	[smem:$0x3FA8] =	sst s0  }
0x9: {  	[smem:$0x3FA9] =	sst s1  }
0xa: {  	[smem:$0x3FAA] =	sst s2  }
0xb: {  	[smem:$0x3FAB] =	sst s3  }
0xc: {  	[smem:$0x3FAC] =	sst s4  }
0xd: {  	[smem:$0x3FAD] =	sst s5  }
0xe: {  	[smem:$0x3FAE] =	sst s6  }
0xf: {  	[smem:$0x3FAF] =	sst s7  }
0x10: {  	[smem:$0x3FB0] =	sst s8  }
0x11: {  	[smem:$0x3FB1] =	sst s9;
	s0 =	simm.s32 @!p0 $0x0  }
0x12: {  	s1 =	sld [smem:$0x3F97];
	s0 =	simm.s32 @p0 $0x1  }
0x13: {  	[smem:$0x3FB2] =	sst s0;
	s0 =	simm.s32 @!p1 $0x0  }
0x14: {  	s2 =	sld [smem:$0x3F96];
	s0 =	simm.s32 @p1 $0x1  }
0x15: {  	[smem:$0x3FB3] =	sst s0;
	s0 =	simm.s32 @!p2 $0x0  }
0x16: {  	s3 =	sld [smem:$0x3FDB];
	s0 =	simm.s32 @p2 $0x1  }
0x17: {  	s4 =	simm.s32 $0x1BF5;
	[smem:$0x3FB5] =	sst s0  }
0x18: {  	s0 =	sld [smem:$0x3F98];
	_ =	swait.ge [sflag:s4], $0x0  }
0x19: {  	s7 =	sld [smem:$0x3F99]  }
0x1a: {  	s8 =	sadd.s32 $0xFFFFE003, lr  }
0x1b: {  	s9 =	sadd.s32 $0xFFFFFEF7, lr;
	s5 =	simm.s32 $0xFFFFFFFF;
	p2 =	slt.u32 s8, $0xFFFFF086  }
0x1c: {  	p1 =	slt.u32 s9, $0xF7A;
	s5 =	simm.s32 @!p2 $0x0  }
0x1d: {  	s5 =	simm.s32 @p1 $0x1;
	p0 =	seq.s32 s7, s2  }
0x1e: {  	s7 =	smul.u32 @!p0 $0xF7A, s2;
	p2 =	seq.s32 @!p0 s5, $0x0  }
0x1f: {  	s9 =	smul.u32 $0xF7A, s1;
	s8 =	simm.s32 @!p0 $0x1BF5;
	p2 =	por !p2, p0  }
0x20: {  	[sflag:s8] =	ssyncset.s32 @!p0 $0xFFFFF086;
	s6 =	sadd.s32 @!p0 s3, s7;
	s7 =	simm.s32 @!p0 $0x108  }
0x21: {  	s3 =	sadd.s32 s3, s9;
	s6 =	sadd.s32 @!p0 $0x88, s6;
	s7 =	simm.s32 @p2 $0x1082  }
0x22: {  	[simem:s7], [sflag:s8] =	dma.local @!p0 [hbm:s6], $0xF7A  }
0x23: {  	s9 =	sor.u32 $0xD0000000, s2;
	s6 =	simm.s32 $0x108;
	_ =	swait.ge @!p0 [sflag:s8], $0x0  }
0x24: {  	s3 =	sadd.s32 $0x88, s3;
	s6 =	simm.s32 @!p1 $0x1082;
	[sflag:s4] =	ssyncset.s32 $0xFFFFF086  }
0x25: {  	[simem:s6], [sflag:s4] =	dma.local [hbm:s3], $0xF7A  }
0x26: {  	[smem:$0x3F99] =	sst s1;
	(tag) =	ssettag s2;
	_ =	strace s9  }
0x27: {  	s1 =	sld [smem:$0x3FA9]  }
0x28: {  	s2 =	sld [smem:$0x3FAA]  }
0x29: {  	s4 =	sld [smem:$0x3FAC]  }
0x2a: {  	p0 =	seq.s32 s5, $0x0;
	s5 =	sld [smem:$0x3FAD]  }
0x2b: {  	s6 =	sld [smem:$0x3FAE]  }
0x2c: {  	s7 =	sld [smem:$0x3FAF]  }
0x2d: {  	s3 =	simm.s32 $0x108;
	s8 =	sld [smem:$0x3FB0]  }
0x2e: {  	s3 =	simm.s32 @!p0 $0x1082;
	s9 =	sld [smem:$0x3FB1]  }
0x2f: {  	lr =	sadd.s32 s0, s3;
	s0 =	sld [smem:$0x3FA8]  }
0x30: {  	s3 =	sld [smem:$0x3FAB]  }
0x31: {  	[smem:$0x3FB4] =	sst s10  }
0x32: {  	s10 =	sld [smem:$0x3FB2];
	_ =	sdelay $0x3  }
0x33: {  	p0 =	seq.s32 s10, $0x1;
	s10 =	sld [smem:$0x3FB4];
	_ =	sdelay $0x3  }
0x34: {  	[smem:$0x3FB4] =	sst s10  }
0x35: {  	s10 =	sld [smem:$0x3FB3];
	_ =	sdelay $0x3  }
0x36: {  	p1 =	seq.s32 s10, $0x1;
	s10 =	sld [smem:$0x3FB4];
	_ =	sdelay $0x3  }
0x37: {  	[smem:$0x3FB4] =	sst s10  }
0x38: {  	s10 =	sld [smem:$0x3FB5]  }
0x39: {  	_ = 	snop;
	(pc) =	sbr.ind lr, $3  }
0x3a: {  	_ = 	snop  }
0x3b: {  	_ = 	snop  }
0x3c: {  	p2 =	seq.s32 s10, $0x1;
	s10 =	sld [smem:$0x3FB4]  }
0x3d: {  	_ =	shalt  }
0x3e: {  	_ =	shalt  }
0x3f: {  	_ =	shalt  }
0x40: {  	_ =	shalt  }
0x41: {  	_ =	shalt  }
0x42: {  	_ =	shalt  }
0x43: {  	_ =	shalt  }
0x44: {  	_ =	shalt  }
0x45: {  	_ =	shalt  }
0x46: {  	_ =	shalt  }
0x47: {  	_ =	shalt  }
0x48: {  	_ =	shalt  }
0x49: {  	_ =	shalt  }
0x4a: {  	_ =	shalt  }
0x4b: {  	_ =	shalt  }
0x4c: {  	_ =	shalt  }
0x4d: {  	_ =	shalt  }
0x4e: {  	_ =	shalt  }
0x4f: {  	_ =	shalt  }
0x50: {  	_ =	shalt  }
0x51: {  	_ =	shalt  }
0x52: {  	_ =	shalt  }
0x53: {  	_ =	shalt  }
0x54: {  	_ =	shalt  }
0x55: {  	_ =	shalt  }
0x56: {  	_ =	shalt  }
0x57: {  	_ =	shalt  }
0x58: {  	_ =	shalt  }
0x59: {  	_ =	shalt  }
0x5a: {  	_ =	shalt  }
0x5b: {  	_ =	shalt  }
0x5c: {  	_ =	shalt  }
0x5d: {  	_ =	shalt  }
0x5e: {  	_ =	shalt  }
0x5f: {  	_ =	shalt  }
0x60: {  	_ =	shalt  }
0x61: {  	_ =	shalt  }
0x62: {  	_ =	shalt  }
0x63: {  	_ =	shalt  }
0x64: {  	_ =	shalt  }
0x65: {  	_ =	shalt  }
0x66: {  	_ =	shalt  }
0x67: {  	_ =	shalt  }
0x68: {  	_ =	shalt  }
0x69: {  	_ =	shalt  }
0x6a: {  	_ =	shalt  }
0x6b: {  	_ =	shalt  }
0x6c: {  	_ =	shalt  }
0x6d: {  	_ =	shalt  }
0x6e: {  	_ =	shalt  }
0x6f: {  	_ =	shalt  }
0x70: {  	_ =	shalt  }
0x71: {  	_ =	shalt  }
0x72: {  	_ =	shalt  }
0x73: {  	_ =	shalt  }
0x74: {  	_ =	shalt  }
0x75: {  	_ =	shalt  }
0x76: {  	_ =	shalt  }
0x77: {  	_ =	shalt  }
0x78: {  	_ =	shalt  }
0x79: {  	_ =	shalt  }
0x7a: {  	_ =	shalt  }
0x7b: {  	_ =	shalt  }
0x7c: {  	_ =	shalt  }
0x7d: {  	_ =	shalt  }
0x7e: {  	_ =	shalt  }
0x7f: {  	_ =	shalt  }
0x80: {  	_ =	shalt  }
0x81: {  	_ =	shalt  }
0x82: {  	_ =	shalt  }
0x83: {  	_ =	shalt  }
0x84: {  	_ =	shalt  }
0x85: {  	_ =	shalt  }
0x86: {  	_ =	shalt  }
0x87: {  	_ =	shalt  }
.Lfunc_end0:
.L_simem_size_0:
called_computation_lowered:
.L_overlay_start_0:
0x88: {  	s2 =	sld [smem:$0x3FD9]  }
0x89: {  	s3 =	sld [smem:$0x3FFE];
	_ =	sdelay $0x1  }
0x8a: {  	s1 =	srdreg.scid  }
0x8b: {  	s0 =	sand.u32 $0x1, s1  }
0x8c: {  	s17 =	sshll.u32 s0, $0xA;
	s2 =	sadd.s32 s3, s2  }
0x8d: {  	s2 =	sadd.s32 s2, s17  }
0x8e: {  	[smem:$0x3FC0] =	sst s2  }
0x8f: {  	_ = 	snop  }
0x90: {  	s2 =	sld [smem:$0x3FD0];
	(tm) =	ssettm $0x1  }
0x91: {  	s18 =	sld [smem:$0x3FFB];
	_ =	sdelay $0x3  }
0x92: {  	_ =	strace s18  }
0x93: {  	s3 =	sld [smem:$0x3FFC];
	_ =	sdelay $0x3  }
0x94: {  	_ =	strace s3  }
0x95: {  	s3 =	sld [smem:$0x3FFD];
	_ =	sdelay $0x3  }
0x96: {  	_ =	strace s3  }
0x97: {  	_ =	strace $0x8FFFFFFF  }
0x98: {  	s19 =	sld [smem:$0x3FDB];
	_ =	sdelay $0x1  }
0x99: {  	s4 =	simm.s32 $_scs_section_size  }
0x9a: {  	s5 =	simm.s32 $_size__tile_overlayer_lowered;
	s6 =	simm.s32 $_tile_overlayer_lowered  }
0x9b: {  	s22 =	simm.s32 $0x1BFF;
	s21 =	sshll.u32 s6, $0x1;
	s3 =	sadd.s32 s4, s19  }
0x9c: {  	s7 =	simm.s32 $0x0;
	s20 =	sshll.u32 s5, $0x1;
	s5 =	sadd.s32 s21, s3  }
0x9d: {  	[timem:s7], [sflag:s22] =	dma.local [hbm:s5], s20  }
0x9e: {  	_ =	swait.ge [sflag:s22], s20  }
0x9f: {  	s4 =	ssub.s32 $0x0, s20;
	[sflag:s22] =	ssyncset.done $0x0  }
0xa0: {  	[sflag:s22] =	ssyncadd.s32 s4;
	_ =	sdelay $0x1  }
0xa1: {  	s23 =	simm.s32 $0x1B8B  }
0xa2: {  	_ =	swait.ge [sflag:s23], $0x1  }
0xa3: {  	[sflag:s23] =	ssyncset.done $0x0  }
0xa4: {  	s25 =	simm.s32 $0x1B8E;
	s24 =	sld [smem:$0x3FFE];
	[sflag:s23] =	ssyncadd.s32 $0xFFFFFFFF  }
0xa5: {  	s26 =	simm.s32 $execute0_lowered;
	[smem:$0x3FD2] =	sst s25  }
0xa6: {  	s5 =	sshll.u32 s26, $0x1;
	_ =	strace $0x80000046;
	[dreg:$0x1] =	wrdreg $0xFFFFFFFF  }
0xa7: {  	s28 =	simm.s32 $_size_execute0_lowered;
	s3 =	sadd.s32 s3, s5;
	[dreg:$0x0] =	wrdreg $0x0  }
0xa8: {  	s5 =	sshll.u32 s28, $0x1;
	[dreg:$0x2] =	wrdreg s3  }
0xa9: {  	[dreg:$0x3] =	wrdreg s5  }
0xaa: {  	[dreg:$0x4] =	wrdreg $0xC0  }
0xab: {  	_ =	task [dreg:s7], $0x5FFFF  }
0xac: {  	[dreg:$0x1] =	wrdreg $0xFFFFFFFF  }
0xad: {  	[dreg:$0x0] =	wrdreg $0x60  }
0xae: {  	[dreg:$0x2] =	wrdreg s24  }
0xaf: {  	[dreg:$0x3] =	wrdreg s2  }
0xb0: {  	[dreg:$0x4] =	wrdreg $0x0  }
0xb1: {  	[dreg:$0x5] =	wrdreg $0x9  }
0xb2: {  	_ =	task.clear_ibuf [dreg:s7], $0x6FFFF;
	_ =	strace $0x90000046  }
0xb3: {  	s29 =	simm.s32 $0x9;
	_ =	strace $0x80000048  }
0xb4: {  	_ =	swait.ge [sflag:s29], $0x1  }
0xb5: {  	[sflag:s29] =	ssyncadd.s32 $0xFFFFFFFF  }
0xb6: {  	_ =	strace $0x90000048  }
0xb7: {  	_ =	sfence  }
0xb8: {  	s30 =	sld [smem:$0x0];
	_ =	sdelay $0x2  }
0xb9: {  	s31 =	sshll.u32 s1, $0xD;
	s1 =	sshrl.u32 s1, $0x2  }
0xba: {  	s3 =	sand.u32 $0x4000, s31;
	s1 =	sadd.s32 s1, s30  }
0xbb: {  	s0 =	sor.u32 s3, s0;
	s1 =	sshll.u32 s1, $0x11  }
0xbc: {  	s0 =	sor.u32 s1, s0  }
0xbd: {  	s0 =	sadd.s32 $0x8F2B, s0  }
0xbe: {  	[sflag:s0] =	ssyncadd.remote.s32 $0x1  }
0xbf: {  	_ =	sfence.sel $0xFFFF  }
0xc0: {  	[dreg:$0x0] =	wrdreg $0xFFFFFFFF;
	(pc) =	sbr.abs _section_cstart, $3  }
0xc1: {  	[dreg:$0x1] =	wrdreg $0xFFFFFFFF  }
0xc2: {  	_ =	task.clear_ibuf [dreg:s7], $0x2FFFF;
	_ =	strace $0x9FFFFFFF  }
0xc3: {  	(tm) =	ssettm $0x7FFFFFFF  }
tec
execute0_lowered:
.L_overlay_start_1:
0x0: {  	(tag) =	ssettag $0x1  }
0x1: {  	s0 =	srdreg.scid;
	s6 =	rddreg [dreg:$0x0]  }
0x2: {  	s15 =	stileid.u32;
	s1 =	rddreg [dreg:$0x1]  }
0x3: {  	s2 =	rddreg [dreg:$0x2];
	s3 =	simm.s32 $0x0;
	s11 =	simm.s32 $0x3  }
0x4: {  	s12 =	simm.s32 $0x5278;
	s14 =	simm.s32 $0x1;
	s16 =	simm.s32 $0x51F8  }
0x5: {  	s20 =	simm.s32 $0x0;
	s8 =	sand.u32 $0x1, s0;
	s0 =	rddreg [dreg:$0x3]  }
0x6: {  	s5 =	smul.u32 $0x5000, s15;
	[smem:$0x7FF] =	sst s3;
	p0 =	seq.s32 s15, $0x0  }
0x7: {  	s4 =	smul.u32 $0x50000, s8;
	_ =	strace $0x80000047;
	s9 =	ssub.s32 $0x2, s8  }
0x8: {  	p1 =	seq.s32 s8, $0x1;
	s13 =	sor.u32 s15, s8;
	s10 =	sshrl.u32 s9, $0x1  }
0x9: {  	p0 =	por !p0, !p1;
	p2 =	sne.s32 s13, $0x0;
	s13 =	simm.s32 $0x7D  }
0xa: {  	s4 =	sadd.s32 s5, s4;
	s5 =	sadd.s32 $0x16A00, s6;
	s9 =	ssub.s32 s9, s10  }
0xb: {  	p1 =	por !p0, !p0;
	p0 =	sne.s32 s15, $0x0;
	s10 =	simm.s32 $0x278  }
0xc: {  	s17 =	sshll.u32 @!p2 s15, $0x6;
	s15 =	simm.s32 $0x2;
	s18 =	sshrl.u32 @!p2 s2, $0x3  }
0xd: {  	s4 =	sshrl.u32 s4, $0x3;
	s8 =	smax.u32 s9, $0x1;
	s9 =	sshrl.u32 @!p0 s2, $0x3  }
0xe: {  	s17 =	sor.u32 @!p2 $0x1C03, s17;
	s19 =	sshrl.u32 @p1 s2, $0x3;
	s7 =	sadd.s32 s4, s6  }
0xf: {  	s4 =	sadd.s32 $0x16800, s6;
	s6 =	sadd.s32 $0x17000, s6;
	s7 =	sadd.s32 $0x2800, s7  }
.LBB2_1:
0x10: {  	s21 =	simm.s32 @!p0 $0x1C03  }
0x11: {  	[spmem:s9], [sflag:s21] =	dma.local @!p0 [hbm:s1], $0x4F0  }
0x12: {  	s21 =	simm.s32 @!p0 $0x3  }
0x13: {  	_ =	swait.ge @!p0 [sflag:s21], $0x4F0  }
0x14: {  	[sflag:s21] =	ssyncset.done @!p0 $0x0  }
0x15: {  	[sflag:s21] =	ssyncadd.s32 @!p0 $0xFFFFFB10  }
0x16: {  	[tilespmem:s10], [sflag:$0x3] =	stream.linear.gather [hbm4b:s7+s3], $0x5000, $0x38;
	[tilespmem:$0x52F8] =	vst v63  }
0x17: {  	_ =	swait.ge [sflag:s11], $0x5000  }
0x18: {  	[sflag:s11] =	ssyncset.done $0x0  }
0x19: {  	[sflag:s11] =	ssyncadd.s32 $0xFFFFB000  }
0x1a: {  	[tilespmem:s12], [sflag:$0x3] =	stream.linear.gather [hbm4b:s4+s3], $0x80, $0x38;
	[tilespmem:$0x52F8] =	vst v63  }
0x1b: {  	_ =	swait.ge [sflag:s11], $0x80  }
0x1c: {  	[sflag:s11] =	ssyncset.done $0x0  }
0x1d: {  	[sflag:s11] =	ssyncadd.s32 $0xFFFFFF80  }
0x1e: {  	[bflag:$0x0] =	sbarrier.arrive $0xFFFF  }
0x1f: {  	[spmem:s2] =	stream.indirect.scatter.add.f32 [tilespmem:s12], [sflag:$0x1], $0x1, s10, s13, $0xb8;
	[tilespmem:$0x52F8] =	vst v63  }
0x20: {  	s30 =	simm.s32 $0x2F8  }
0x21: {  	[spmem:s2] =	stream.indirect.scatter.add.f32 [tilespmem:s12], [sflag:$0x2], $0x1, s30, s13, $0xb8;
	[tilespmem:$0x52F8] =	vst v63  }
0x22: {  	_ =	swait.ge [sflag:s14], $0x7D  }
0x23: {  	[sflag:s14] =	ssyncset.done $0x0  }
0x24: {  	s31 =	simm.s32 $0x378;
	[sflag:s14] =	ssyncadd.s32 $0xFFFFFF83  }
0x25: {  	[spmem:s2] =	stream.indirect.scatter.add.f32 [tilespmem:s12], [sflag:$0x1], $0x1, s31, s13, $0xb8;
	[tilespmem:$0x52F8] =	vst v63  }
0x26: {  	_ =	swait.ge [sflag:s15], $0x7D  }
0x27: {  	s22 =	simm.s32 $0xFFFECC00;
	s21 =	simm.s32 $0xFFFFB200;
	[sflag:s15] =	ssyncset.done $0x0  }
.LBB2_2:
0x28: {  	s23 =	sadd.s32 $0x51F8, s21  }
0x29: {  	[sflag:s15] =	ssyncadd.s32 $0xFFFFFF83;
	s24 =	smov.u32 s22;
	s25 =	sadd.s32 $0x400, s22  }
0x2a: {  	[spmem:s2] =	stream.indirect.scatter.add.f32 [tilespmem:s12], [sflag:$0x2], $0x1, s23, s13, $0xb8;
	[tilespmem:$0x52F8] =	vst v63  }
0x2b: {  	p3 =	sne.s32 s22, $0xFFFFFC00;
	_ =	swait.ge [sflag:s14], $0x7D  }
.Ltmp0:
0x2c: {  	[sflag:s14] =	ssyncset.done $0x0;
	(pc) =	sbr.rel @p3 .LBB2_2-.Ltmp0, $4  }
0x2d: {  	s21 =	sadd.s32 $0x5278, s21;
	[sflag:s14] =	ssyncadd.s32 $0xFFFFFF83  }
0x2e: {  	[spmem:s2] =	stream.indirect.scatter.add.f32 [tilespmem:s12], [sflag:$0x1], $0x1, s21, s13, $0xb8;
	[tilespmem:$0x52F8] =	vst v63  }
0x2f: {  	_ =	swait.ge [sflag:s15], $0x7D  }
0x30: {  	s22 =	smov.u32 s25;
	s21 =	sshra.s32 s24, $0x2;
	[sflag:s15] =	ssyncset.done $0x0  }
0x31: {  	s22 =	sadd.s32 $0x51F8, s21;
	[sflag:s15] =	ssyncadd.s32 $0xFFFFFF83  }
0x32: {  	[spmem:s2] =	stream.indirect.scatter.add.f32 [tilespmem:s12], [sflag:$0x2], $0x1, s22, s13, $0xb8;
	[tilespmem:$0x52F8] =	vst v63  }
0x33: {  	_ =	swait.ge [sflag:s14], $0x7D  }
0x34: {  	[sflag:s14] =	ssyncset.done $0x0  }
0x35: {  	s31 =	sadd.s32 $0x5278, s21;
	[sflag:s14] =	ssyncadd.s32 $0xFFFFFF83  }
0x36: {  	[spmem:s2] =	stream.indirect.scatter.add.f32 [tilespmem:s12], [sflag:$0x1], $0x1, s31, s13, $0xb8;
	[tilespmem:$0x52F8] =	vst v63  }
0x37: {  	_ =	swait.ge [sflag:s15], $0x7D  }
0x38: {  	[sflag:s15] =	ssyncset.done $0x0  }
0x39: {  	[sflag:s15] =	ssyncadd.s32 $0xFFFFFF83  }
0x3a: {  	[spmem:s2] =	stream.indirect.scatter.add.f32 [tilespmem:s12], [sflag:$0x2], $0x1, s16, s13, $0xb8;
	[tilespmem:$0x52F8] =	vst v63  }
0x3b: {  	_ =	swait.ge [sflag:s14], $0x7D  }
0x3c: {  	[sflag:s14] =	ssyncset.done $0x0  }
0x3d: {  	[sflag:s14] =	ssyncadd.s32 $0xFFFFFF83  }
0x3e: {  	_ =	swait.ge [sflag:s15], $0x7D  }
0x3f: {  	[sflag:s15] =	ssyncset.done $0x0  }
0x40: {  	[sflag:s15] =	ssyncadd.s32 $0xFFFFFF83  }
0x41: {  	s21 =	simm.s32 @!p2 $0x3;
	[bflag:$0x0] =	sbarrier.arrive $0xFFFF  }
0x42: {  	[hbm:s5], [sflag:s17] =	dma.local @!p2 [spmem:s18], $0x4F0  }
0x43: {  	_ =	swait.ge @!p2 [sflag:s21], $0x4F0  }
0x44: {  	s20 =	sadd.s32 $0x1, s20;
	[sflag:s21] =	ssyncset.done @!p2 $0x0  }
0x45: {  	p3 =	sne.s32 s20, s8;
	[sflag:s21] =	ssyncadd.s32 @!p2 $0xFFFFFB10;
	s21 =	simm.s32 @p1 $0x1C03  }
0x46: {  	[hbm:s6], [sflag:s21] =	dma.local @p1 [spmem:s19], $0x4F0  }
.Ltmp1:
0x47: {  	_ = 	snop;
	(pc) =	sbr.rel @p3 .LBB2_1-.Ltmp1, $4  }
0x48: {  	s21 =	simm.s32 @p1 $0x3  }
0x49: {  	_ =	swait.ge @p1 [sflag:s21], $0x4F0  }
0x4a: {  	[sflag:s21] =	ssyncset.done @p1 $0x0  }
0x4b: {  	[sflag:s21] =	ssyncadd.s32 @p1 $0xFFFFFB10  }
0x4c: {  	_ =	sfence.sel $0x180000  }
0x4d: {  	[bflag:$0x0] =	sbarrier.arrive $0xFFFF  }
0x4e: {  	_ =	strace $0x90000047  }
0x4f: {  	s0 =	sadd.s32 @!p0 $0x100000, s0;
	[bflag:$0x2] =	sbarrier.arrive $0xFFFF  }
0x50: {  	[sflag:s0] =	ssyncadd.tile.s32 @!p0 $0x1;
	_ =	shalt  }
.Lfunc_end2:
_tile_overlayer_lowered:
.L_overlay_start_2:
0x51: {  	(tag) =	ssettag $0x2  }
0x52: {  	s0 =	rddreg [dreg:$0x0];
	s2 =	stileid.u32  }
0x53: {  	s1 =	rddreg [dreg:$0x1];
	p0 =	sne.s32 s2, $0x0  }
0x54: {  	s3 =	rddreg [dreg:$0x2];
	[bflag:$0x3] =	sbarrier.arrive $0xFFFF;
	s2 =	simm.s32 @!p0 $0x1C03  }
0x55: {  	[timem:s3], [sflag:s2] =	dma.local @!p0 [hbm:s0], s1  }
0x56: {  	s0 =	simm.s32 @!p0 $0x3  }
0x57: {  	_ =	swait.ge @!p0 [sflag:s0], s1  }
0x58: {  	s1 =	ssub.s32 @!p0 $0x0, s1;
	[sflag:s0] =	ssyncset.done @!p0 $0x0  }
0x59: {  	[sflag:s0] =	ssyncadd.s32 @!p0 s1  }
0x5a: {  	[bflag:$0x3] =	sbarrier.arrive $0xFFFF  }
0x5b: {  	_ =	shalt  }

// kernel: kernel.13.cloned.1.call-start
scs
__scs_entry_jumppad:
0x0: {  	(pc) =	sbr.rel $0x88, $3  }
0x1: {  	(tag) =	ssettag $0x0;
	lr =	simm.s32 $0x1  }
0x2: {  	[smem:$0x3F99] =	sst lr;
	_ =	strace $0xD0000000  }
0x3: {  	_ = 	snop  }
0x4: {  	_ = 	snop  }
0x5: {  	_ = 	snop  }
0x6: {  	_ = 	snop  }
0x7: {  	_ = 	snop  }
__scs_overlays_trampoline_lowered:
0x8: {  	[smem:$0x3FA8] =	sst s0  }
0x9: {  	[smem:$0x3FA9] =	sst s1  }
0xa: {  	[smem:$0x3FAA] =	sst s2  }
0xb: {  	[smem:$0x3FAB] =	sst s3  }
0xc: {  	[smem:$0x3FAC] =	sst s4  }
0xd: {  	[smem:$0x3FAD] =	sst s5  }
0xe: {  	[smem:$0x3FAE] =	sst s6  }
0xf: {  	[smem:$0x3FAF] =	sst s7  }
0x10: {  	[smem:$0x3FB0] =	sst s8  }
0x11: {  	[smem:$0x3FB1] =	sst s9;
	s0 =	simm.s32 @!p0 $0x0  }
0x12: {  	s1 =	sld [smem:$0x3F97];
	s0 =	simm.s32 @p0 $0x1  }
0x13: {  	[smem:$0x3FB2] =	sst s0;
	s0 =	simm.s32 @!p1 $0x0  }
0x14: {  	s2 =	sld [smem:$0x3F96];
	s0 =	simm.s32 @p1 $0x1  }
0x15: {  	[smem:$0x3FB3] =	sst s0;
	s0 =	simm.s32 @!p2 $0x0  }
0x16: {  	s3 =	sld [smem:$0x3FDB];
	s0 =	simm.s32 @p2 $0x1  }
0x17: {  	s4 =	simm.s32 $0x1BF5;
	[smem:$0x3FB5] =	sst s0  }
0x18: {  	s0 =	sld [smem:$0x3F98];
	_ =	swait.ge [sflag:s4], $0x0  }
0x19: {  	s7 =	sld [smem:$0x3F99]  }
0x1a: {  	s8 =	sadd.s32 $0xFFFFE003, lr  }
0x1b: {  	s9 =	sadd.s32 $0xFFFFFEF7, lr;
	s5 =	simm.s32 $0xFFFFFFFF;
	p2 =	slt.u32 s8, $0xFFFFF086  }
0x1c: {  	p1 =	slt.u32 s9, $0xF7A;
	s5 =	simm.s32 @!p2 $0x0  }
0x1d: {  	s5 =	simm.s32 @p1 $0x1;
	p0 =	seq.s32 s7, s2  }
0x1e: {  	s7 =	smul.u32 @!p0 $0xF7A, s2;
	p2 =	seq.s32 @!p0 s5, $0x0  }
0x1f: {  	s9 =	smul.u32 $0xF7A, s1;
	s8 =	simm.s32 @!p0 $0x1BF5;
	p2 =	por !p2, p0  }
0x20: {  	[sflag:s8] =	ssyncset.s32 @!p0 $0xFFFFF086;
	s6 =	sadd.s32 @!p0 s3, s7;
	s7 =	simm.s32 @!p0 $0x108  }
0x21: {  	s3 =	sadd.s32 s3, s9;
	s6 =	sadd.s32 @!p0 $0x88, s6;
	s7 =	simm.s32 @p2 $0x1082  }
0x22: {  	[simem:s7], [sflag:s8] =	dma.local @!p0 [hbm:s6], $0xF7A  }
0x23: {  	s9 =	sor.u32 $0xD0000000, s2;
	s6 =	simm.s32 $0x108;
	_ =	swait.ge @!p0 [sflag:s8], $0x0  }
0x24: {  	s3 =	sadd.s32 $0x88, s3;
	s6 =	simm.s32 @!p1 $0x1082;
	[sflag:s4] =	ssyncset.s32 $0xFFFFF086  }
0x25: {  	[simem:s6], [sflag:s4] =	dma.local [hbm:s3], $0xF7A  }
0x26: {  	[smem:$0x3F99] =	sst s1;
	(tag) =	ssettag s2;
	_ =	strace s9  }
0x27: {  	s1 =	sld [smem:$0x3FA9]  }
0x28: {  	s2 =	sld [smem:$0x3FAA]  }
0x29: {  	s4 =	sld [smem:$0x3FAC]  }
0x2a: {  	p0 =	seq.s32 s5, $0x0;
	s5 =	sld [smem:$0x3FAD]  }
0x2b: {  	s6 =	sld [smem:$0x3FAE]  }
0x2c: {  	s7 =	sld [smem:$0x3FAF]  }
0x2d: {  	s3 =	simm.s32 $0x108;
	s8 =	sld [smem:$0x3FB0]  }
0x2e: {  	s3 =	simm.s32 @!p0 $0x1082;
	s9 =	sld [smem:$0x3FB1]  }
0x2f: {  	lr =	sadd.s32 s0, s3;
	s0 =	sld [smem:$0x3FA8]  }
0x30: {  	s3 =	sld [smem:$0x3FAB]  }
0x31: {  	[smem:$0x3FB4] =	sst s10  }
0x32: {  	s10 =	sld [smem:$0x3FB2];
	_ =	sdelay $0x3  }
0x33: {  	p0 =	seq.s32 s10, $0x1;
	s10 =	sld [smem:$0x3FB4];
	_ =	sdelay $0x3  }
0x34: {  	[smem:$0x3FB4] =	sst s10  }
0x35: {  	s10 =	sld [smem:$0x3FB3];
	_ =	sdelay $0x3  }
0x36: {  	p1 =	seq.s32 s10, $0x1;
	s10 =	sld [smem:$0x3FB4];
	_ =	sdelay $0x3  }
0x37: {  	[smem:$0x3FB4] =	sst s10  }
0x38: {  	s10 =	sld [smem:$0x3FB5]  }
0x39: {  	_ = 	snop;
	(pc) =	sbr.ind lr, $3  }
0x3a: {  	_ = 	snop  }
0x3b: {  	_ = 	snop  }
0x3c: {  	p2 =	seq.s32 s10, $0x1;
	s10 =	sld [smem:$0x3FB4]  }
0x3d: {  	_ =	shalt  }
0x3e: {  	_ =	shalt  }
0x3f: {  	_ =	shalt  }
0x40: {  	_ =	shalt  }
0x41: {  	_ =	shalt  }
0x42: {  	_ =	shalt  }
0x43: {  	_ =	shalt  }
0x44: {  	_ =	shalt  }
0x45: {  	_ =	shalt  }
0x46: {  	_ =	shalt  }
0x47: {  	_ =	shalt  }
0x48: {  	_ =	shalt  }
0x49: {  	_ =	shalt  }
0x4a: {  	_ =	shalt  }
0x4b: {  	_ =	shalt  }
0x4c: {  	_ =	shalt  }
0x4d: {  	_ =	shalt  }
0x4e: {  	_ =	shalt  }
0x4f: {  	_ =	shalt  }
0x50: {  	_ =	shalt  }
0x51: {  	_ =	shalt  }
0x52: {  	_ =	shalt  }
0x53: {  	_ =	shalt  }
0x54: {  	_ =	shalt  }
0x55: {  	_ =	shalt  }
0x56: {  	_ =	shalt  }
0x57: {  	_ =	shalt  }
0x58: {  	_ =	shalt  }
0x59: {  	_ =	shalt  }
0x5a: {  	_ =	shalt  }
0x5b: {  	_ =	shalt  }
0x5c: {  	_ =	shalt  }
0x5d: {  	_ =	shalt  }
0x5e: {  	_ =	shalt  }
0x5f: {  	_ =	shalt  }
0x60: {  	_ =	shalt  }
0x61: {  	_ =	shalt  }
0x62: {  	_ =	shalt  }
0x63: {  	_ =	shalt  }
0x64: {  	_ =	shalt  }
0x65: {  	_ =	shalt  }
0x66: {  	_ =	shalt  }
0x67: {  	_ =	shalt  }
0x68: {  	_ =	shalt  }
0x69: {  	_ =	shalt  }
0x6a: {  	_ =	shalt  }
0x6b: {  	_ =	shalt  }
0x6c: {  	_ =	shalt  }
0x6d: {  	_ =	shalt  }
0x6e: {  	_ =	shalt  }
0x6f: {  	_ =	shalt  }
0x70: {  	_ =	shalt  }
0x71: {  	_ =	shalt  }
0x72: {  	_ =	shalt  }
0x73: {  	_ =	shalt  }
0x74: {  	_ =	shalt  }
0x75: {  	_ =	shalt  }
0x76: {  	_ =	shalt  }
0x77: {  	_ =	shalt  }
0x78: {  	_ =	shalt  }
0x79: {  	_ =	shalt  }
0x7a: {  	_ =	shalt  }
0x7b: {  	_ =	shalt  }
0x7c: {  	_ =	shalt  }
0x7d: {  	_ =	shalt  }
0x7e: {  	_ =	shalt  }
0x7f: {  	_ =	shalt  }
0x80: {  	_ =	shalt  }
0x81: {  	_ =	shalt  }
0x82: {  	_ =	shalt  }
0x83: {  	_ =	shalt  }
0x84: {  	_ =	shalt  }
0x85: {  	_ =	shalt  }
0x86: {  	_ =	shalt  }
0x87: {  	_ =	shalt  }
.Lfunc_end0:
.L_simem_size_0:
called_computation.1_lowered:
.L_overlay_start_0:
0x88: {  	s2 =	sld [smem:$0x3FD9]  }
0x89: {  	s3 =	sld [smem:$0x3FFE];
	_ =	sdelay $0x1  }
0x8a: {  	s1 =	srdreg.scid  }
0x8b: {  	s0 =	sand.u32 $0x1, s1  }
0x8c: {  	s16 =	sshll.u32 s0, $0xA;
	s2 =	sadd.s32 s3, s2  }
0x8d: {  	s2 =	sadd.s32 s2, s16  }
0x8e: {  	[smem:$0x3FC0] =	sst s2  }
0x8f: {  	_ = 	snop  }
0x90: {  	(tm) =	ssettm $0x1  }
0x91: {  	s17 =	sld [smem:$0x3FFB];
	_ =	sdelay $0x3  }
0x92: {  	_ =	strace s17  }
0x93: {  	s2 =	sld [smem:$0x3FFC];
	_ =	sdelay $0x3  }
0x94: {  	_ =	strace s2  }
0x95: {  	s2 =	sld [smem:$0x3FFD];
	_ =	sdelay $0x3  }
0x96: {  	_ =	strace s2  }
0x97: {  	_ =	strace $0x8FFFFFFF  }
0x98: {  	s18 =	sld [smem:$0x3FDB];
	_ =	sdelay $0x1  }
0x99: {  	s19 =	simm.s32 $_scs_section_size  }
0x9a: {  	s4 =	simm.s32 $_size__tile_overlayer_lowered;
	s5 =	simm.s32 $_tile_overlayer_lowered  }
0x9b: {  	s22 =	simm.s32 $0x1BFF;
	s21 =	sshll.u32 s5, $0x1;
	s2 =	sadd.s32 s19, s18  }
0x9c: {  	s6 =	simm.s32 $0x0;
	s20 =	sshll.u32 s4, $0x1;
	s4 =	sadd.s32 s21, s2  }
0x9d: {  	[timem:s6], [sflag:s22] =	dma.local [hbm:s4], s20  }
0x9e: {  	_ =	swait.ge [sflag:s22], s20  }
0x9f: {  	s3 =	ssub.s32 $0x0, s20;
	[sflag:s22] =	ssyncset.done $0x0  }
0xa0: {  	[sflag:s22] =	ssyncadd.s32 s3;
	_ =	sdelay $0x1  }
0xa1: {  	s23 =	simm.s32 $0x1B8B  }
0xa2: {  	_ =	swait.ge [sflag:s23], $0x1  }
0xa3: {  	[sflag:s23] =	ssyncset.done $0x0  }
0xa4: {  	s25 =	simm.s32 $0x1B8E;
	s24 =	sld [smem:$0x3FFE];
	[sflag:s23] =	ssyncadd.s32 $0xFFFFFFFF  }
0xa5: {  	s26 =	simm.s32 $execute0_lowered;
	[smem:$0x3FD2] =	sst s25  }
0xa6: {  	s4 =	sshll.u32 s26, $0x1;
	_ =	strace $0x80000049;
	[dreg:$0x1] =	wrdreg $0xFFFFFFFF  }
0xa7: {  	s28 =	simm.s32 $_size_execute0_lowered;
	s2 =	sadd.s32 s2, s4;
	[dreg:$0x0] =	wrdreg $0x0  }
0xa8: {  	s4 =	sshll.u32 s28, $0x1;
	[dreg:$0x2] =	wrdreg s2  }
0xa9: {  	[dreg:$0x3] =	wrdreg s4  }
0xaa: {  	[dreg:$0x4] =	wrdreg $0xC0  }
0xab: {  	_ =	task [dreg:s6], $0x5FFFF  }
0xac: {  	[dreg:$0x1] =	wrdreg $0xFFFFFFFF  }
0xad: {  	[dreg:$0x0] =	wrdreg $0x60  }
0xae: {  	[dreg:$0x2] =	wrdreg s24  }
0xaf: {  	[dreg:$0x3] =	wrdreg $0x0  }
0xb0: {  	[dreg:$0x4] =	wrdreg $0x9  }
0xb1: {  	_ =	task.clear_ibuf [dreg:s6], $0x5FFFF;
	_ =	strace $0x90000049  }
0xb2: {  	s29 =	simm.s32 $0x9;
	_ =	strace $0x8000004B  }
0xb3: {  	_ =	swait.ge [sflag:s29], $0x1  }
0xb4: {  	[sflag:s29] =	ssyncadd.s32 $0xFFFFFFFF  }
0xb5: {  	_ =	strace $0x9000004B  }
0xb6: {  	_ =	sfence  }
0xb7: {  	s30 =	sld [smem:$0x0];
	_ =	sdelay $0x2  }
0xb8: {  	s31 =	sshll.u32 s1, $0xD;
	s1 =	sshrl.u32 s1, $0x2  }
0xb9: {  	s3 =	sand.u32 $0x4000, s31;
	s1 =	sadd.s32 s1, s30  }
0xba: {  	s0 =	sor.u32 s3, s0;
	s1 =	sshll.u32 s1, $0x11  }
0xbb: {  	s0 =	sor.u32 s1, s0  }
0xbc: {  	s0 =	sadd.s32 $0x8F2B, s0  }
0xbd: {  	[sflag:s0] =	ssyncadd.remote.s32 $0x1  }
0xbe: {  	_ =	sfence.sel $0xFFFF  }
0xbf: {  	[dreg:$0x0] =	wrdreg $0xFFFFFFFF;
	(pc) =	sbr.abs _section_cstart, $3  }
0xc0: {  	[dreg:$0x1] =	wrdreg $0xFFFFFFFF  }
0xc1: {  	_ =	task.clear_ibuf [dreg:s6], $0x2FFFF;
	_ =	strace $0x9FFFFFFF  }
0xc2: {  	(tm) =	ssettm $0x7FFFFFFF  }
0xc3: {  	_ =	shalt  }
tec
execute0_lowered:
.L_overlay_start_1:
0x0: {  	(tag) =	ssettag $0x1  }
0x1: {  	s0 =	rddreg [dreg:$0x0]  }
0x2: {  	s1 =	rddreg [dreg:$0x1]  }
0x3: {  	s3 =	simm.s32 $0x0;
	s15 =	stileid.u32;
	s2 =	srdreg.scid  }
0x4: {  	s17 =	simm.s32 $0x13880;
	s18 =	simm.s32 $0x5;
	s19 =	simm.s32 $0x14C80  }
0x5: {  	s20 =	simm.s32 $0x7D;
	s21 =	simm.s32 $0x16080;
	s22 =	simm.s32 $0x13900  }
0x6: {  	s23 =	simm.s32 $0x19F00;
	s28 =	simm.s32 $0x2;
	s29 =	simm.s32 $0x14D00  }
0x7: {  	s30 =	simm.s32 $0x4;
	s31 =	simm.s32 $0x14C00;
	[smem:$0x7FF] =	sst s3  }
0x8: {  	s4 =	sadd.s32 $0x2B600, s0;
	s5 =	smul.u32 $0x13800, s15;
	s2 =	sand.u32 $0x1, s2  }
0x9: {  	s6 =	sadd.s32 $0x21600, s0;
	s7 =	sadd.s32 $0x17600, s0;
	s11 =	smul.u32 $0x2800, s15  }
0xa: {  	s12 =	sadd.s32 $0x79A00, s0;
	s14 =	sadd.s32 $0x124800, s1;
	p0 =	seq.s32 s15, $0xF  }
0xb: {  	_ =	strace $0x8000004A;
	s8 =	smul.u32 $0x28000, s2;
	s10 =	ssub.s32 $0x2, s2  }
0xc: {  	s2 =	smul.u32 $0x138800, s2;
	s14 =	sshrl.u32 @p0 s14, $0x3;
	s9 =	sshrl.u32 s5, $0x3  }
0xd: {  	s13 =	sshrl.u32 s10, $0x1;
	s16 =	sadd.s32 s5, s1;
	s9 =	sadd.s32 s9, s0  }
0xe: {  	s13 =	ssub.s32 s10, s13;
	s8 =	sadd.s32 s11, s8;
	s0 =	sadd.s32 $0x77100, s0  }
0xf: {  	s26 =	sadd.s32 s5, s2;
	s2 =	sshrl.u32 s2, $0x3;
	s16 =	sshrl.u32 @!p0 s16, $0x3  }
0x10: {  	s5 =	simm.s32 $0x0;
	s9 =	sadd.s32 $0x52800, s9;
	s8 =	sshrl.u32 s8, $0x3  }
0x11: {  	[dreg:$0x4] =	wrdreg s0;
	s0 =	sshrl.u32 s26, $0x3;
	s2 =	sadd.s32 s12, s2  }
0x12: {  	s13 =	smax.u32 s13, $0x1;
	s26 =	simm.s32 $0x13980;
	[dreg:$0x3] =	wrdreg s9  }
0x13: {  	s24 =	sadd.s32 $0x280, s8;
	s25 =	sadd.s32 s6, s8;
	s8 =	sadd.s32 s7, s8  }
0x14: {  	s11 =	sadd.s32 s12, s0;
	s12 =	sadd.s32 $0x24900, s2;
	[dreg:$0x5] =	wrdreg s25  }
0x15: {  	s0 =	sshll.u32 @!p0 s15, $0x6;
	s2 =	simm.s32 $0x16000;
	[dreg:$0x6] =	wrdreg s8  }
0x16: {  	s9 =	sadd.s32 s6, s24;
	s10 =	sadd.s32 s7, s24;
	s15 =	sor.u32 @!p0 $0x1C05, s0  }
0x17: {  	s24 =	simm.s32 $0x1;
	s25 =	simm.s32 $0x3;
	s0 =	simm.s32 $0x15F80  }
.LBB2_1:
0x18: {  	s6 =	simm.s32 @p0 $0x1FC5;
	s7 =	rddreg [dreg:$0x4]  }
0x19: {  	[spmem:s14], [sflag:s6] =	dma.local @p0 [hbm:s7], $0x2800  }
0x1a: {  	s6 =	simm.s32 @p0 $0x5  }
0x1b: {  	_ =	swait.ge @p0 [sflag:s6], $0x2800  }
0x1c: {  	[sflag:s6] =	ssyncset.done @p0 $0x0  }
0x1d: {  	[sflag:s6] =	ssyncadd.s32 @p0 $0xFFFFD800;
	s6 =	rddreg [dreg:$0x3]  }
0x1e: {  	[spmem:s16], [sflag:s15] =	dma.local @!p0 [hbm:s6], $0x2700  }
0x1f: {  	s6 =	simm.s32 @!p0 $0x5  }
0x20: {  	_ =	swait.ge @!p0 [sflag:s6], $0x2700  }
0x21: {  	[sflag:s6] =	ssyncset.done @!p0 $0x0  }
0x22: {  	[sflag:s6] =	ssyncadd.s32 @!p0 $0xFFFFD900  }
0x23: {  	[bflag:$0x0] =	sbarrier.arrive $0xFFFF  }
0x24: {  	s8 =	rddreg [dreg:$0x5]  }
0x25: {  	[tilespmem:s17], [sflag:$0x5] =	stream.linear.gather [hbm4b:s8+s3], $0x1400, $0x38;
	[tilespmem:$0x1DD80] =	vst v63  }
0x26: {  	_ =	swait.ge [sflag:s18], $0x1400  }
0x27: {  	[sflag:s18] =	ssyncset.done $0x0  }
0x28: {  	s7 =	rddreg [dreg:$0x6];
	[sflag:s18] =	ssyncadd.s32 $0xFFFFEC00  }
0x29: {  	[tilespmem:s19], [sflag:$0x5] =	stream.linear.gather [hbm4b:s7+s3], $0x1400, $0x38;
	[tilespmem:$0x1DD80] =	vst v63  }
0x2a: {  	_ =	swait.ge [sflag:s18], $0x1400  }
0x2b: {  	[sflag:s18] =	ssyncset.done $0x0  }
0x2c: {  	[sflag:s18] =	ssyncadd.s32 $0xFFFFEC00  }
0x2d: {  	[tilespmem:s21], [sflag:$0x1] =	stream.indirect.gather [hbm4b:s4+s20], $0x80, s17, s20, $0xb8;
	[tilespmem:$0x1DD80] =	vst v63  }
0x2e: {  	_ = 	snop  }
0x2f: {  	[tilespmem:s23], [sflag:$0x2] =	stream.indirect.gather [hbm4b:s4+s20], $0x80, s22, s20, $0xb8;
	[tilespmem:$0x1DD80] =	vst v63  }
0x30: {  	_ =	swait.ge [sflag:s24], $0x3E80  }
0x31: {  	[sflag:s24] =	ssyncset.done $0x0  }
0x32: {  	[sflag:s24] =	ssyncadd.s32 $0xFFFFC180  }
0x33: {  	[spmem:s1] =	stream.indirect.scatter.add.f32 [tilespmem:s21], [sflag:$0x3], $0x80, s19, s20, $0xb8;
	[tilespmem:$0x1DD80] =	vst v63  }
0x34: {  	_ =	swait.ge [sflag:s25], $0x3E80  }
0x35: {  	[sflag:s25] =	ssyncset.done $0x0  }
0x36: {  	[sflag:s25] =	ssyncadd.s32 $0xFFFFC180  }
0x37: {  	[tilespmem:s21], [sflag:$0x1] =	stream.indirect.gather [hbm4b:s4+s20], $0x80, s26, s20, $0xb8;
	[tilespmem:$0x1DD80] =	vst v63  }
0x38: {  	_ =	swait.ge [sflag:s28], $0x3E80  }
0x39: {  	[sflag:s28] =	ssyncset.done $0x0  }
0x3a: {  	[sflag:s28] =	ssyncadd.s32 $0xFFFFC180  }
0x3b: {  	[spmem:s1] =	stream.indirect.scatter.add.f32 [tilespmem:s23], [sflag:$0x4], $0x80, s29, s20, $0xb8;
	[tilespmem:$0x1DD80] =	vst v63  }
0x3c: {  	_ =	swait.ge [sflag:s30], $0x3E80  }
0x3d: {  	[sflag:s30] =	ssyncset.done $0x0  }
0x3e: {  	s8 =	simm.s32 $0x13A00;
	[sflag:s30] =	ssyncadd.s32 $0xFFFFC180  }
0x3f: {  	[tilespmem:s23], [sflag:$0x2] =	stream.indirect.gather [hbm4b:s4+s20], $0x80, s8, s20, $0xb8;
	[tilespmem:$0x1DD80] =	vst v63  }
0x40: {  	_ =	swait.ge [sflag:s24], $0x3E80  }
0x41: {  	[sflag:s24] =	ssyncset.done $0x0  }
0x42: {  	s7 =	simm.s32 $0x14D80;
	[sflag:s24] =	ssyncadd.s32 $0xFFFFC180  }
0x43: {  	[spmem:s1] =	stream.indirect.scatter.add.f32 [tilespmem:s21], [sflag:$0x3], $0x80, s7, s20, $0xb8;
	[tilespmem:$0x1DD80] =	vst v63  }
0x44: {  	_ =	swait.ge [sflag:s25], $0x3E80  }
0x45: {  	[sflag:s25] =	ssyncset.done $0x0  }
0x46: {  	s8 =	simm.s32 $0x13A80;
	[sflag:s25] =	ssyncadd.s32 $0xFFFFC180  }
0x47: {  	[tilespmem:s21], [sflag:$0x1] =	stream.indirect.gather [hbm4b:s4+s20], $0x80, s8, s20, $0xb8;
	[tilespmem:$0x1DD80] =	vst v63  }
0x48: {  	_ =	swait.ge [sflag:s28], $0x3E80  }
0x49: {  	[sflag:s28] =	ssyncset.done $0x0  }
0x4a: {  	s6 =	simm.s32 $0xFFFFBC00;
	s7 =	simm.s32 $0x14E00;
	[sflag:s28] =	ssyncadd.s32 $0xFFFFC180  }
.LBB2_2:
0x4b: {  	[spmem:s1] =	stream.indirect.scatter.add.f32 [tilespmem:s23], [sflag:$0x4], $0x80, s7, s20, $0xb8;
	[tilespmem:$0x1DD80] =	vst v63  }
0x4c: {  	s7 =	smov.u32 s6  }
0x4d: {  	p1 =	sne.s32 s6, $0xFFFFFC00;
	s6 =	sadd.s32 $0x400, s6;
	_ =	swait.ge [sflag:s30], $0x3E80  }
0x4e: {  	s7 =	sshra.s32 s7, $0x2;
	[sflag:s30] =	ssyncset.done $0x0  }
0x4f: {  	s8 =	sadd.s32 $0x14C00, s7;
	[sflag:s30] =	ssyncadd.s32 $0xFFFFC180  }
0x50: {  	[tilespmem:s23], [sflag:$0x2] =	stream.indirect.gather [hbm4b:s4+s20], $0x80, s8, s20, $0xb8;
	[tilespmem:$0x1DD80] =	vst v63  }
0x51: {  	_ =	swait.ge [sflag:s24], $0x3E80  }
0x52: {  	[sflag:s24] =	ssyncset.done $0x0  }
0x53: {  	s8 =	sadd.s32 $0x15F80, s7;
	[sflag:s24] =	ssyncadd.s32 $0xFFFFC180  }
0x54: {  	[spmem:s1] =	stream.indirect.scatter.add.f32 [tilespmem:s21], [sflag:$0x3], $0x80, s8, s20, $0xb8;
	[tilespmem:$0x1DD80] =	vst v63  }
0x55: {  	_ =	swait.ge [sflag:s25], $0x3E80  }
0x56: {  	[sflag:s25] =	ssyncset.done $0x0  }
.Ltmp0:
0x57: {  	s8 =	sadd.s32 $0x14C80, s7;
	[sflag:s25] =	ssyncadd.s32 $0xFFFFC180;
	(pc) =	sbr.rel @p1 .LBB2_2-.Ltmp0, $4  }
0x58: {  	[tilespmem:s21], [sflag:$0x1] =	stream.indirect.gather [hbm4b:s4+s20], $0x80, s8, s20, $0xb8;
	[tilespmem:$0x1DD80] =	vst v63  }
0x59: {  	_ =	swait.ge [sflag:s28], $0x3E80  }
0x5a: {  	[sflag:s28] =	ssyncset.done $0x0  }
0x5b: {  	s7 =	sadd.s32 $0x16000, s7;
	[sflag:s28] =	ssyncadd.s32 $0xFFFFC180  }
0x5c: {  	[spmem:s1] =	stream.indirect.scatter.add.f32 [tilespmem:s23], [sflag:$0x4], $0x80, s7, s20, $0xb8;
	[tilespmem:$0x1DD80] =	vst v63  }
0x5d: {  	_ =	swait.ge [sflag:s30], $0x3E80  }
0x5e: {  	[sflag:s30] =	ssyncset.done $0x0  }
0x5f: {  	[sflag:s30] =	ssyncadd.s32 $0xFFFFC180  }
0x60: {  	[tilespmem:s23], [sflag:$0x2] =	stream.indirect.gather [hbm4b:s4+s20], $0x80, s31, s20, $0xb8;
	[tilespmem:$0x1DD80] =	vst v63  }
0x61: {  	_ =	swait.ge [sflag:s24], $0x3E80  }
0x62: {  	[sflag:s24] =	ssyncset.done $0x0  }
0x63: {  	[sflag:s24] =	ssyncadd.s32 $0xFFFFC180  }
0x64: {  	[spmem:s1] =	stream.indirect.scatter.add.f32 [tilespmem:s21], [sflag:$0x3], $0x80, s0, s20, $0xb8;
	[tilespmem:$0x1DD80] =	vst v63  }
0x65: {  	_ =	swait.ge [sflag:s28], $0x3E80  }
0x66: {  	[sflag:s28] =	ssyncset.done $0x0  }
0x67: {  	[sflag:s28] =	ssyncadd.s32 $0xFFFFC180  }
0x68: {  	[spmem:s1] =	stream.indirect.scatter.add.f32 [tilespmem:s23], [sflag:$0x4], $0x80, s2, s20, $0xb8;
	[tilespmem:$0x1DD80] =	vst v63  }
0x69: {  	_ =	swait.ge [sflag:s25], $0x3E80  }
0x6a: {  	[sflag:s25] =	ssyncset.done $0x0  }
0x6b: {  	[sflag:s25] =	ssyncadd.s32 $0xFFFFC180  }
0x6c: {  	_ =	swait.ge [sflag:s30], $0x3E80  }
0x6d: {  	[sflag:s30] =	ssyncset.done $0x0  }
0x6e: {  	[sflag:s30] =	ssyncadd.s32 $0xFFFFC180  }
0x6f: {  	[tilespmem:s17], [sflag:$0x5] =	stream.linear.gather [hbm4b:s9+s3], $0x1400, $0x38;
	[tilespmem:$0x1DD80] =	vst v63  }
0x70: {  	_ =	swait.ge [sflag:s18], $0x1400  }
0x71: {  	[sflag:s18] =	ssyncset.done $0x0  }
0x72: {  	[sflag:s18] =	ssyncadd.s32 $0xFFFFEC00  }
0x73: {  	[tilespmem:s19], [sflag:$0x5] =	stream.linear.gather [hbm4b:s10+s3], $0x1400, $0x38;
	[tilespmem:$0x1DD80] =	vst v63  }
0x74: {  	_ =	swait.ge [sflag:s18], $0x1400  }
0x75: {  	[sflag:s18] =	ssyncset.done $0x0  }
0x76: {  	[sflag:s18] =	ssyncadd.s32 $0xFFFFEC00  }
0x77: {  	[tilespmem:s21], [sflag:$0x1] =	stream.indirect.gather [hbm4b:s4+s20], $0x80, s17, s20, $0xb8;
	[tilespmem:$0x1DD80] =	vst v63  }
0x78: {  	_ = 	snop  }
0x79: {  	[tilespmem:s23], [sflag:$0x2] =	stream.indirect.gather [hbm4b:s4+s20], $0x80, s22, s20, $0xb8;
	[tilespmem:$0x1DD80] =	vst v63  }
0x7a: {  	_ =	swait.ge [sflag:s24], $0x3E80  }
0x7b: {  	[sflag:s24] =	ssyncset.done $0x0  }
0x7c: {  	[sflag:s24] =	ssyncadd.s32 $0xFFFFC180  }
0x7d: {  	[spmem:s1] =	stream.indirect.scatter.add.f32 [tilespmem:s21], [sflag:$0x3], $0x80, s19, s20, $0xb8;
	[tilespmem:$0x1DD80] =	vst v63  }
0x7e: {  	_ =	swait.ge [sflag:s25], $0x3E80  }
0x7f: {  	[sflag:s25] =	ssyncset.done $0x0  }
0x80: {  	[sflag:s25] =	ssyncadd.s32 $0xFFFFC180  }
0x81: {  	[tilespmem:s21], [sflag:$0x1] =	stream.indirect.gather [hbm4b:s4+s20], $0x80, s26, s20, $0xb8;
	[tilespmem:$0x1DD80] =	vst v63  }
0x82: {  	_ =	swait.ge [sflag:s28], $0x3E80  }
0x83: {  	[sflag:s28] =	ssyncset.done $0x0  }
0x84: {  	[sflag:s28] =	ssyncadd.s32 $0xFFFFC180  }
0x85: {  	[spmem:s1] =	stream.indirect.scatter.add.f32 [tilespmem:s23], [sflag:$0x4], $0x80, s29, s20, $0xb8;
	[tilespmem:$0x1DD80] =	vst v63  }
0x86: {  	_ =	swait.ge [sflag:s30], $0x3E80  }
0x87: {  	[sflag:s30] =	ssyncset.done $0x0  }
0x88: {  	s6 =	simm.s32 $0x13A00;
	[sflag:s30] =	ssyncadd.s32 $0xFFFFC180  }
0x89: {  	[tilespmem:s23], [sflag:$0x2] =	stream.indirect.gather [hbm4b:s4+s20], $0x80, s6, s20, $0xb8;
	[tilespmem:$0x1DD80] =	vst v63  }
0x8a: {  	_ =	swait.ge [sflag:s24], $0x3E80  }
0x8b: {  	[sflag:s24] =	ssyncset.done $0x0  }
0x8c: {  	s7 =	simm.s32 $0x14D80;
	[sflag:s24] =	ssyncadd.s32 $0xFFFFC180  }
0x8d: {  	[spmem:s1] =	stream.indirect.scatter.add.f32 [tilespmem:s21], [sflag:$0x3], $0x80, s7, s20, $0xb8;
	[tilespmem:$0x1DD80] =	vst v63  }
0x8e: {  	_ =	swait.ge [sflag:s25], $0x3E80  }
0x8f: {  	[sflag:s25] =	ssyncset.done $0x0  }
0x90: {  	s8 =	simm.s32 $0x13A80;
	[sflag:s25] =	ssyncadd.s32 $0xFFFFC180  }
0x91: {  	[tilespmem:s21], [sflag:$0x1] =	stream.indirect.gather [hbm4b:s4+s20], $0x80, s8, s20, $0xb8;
	[tilespmem:$0x1DD80] =	vst v63  }
0x92: {  	_ =	swait.ge [sflag:s28], $0x3E80  }
0x93: {  	[sflag:s28] =	ssyncset.done $0x0  }
0x94: {  	s6 =	simm.s32 $0xFFFFBC00;
	s7 =	simm.s32 $0x14E00;
	[sflag:s28] =	ssyncadd.s32 $0xFFFFC180  }
.LBB2_4:
0x95: {  	[spmem:s1] =	stream.indirect.scatter.add.f32 [tilespmem:s23], [sflag:$0x4], $0x80, s7, s20, $0xb8;
	[tilespmem:$0x1DD80] =	vst v63  }
0x96: {  	s7 =	smov.u32 s6  }
0x97: {  	p1 =	sne.s32 s6, $0xFFFFFC00;
	s6 =	sadd.s32 $0x400, s6;
	_ =	swait.ge [sflag:s30], $0x3E80  }
0x98: {  	s7 =	sshra.s32 s7, $0x2;
	[sflag:s30] =	ssyncset.done $0x0  }
0x99: {  	s8 =	sadd.s32 $0x14C00, s7;
	[sflag:s30] =	ssyncadd.s32 $0xFFFFC180  }
0x9a: {  	[tilespmem:s23], [sflag:$0x2] =	stream.indirect.gather [hbm4b:s4+s20], $0x80, s8, s20, $0xb8;
	[tilespmem:$0x1DD80] =	vst v63  }
0x9b: {  	_ =	swait.ge [sflag:s24], $0x3E80  }
0x9c: {  	[sflag:s24] =	ssyncset.done $0x0  }
0x9d: {  	s8 =	sadd.s32 $0x15F80, s7;
	[sflag:s24] =	ssyncadd.s32 $0xFFFFC180  }
0x9e: {  	[spmem:s1] =	stream.indirect.scatter.add.f32 [tilespmem:s21], [sflag:$0x3], $0x80, s8, s20, $0xb8;
	[tilespmem:$0x1DD80] =	vst v63  }
0x9f: {  	_ =	swait.ge [sflag:s25], $0x3E80  }
0xa0: {  	[sflag:s25] =	ssyncset.done $0x0  }
.Ltmp1:
0xa1: {  	s8 =	sadd.s32 $0x14C80, s7;
	[sflag:s25] =	ssyncadd.s32 $0xFFFFC180;
	(pc) =	sbr.rel @p1 .LBB2_4-.Ltmp1, $4  }
0xa2: {  	[tilespmem:s21], [sflag:$0x1] =	stream.indirect.gather [hbm4b:s4+s20], $0x80, s8, s20, $0xb8;
	[tilespmem:$0x1DD80] =	vst v63  }
0xa3: {  	_ =	swait.ge [sflag:s28], $0x3E80  }
0xa4: {  	[sflag:s28] =	ssyncset.done $0x0  }
0xa5: {  	s7 =	sadd.s32 $0x16000, s7;
	[sflag:s28] =	ssyncadd.s32 $0xFFFFC180  }
0xa6: {  	[spmem:s1] =	stream.indirect.scatter.add.f32 [tilespmem:s23], [sflag:$0x4], $0x80, s7, s20, $0xb8;
	[tilespmem:$0x1DD80] =	vst v63  }
0xa7: {  	_ =	swait.ge [sflag:s30], $0x3E80  }
0xa8: {  	[sflag:s30] =	ssyncset.done $0x0  }
0xa9: {  	[sflag:s30] =	ssyncadd.s32 $0xFFFFC180  }
0xaa: {  	[tilespmem:s23], [sflag:$0x2] =	stream.indirect.gather [hbm4b:s4+s20], $0x80, s31, s20, $0xb8;
	[tilespmem:$0x1DD80] =	vst v63  }
0xab: {  	_ =	swait.ge [sflag:s24], $0x3E80  }
0xac: {  	[sflag:s24] =	ssyncset.done $0x0  }
0xad: {  	[sflag:s24] =	ssyncadd.s32 $0xFFFFC180  }
0xae: {  	[spmem:s1] =	stream.indirect.scatter.add.f32 [tilespmem:s21], [sflag:$0x3], $0x80, s0, s20, $0xb8;
	[tilespmem:$0x1DD80] =	vst v63  }
0xaf: {  	_ =	swait.ge [sflag:s28], $0x3E80  }
0xb0: {  	[sflag:s28] =	ssyncset.done $0x0  }
0xb1: {  	[sflag:s28] =	ssyncadd.s32 $0xFFFFC180  }
0xb2: {  	[spmem:s1] =	stream.indirect.scatter.add.f32 [tilespmem:s23], [sflag:$0x4], $0x80, s2, s20, $0xb8;
	[tilespmem:$0x1DD80] =	vst v63  }
0xb3: {  	_ =	swait.ge [sflag:s25], $0x3E80  }
0xb4: {  	[sflag:s25] =	ssyncset.done $0x0  }
0xb5: {  	[sflag:s25] =	ssyncadd.s32 $0xFFFFC180  }
0xb6: {  	_ =	swait.ge [sflag:s30], $0x3E80  }
0xb7: {  	[sflag:s30] =	ssyncset.done $0x0  }
0xb8: {  	[sflag:s30] =	ssyncadd.s32 $0xFFFFC180  }
0xb9: {  	s6 =	simm.s32 @p0 $0x1FC5;
	[bflag:$0x0] =	sbarrier.arrive $0xFFFF  }
0xba: {  	[hbm:s12], [sflag:s6] =	dma.local @p0 [spmem:s14], $0x2800  }
0xbb: {  	s6 =	simm.s32 @p0 $0x5  }
0xbc: {  	s5 =	sadd.s32 $0x1, s5;
	_ =	swait.ge @p0 [sflag:s6], $0x2800  }
0xbd: {  	p1 =	sne.s32 s5, s13;
	[sflag:s6] =	ssyncset.done @p0 $0x0  }
.Ltmp2:
0xbe: {  	[sflag:s6] =	ssyncadd.s32 @p0 $0xFFFFD800;
	s6 =	simm.s32 @!p0 $0x5;
	(pc) =	sbr.rel @p1 .LBB2_1-.Ltmp2, $4  }
0xbf: {  	[hbm:s11], [sflag:s15] =	dma.local @!p0 [spmem:s16], $0x2700  }
0xc0: {  	_ =	swait.ge @!p0 [sflag:s6], $0x2700  }
0xc1: {  	[sflag:s6] =	ssyncset.done @!p0 $0x0  }
0xc2: {  	[sflag:s6] =	ssyncadd.s32 @!p0 $0xFFFFD900  }
0xc3: {  	_ =	sfence.sel $0x180000  }
0xc4: {  	[bflag:$0x0] =	sbarrier.arrive $0xFFFF  }
0xc5: {  	_ =	strace $0x9000004A  }
0xc6: {  	s0 =	stileid.u32;
	[bflag:$0x2] =	sbarrier.arrive $0xFFFF  }
0xc7: {  	p0 =	sne.s32 s0, $0x0;
	s0 =	rddreg [dreg:$0x2]  }
0xc8: {  	s0 =	sadd.s32 @!p0 $0x100000, s0  }
0xc9: {  	[sflag:s0] =	ssyncadd.tile.s32 @!p0 $0x1;
	_ =	shalt  }
.Lfunc_end2:
_tile_overlayer_lowered:
.L_overlay_start_2:
0xca: {  	(tag) =	ssettag $0x2  }
0xcb: {  	s0 =	rddreg [dreg:$0x0];
	s2 =	stileid.u32  }
0xcc: {  	s1 =	rddreg [dreg:$0x1];
	p0 =	sne.s32 s2, $0x0  }
0xcd: {  	s3 =	rddreg [dreg:$0x2];
	[bflag:$0x3] =	sbarrier.arrive $0xFFFF;
	s2 =	simm.s32 @!p0 $0x1C05  }
0xce: {  	[timem:s3], [sflag:s2] =	dma.local @!p0 [hbm:s0], s1  }
0xcf: {  	s0 =	simm.s32 @!p0 $0x5  }
0xd0: {  	_ =	swait.ge @!p0 [sflag:s0], s1  }
0xd1: {  	s1 =	ssub.s32 @!p0 $0x0, s1;
	[sflag:s0] =	ssyncset.done @!p0 $0x0  }
0xd2: {  	[sflag:s0] =	ssyncadd.s32 @!p0 s1  }
0xd3: {  	[bflag:$0x3] =	sbarrier.arrive $0xFFFF  }
0xd4: {  	_ =	shalt  }

// kernel: kernel.16.cloned.1.call-start
scs
__scs_entry_jumppad:
0x0: {  	(pc) =	sbr.rel $0x88, $3  }
0x1: {  	(tag) =	ssettag $0x0;
	lr =	simm.s32 $0x1  }
0x2: {  	[smem:$0x3F99] =	sst lr;
	_ =	strace $0xD0000000  }
0x3: {  	_ = 	snop  }
0x4: {  	_ = 	snop  }
0x5: {  	_ = 	snop  }
0x6: {  	_ = 	snop  }
0x7: {  	_ = 	snop  }
__scs_overlays_trampoline_lowered:
0x8: {  	[smem:$0x3FA8] =	sst s0  }
0x9: {  	[smem:$0x3FA9] =	sst s1  }
0xa: {  	[smem:$0x3FAA] =	sst s2  }
0xb: {  	[smem:$0x3FAB] =	sst s3  }
0xc: {  	[smem:$0x3FAC] =	sst s4  }
0xd: {  	[smem:$0x3FAD] =	sst s5  }
0xe: {  	[smem:$0x3FAE] =	sst s6  }
0xf: {  	[smem:$0x3FAF] =	sst s7  }
0x10: {  	[smem:$0x3FB0] =	sst s8  }
0x11: {  	[smem:$0x3FB1] =	sst s9;
	s0 =	simm.s32 @!p0 $0x0  }
0x12: {  	s1 =	sld [smem:$0x3F97];
	s0 =	simm.s32 @p0 $0x1  }
0x13: {  	[smem:$0x3FB2] =	sst s0;
	s0 =	simm.s32 @!p1 $0x0  }
0x14: {  	s2 =	sld [smem:$0x3F96];
	s0 =	simm.s32 @p1 $0x1  }
0x15: {  	[smem:$0x3FB3] =	sst s0;
	s0 =	simm.s32 @!p2 $0x0  }
0x16: {  	s3 =	sld [smem:$0x3FDB];
	s0 =	simm.s32 @p2 $0x1  }
0x17: {  	s4 =	simm.s32 $0x1BF5;
	[smem:$0x3FB5] =	sst s0  }
0x18: {  	s0 =	sld [smem:$0x3F98];
	_ =	swait.ge [sflag:s4], $0x0  }
0x19: {  	s7 =	sld [smem:$0x3F99]  }
0x1a: {  	s8 =	sadd.s32 $0xFFFFE003, lr  }
0x1b: {  	s9 =	sadd.s32 $0xFFFFFEF7, lr;
	s5 =	simm.s32 $0xFFFFFFFF;
	p2 =	slt.u32 s8, $0xFFFFF086  }
0x1c: {  	p1 =	slt.u32 s9, $0xF7A;
	s5 =	simm.s32 @!p2 $0x0  }
0x1d: {  	s5 =	simm.s32 @p1 $0x1;
	p0 =	seq.s32 s7, s2  }
0x1e: {  	s7 =	smul.u32 @!p0 $0xF7A, s2;
	p2 =	seq.s32 @!p0 s5, $0x0  }
0x1f: {  	s9 =	smul.u32 $0xF7A, s1;
	s8 =	simm.s32 @!p0 $0x1BF5;
	p2 =	por !p2, p0  }
0x20: {  	[sflag:s8] =	ssyncset.s32 @!p0 $0xFFFFF086;
	s6 =	sadd.s32 @!p0 s3, s7;
	s7 =	simm.s32 @!p0 $0x108  }
0x21: {  	s3 =	sadd.s32 s3, s9;
	s6 =	sadd.s32 @!p0 $0x88, s6;
	s7 =	simm.s32 @p2 $0x1082  }
0x22: {  	[simem:s7], [sflag:s8] =	dma.local @!p0 [hbm:s6], $0xF7A  }
0x23: {  	s9 =	sor.u32 $0xD0000000, s2;
	s6 =	simm.s32 $0x108;
	_ =	swait.ge @!p0 [sflag:s8], $0x0  }
0x24: {  	s3 =	sadd.s32 $0x88, s3;
	s6 =	simm.s32 @!p1 $0x1082;
	[sflag:s4] =	ssyncset.s32 $0xFFFFF086  }
0x25: {  	[simem:s6], [sflag:s4] =	dma.local [hbm:s3], $0xF7A  }
0x26: {  	[smem:$0x3F99] =	sst s1;
	(tag) =	ssettag s2;
	_ =	strace s9  }
0x27: {  	s1 =	sld [smem:$0x3FA9]  }
0x28: {  	s2 =	sld [smem:$0x3FAA]  }
0x29: {  	s4 =	sld [smem:$0x3FAC]  }
0x2a: {  	p0 =	seq.s32 s5, $0x0;
	s5 =	sld [smem:$0x3FAD]  }
0x2b: {  	s6 =	sld [smem:$0x3FAE]  }
0x2c: {  	s7 =	sld [smem:$0x3FAF]  }
0x2d: {  	s3 =	simm.s32 $0x108;
	s8 =	sld [smem:$0x3FB0]  }
0x2e: {  	s3 =	simm.s32 @!p0 $0x1082;
	s9 =	sld [smem:$0x3FB1]  }
0x2f: {  	lr =	sadd.s32 s0, s3;
	s0 =	sld [smem:$0x3FA8]  }
0x30: {  	s3 =	sld [smem:$0x3FAB]  }
0x31: {  	[smem:$0x3FB4] =	sst s10  }
0x32: {  	s10 =	sld [smem:$0x3FB2];
	_ =	sdelay $0x3  }
0x33: {  	p0 =	seq.s32 s10, $0x1;
	s10 =	sld [smem:$0x3FB4];
	_ =	sdelay $0x3  }
0x34: {  	[smem:$0x3FB4] =	sst s10  }
0x35: {  	s10 =	sld [smem:$0x3FB3];
	_ =	sdelay $0x3  }
0x36: {  	p1 =	seq.s32 s10, $0x1;
	s10 =	sld [smem:$0x3FB4];
	_ =	sdelay $0x3  }
0x37: {  	[smem:$0x3FB4] =	sst s10  }
0x38: {  	s10 =	sld [smem:$0x3FB5]  }
0x39: {  	_ = 	snop;
	(pc) =	sbr.ind lr, $3  }
0x3a: {  	_ = 	snop  }
0x3b: {  	_ = 	snop  }
0x3c: {  	p2 =	seq.s32 s10, $0x1;
	s10 =	sld [smem:$0x3FB4]  }
0x3d: {  	_ =	shalt  }
0x3e: {  	_ =	shalt  }
0x3f: {  	_ =	shalt  }
0x40: {  	_ =	shalt  }
0x41: {  	_ =	shalt  }
0x42: {  	_ =	shalt  }
0x43: {  	_ =	shalt  }
0x44: {  	_ =	shalt  }
0x45: {  	_ =	shalt  }
0x46: {  	_ =	shalt  }
0x47: {  	_ =	shalt  }
0x48: {  	_ =	shalt  }
0x49: {  	_ =	shalt  }
0x4a: {  	_ =	shalt  }
0x4b: {  	_ =	shalt  }
0x4c: {  	_ =	shalt  }
0x4d: {  	_ =	shalt  }
0x4e: {  	_ =	shalt  }
0x4f: {  	_ =	shalt  }
0x50: {  	_ =	shalt  }
0x51: {  	_ =	shalt  }
0x52: {  	_ =	shalt  }
0x53: {  	_ =	shalt  }
0x54: {  	_ =	shalt  }
0x55: {  	_ =	shalt  }
0x56: {  	_ =	shalt  }
0x57: {  	_ =	shalt  }
0x58: {  	_ =	shalt  }
0x59: {  	_ =	shalt  }
0x5a: {  	_ =	shalt  }
0x5b: {  	_ =	shalt  }
0x5c: {  	_ =	shalt  }
0x5d: {  	_ =	shalt  }
0x5e: {  	_ =	shalt  }
0x5f: {  	_ =	shalt  }
0x60: {  	_ =	shalt  }
0x61: {  	_ =	shalt  }
0x62: {  	_ =	shalt  }
0x63: {  	_ =	shalt  }
0x64: {  	_ =	shalt  }
0x65: {  	_ =	shalt  }
0x66: {  	_ =	shalt  }
0x67: {  	_ =	shalt  }
0x68: {  	_ =	shalt  }
0x69: {  	_ =	shalt  }
0x6a: {  	_ =	shalt  }
0x6b: {  	_ =	shalt  }
0x6c: {  	_ =	shalt  }
0x6d: {  	_ =	shalt  }
0x6e: {  	_ =	shalt  }
0x6f: {  	_ =	shalt  }
0x70: {  	_ =	shalt  }
0x71: {  	_ =	shalt  }
0x72: {  	_ =	shalt  }
0x73: {  	_ =	shalt  }
0x74: {  	_ =	shalt  }
0x75: {  	_ =	shalt  }
0x76: {  	_ =	shalt  }
0x77: {  	_ =	shalt  }
0x78: {  	_ =	shalt  }
0x79: {  	_ =	shalt  }
0x7a: {  	_ =	shalt  }
0x7b: {  	_ =	shalt  }
0x7c: {  	_ =	shalt  }
0x7d: {  	_ =	shalt  }
0x7e: {  	_ =	shalt  }
0x7f: {  	_ =	shalt  }
0x80: {  	_ =	shalt  }
0x81: {  	_ =	shalt  }
0x82: {  	_ =	shalt  }
0x83: {  	_ =	shalt  }
0x84: {  	_ =	shalt  }
0x85: {  	_ =	shalt  }
0x86: {  	_ =	shalt  }
0x87: {  	_ =	shalt  }
.Lfunc_end0:
.L_simem_size_0:
called_computation.2_lowered:
.L_overlay_start_0:
0x88: {  	s2 =	sld [smem:$0x3FD9]  }
0x89: {  	s3 =	sld [smem:$0x3FFE];
	_ =	sdelay $0x1  }
0x8a: {  	s1 =	srdreg.scid  }
0x8b: {  	s0 =	sand.u32 $0x1, s1  }
0x8c: {  	s16 =	sshll.u32 s0, $0xA;
	s2 =	sadd.s32 s3, s2  }
0x8d: {  	s2 =	sadd.s32 s2, s16  }
0x8e: {  	[smem:$0x3FC0] =	sst s2  }
0x8f: {  	_ = 	snop  }
0x90: {  	(tm) =	ssettm $0x1  }
0x91: {  	s17 =	sld [smem:$0x3FFB];
	_ =	sdelay $0x3  }
0x92: {  	_ =	strace s17  }
0x93: {  	s2 =	sld [smem:$0x3FFC];
	_ =	sdelay $0x3  }
0x94: {  	_ =	strace s2  }
0x95: {  	s2 =	sld [smem:$0x3FFD];
	_ =	sdelay $0x3  }
0x96: {  	_ =	strace s2  }
0x97: {  	_ =	strace $0x8FFFFFFF  }
0x98: {  	s18 =	sld [smem:$0x3FDB];
	_ =	sdelay $0x1  }
0x99: {  	s19 =	simm.s32 $_scs_section_size  }
0x9a: {  	s4 =	simm.s32 $_size__tile_overlayer_lowered;
	s5 =	simm.s32 $_tile_overlayer_lowered  }
0x9b: {  	s22 =	simm.s32 $0x1BFF;
	s21 =	sshll.u32 s5, $0x1;
	s2 =	sadd.s32 s19, s18  }
0x9c: {  	s6 =	simm.s32 $0x0;
	s20 =	sshll.u32 s4, $0x1;
	s4 =	sadd.s32 s21, s2  }
0x9d: {  	[timem:s6], [sflag:s22] =	dma.local [hbm:s4], s20  }
0x9e: {  	_ =	swait.ge [sflag:s22], s20  }
0x9f: {  	s3 =	ssub.s32 $0x0, s20;
	[sflag:s22] =	ssyncset.done $0x0  }
0xa0: {  	[sflag:s22] =	ssyncadd.s32 s3;
	_ =	sdelay $0x1  }
0xa1: {  	s23 =	simm.s32 $0x1B8B  }
0xa2: {  	_ =	swait.ge [sflag:s23], $0x1  }
0xa3: {  	[sflag:s23] =	ssyncset.done $0x0  }
0xa4: {  	s25 =	simm.s32 $0x1B8E;
	s24 =	sld [smem:$0x3FFE];
	[sflag:s23] =	ssyncadd.s32 $0xFFFFFFFF  }
0xa5: {  	s26 =	simm.s32 $execute0_lowered;
	[smem:$0x3FD2] =	sst s25  }
0xa6: {  	s4 =	sshll.u32 s26, $0x1;
	_ =	strace $0x8000004C;
	[dreg:$0x1] =	wrdreg $0xFFFFFFFF  }
0xa7: {  	s28 =	simm.s32 $_size_execute0_lowered;
	s2 =	sadd.s32 s2, s4;
	[dreg:$0x0] =	wrdreg $0x0  }
0xa8: {  	s4 =	sshll.u32 s28, $0x1;
	[dreg:$0x2] =	wrdreg s2  }
0xa9: {  	[dreg:$0x3] =	wrdreg s4  }
0xaa: {  	[dreg:$0x4] =	wrdreg $0xC0  }
0xab: {  	_ =	task [dreg:s6], $0x5FFFF  }
0xac: {  	[dreg:$0x1] =	wrdreg $0xFFFFFFFF  }
0xad: {  	[dreg:$0x0] =	wrdreg $0x60  }
0xae: {  	[dreg:$0x2] =	wrdreg s24  }
0xaf: {  	[dreg:$0x3] =	wrdreg $0x0  }
0xb0: {  	[dreg:$0x4] =	wrdreg $0x9  }
0xb1: {  	_ =	task.clear_ibuf [dreg:s6], $0x5FFFF;
	_ =	strace $0x9000004C  }
0xb2: {  	s29 =	simm.s32 $0x9;
	_ =	strace $0x8000004E  }
0xb3: {  	_ =	swait.ge [sflag:s29], $0x1  }
0xb4: {  	[sflag:s29] =	ssyncadd.s32 $0xFFFFFFFF  }
0xb5: {  	_ =	strace $0x9000004E  }
0xb6: {  	_ =	sfence  }
0xb7: {  	s30 =	sld [smem:$0x0];
	_ =	sdelay $0x2  }
0xb8: {  	s31 =	sshll.u32 s1, $0xD;
	s1 =	sshrl.u32 s1, $0x2  }
0xb9: {  	s3 =	sand.u32 $0x4000, s31;
	s1 =	sadd.s32 s1, s30  }
0xba: {  	s0 =	sor.u32 s3, s0;
	s1 =	sshll.u32 s1, $0x11  }
0xbb: {  	s0 =	sor.u32 s1, s0  }
0xbc: {  	s0 =	sadd.s32 $0x8F2B, s0  }
0xbd: {  	[sflag:s0] =	ssyncadd.remote.s32 $0x1  }
0xbe: {  	_ =	sfence.sel $0xFFFF  }
0xbf: {  	[dreg:$0x0] =	wrdreg $0xFFFFFFFF;
	(pc) =	sbr.abs _section_cstart, $3  }
0xc0: {  	[dreg:$0x1] =	wrdreg $0xFFFFFFFF  }
0xc1: {  	_ =	task.clear_ibuf [dreg:s6], $0x2FFFF;
	_ =	strace $0x9FFFFFFF  }
0xc2: {  	(tm) =	ssettm $0x7FFFFFFF  }
0xc3: {  	_ =	shalt  }
tec
execute0_lowered:
.L_overlay_start_1:
0x0: {  	(tag) =	ssettag $0x1  }
0x1: {  	s0 =	rddreg [dreg:$0x0]  }
0x2: {  	s1 =	rddreg [dreg:$0x1]  }
0x3: {  	s3 =	simm.s32 $0x0;
	s15 =	stileid.u32;
	s2 =	srdreg.scid  }
0x4: {  	s17 =	simm.s32 $0x13880;
	s18 =	simm.s32 $0x5;
	s19 =	simm.s32 $0x14C80  }
0x5: {  	s20 =	simm.s32 $0x7D;
	s21 =	simm.s32 $0x16080;
	s22 =	simm.s32 $0x13900  }
0x6: {  	s23 =	simm.s32 $0x19F00;
	s28 =	simm.s32 $0x2;
	s29 =	simm.s32 $0x14D00  }
0x7: {  	s30 =	simm.s32 $0x4;
	s31 =	simm.s32 $0x14C00;
	[smem:$0x7FF] =	sst s3  }
0x8: {  	s4 =	sadd.s32 $0x2B600, s0;
	s5 =	smul.u32 $0x13800, s15;
	s2 =	sand.u32 $0x1, s2  }
0x9: {  	s6 =	sadd.s32 $0x21600, s0;
	s7 =	sadd.s32 $0x17600, s0;
	s11 =	smul.u32 $0x2800, s15  }
0xa: {  	s12 =	sadd.s32 $0x79A00, s0;
	s14 =	sadd.s32 $0x124800, s1;
	p0 =	seq.s32 s15, $0xF  }
0xb: {  	_ =	strace $0x8000004D;
	s8 =	smul.u32 $0x28000, s2;
	s10 =	ssub.s32 $0x2, s2  }
0xc: {  	s2 =	smul.u32 $0x138800, s2;
	s14 =	sshrl.u32 @p0 s14, $0x3;
	s9 =	sshrl.u32 s5, $0x3  }
0xd: {  	s13 =	sshrl.u32 s10, $0x1;
	s16 =	sadd.s32 s5, s1;
	s9 =	sadd.s32 s9, s0  }
0xe: {  	s13 =	ssub.s32 s10, s13;
	s8 =	sadd.s32 s11, s8;
	s0 =	sadd.s32 $0x77100, s0  }
0xf: {  	s26 =	sadd.s32 s5, s2;
	s2 =	sshrl.u32 s2, $0x3;
	s16 =	sshrl.u32 @!p0 s16, $0x3  }
0x10: {  	s5 =	simm.s32 $0x0;
	s9 =	sadd.s32 $0x52800, s9;
	s8 =	sshrl.u32 s8, $0x3  }
0x11: {  	[dreg:$0x4] =	wrdreg s0;
	s0 =	sshrl.u32 s26, $0x3;
	s2 =	sadd.s32 s12, s2  }
0x12: {  	s13 =	smax.u32 s13, $0x1;
	s26 =	simm.s32 $0x13980;
	[dreg:$0x3] =	wrdreg s9  }
0x13: {  	s24 =	sadd.s32 $0x280, s8;
	s25 =	sadd.s32 s6, s8;
	s8 =	sadd.s32 s7, s8  }
0x14: {  	s11 =	sadd.s32 s12, s0;
	s12 =	sadd.s32 $0x24900, s2;
	[dreg:$0x5] =	wrdreg s25  }
0x15: {  	s0 =	sshll.u32 @!p0 s15, $0x6;
	s2 =	simm.s32 $0x16000;
	[dreg:$0x6] =	wrdreg s8  }
0x16: {  	s9 =	sadd.s32 s6, s24;
	s10 =	sadd.s32 s7, s24;
	s15 =	sor.u32 @!p0 $0x1C05, s0  }
0x17: {  	s24 =	simm.s32 $0x1;
	s25 =	simm.s32 $0x3;
	s0 =	simm.s32 $0x15F80  }
.LBB2_1:
0x18: {  	s6 =	simm.s32 @p0 $0x1FC5;
	s7 =	rddreg [dreg:$0x4]  }
0x19: {  	[spmem:s14], [sflag:s6] =	dma.local @p0 [hbm:s7], $0x2800  }
0x1a: {  	s6 =	simm.s32 @p0 $0x5  }
0x1b: {  	_ =	swait.ge @p0 [sflag:s6], $0x2800  }
0x1c: {  	[sflag:s6] =	ssyncset.done @p0 $0x0  }
0x1d: {  	[sflag:s6] =	ssyncadd.s32 @p0 $0xFFFFD800;
	s6 =	rddreg [dreg:$0x3]  }
0x1e: {  	[spmem:s16], [sflag:s15] =	dma.local @!p0 [hbm:s6], $0x2700  }
0x1f: {  	s6 =	simm.s32 @!p0 $0x5  }
0x20: {  	_ =	swait.ge @!p0 [sflag:s6], $0x2700  }
0x21: {  	[sflag:s6] =	ssyncset.done @!p0 $0x0  }
0x22: {  	[sflag:s6] =	ssyncadd.s32 @!p0 $0xFFFFD900  }
0x23: {  	[bflag:$0x0] =	sbarrier.arrive $0xFFFF  }
0x24: {  	s8 =	rddreg [dreg:$0x5]  }
0x25: {  	[tilespmem:s17], [sflag:$0x5] =	stream.linear.gather [hbm4b:s8+s3], $0x1400, $0x38;
	[tilespmem:$0x1DD80] =	vst v63  }
0x26: {  	_ =	swait.ge [sflag:s18], $0x1400  }
0x27: {  	[sflag:s18] =	ssyncset.done $0x0  }
0x28: {  	s7 =	rddreg [dreg:$0x6];
	[sflag:s18] =	ssyncadd.s32 $0xFFFFEC00  }
0x29: {  	[tilespmem:s19], [sflag:$0x5] =	stream.linear.gather [hbm4b:s7+s3], $0x1400, $0x38;
	[tilespmem:$0x1DD80] =	vst v63  }
0x2a: {  	_ =	swait.ge [sflag:s18], $0x1400  }
0x2b: {  	[sflag:s18] =	ssyncset.done $0x0  }
0x2c: {  	[sflag:s18] =	ssyncadd.s32 $0xFFFFEC00  }
0x2d: {  	[tilespmem:s21], [sflag:$0x1] =	stream.indirect.gather [hbm4b:s4+s20], $0x80, s17, s20, $0xb8;
	[tilespmem:$0x1DD80] =	vst v63  }
0x2e: {  	_ = 	snop  }
0x2f: {  	[tilespmem:s23], [sflag:$0x2] =	stream.indirect.gather [hbm4b:s4+s20], $0x80, s22, s20, $0xb8;
	[tilespmem:$0x1DD80] =	vst v63  }
0x30: {  	_ =	swait.ge [sflag:s24], $0x3E80  }
0x31: {  	[sflag:s24] =	ssyncset.done $0x0  }
0x32: {  	[sflag:s24] =	ssyncadd.s32 $0xFFFFC180  }
0x33: {  	[spmem:s1] =	stream.indirect.scatter.add.f32 [tilespmem:s21], [sflag:$0x3], $0x80, s19, s20, $0xb8;
	[tilespmem:$0x1DD80] =	vst v63  }
0x34: {  	_ =	swait.ge [sflag:s25], $0x3E80  }
0x35: {  	[sflag:s25] =	ssyncset.done $0x0  }
0x36: {  	[sflag:s25] =	ssyncadd.s32 $0xFFFFC180  }
0x37: {  	[tilespmem:s21], [sflag:$0x1] =	stream.indirect.gather [hbm4b:s4+s20], $0x80, s26, s20, $0xb8;
	[tilespmem:$0x1DD80] =	vst v63  }
0x38: {  	_ =	swait.ge [sflag:s28], $0x3E80  }
0x39: {  	[sflag:s28] =	ssyncset.done $0x0  }
0x3a: {  	[sflag:s28] =	ssyncadd.s32 $0xFFFFC180  }
0x3b: {  	[spmem:s1] =	stream.indirect.scatter.add.f32 [tilespmem:s23], [sflag:$0x4], $0x80, s29, s20, $0xb8;
	[tilespmem:$0x1DD80] =	vst v63  }
0x3c: {  	_ =	swait.ge [sflag:s30], $0x3E80  }
0x3d: {  	[sflag:s30] =	ssyncset.done $0x0  }
0x3e: {  	s8 =	simm.s32 $0x13A00;
	[sflag:s30] =	ssyncadd.s32 $0xFFFFC180  }
0x3f: {  	[tilespmem:s23], [sflag:$0x2] =	stream.indirect.gather [hbm4b:s4+s20], $0x80, s8, s20, $0xb8;
	[tilespmem:$0x1DD80] =	vst v63  }
0x40: {  	_ =	swait.ge [sflag:s24], $0x3E80  }
0x41: {  	[sflag:s24] =	ssyncset.done $0x0  }
0x42: {  	s7 =	simm.s32 $0x14D80;
	[sflag:s24] =	ssyncadd.s32 $0xFFFFC180  }
0x43: {  	[spmem:s1] =	stream.indirect.scatter.add.f32 [tilespmem:s21], [sflag:$0x3], $0x80, s7, s20, $0xb8;
	[tilespmem:$0x1DD80] =	vst v63  }
0x44: {  	_ =	swait.ge [sflag:s25], $0x3E80  }
0x45: {  	[sflag:s25] =	ssyncset.done $0x0  }
0x46: {  	s8 =	simm.s32 $0x13A80;
	[sflag:s25] =	ssyncadd.s32 $0xFFFFC180  }
0x47: {  	[tilespmem:s21], [sflag:$0x1] =	stream.indirect.gather [hbm4b:s4+s20], $0x80, s8, s20, $0xb8;
	[tilespmem:$0x1DD80] =	vst v63  }
0x48: {  	_ =	swait.ge [sflag:s28], $0x3E80  }
0x49: {  	[sflag:s28] =	ssyncset.done $0x0  }
0x4a: {  	s6 =	simm.s32 $0xFFFFBC00;
	s7 =	simm.s32 $0x14E00;
	[sflag:s28] =	ssyncadd.s32 $0xFFFFC180  }
.LBB2_2:
0x4b: {  	[spmem:s1] =	stream.indirect.scatter.add.f32 [tilespmem:s23], [sflag:$0x4], $0x80, s7, s20, $0xb8;
	[tilespmem:$0x1DD80] =	vst v63  }
0x4c: {  	s7 =	smov.u32 s6  }
0x4d: {  	p1 =	sne.s32 s6, $0xFFFFFC00;
	s6 =	sadd.s32 $0x400, s6;
	_ =	swait.ge [sflag:s30], $0x3E80  }
0x4e: {  	s7 =	sshra.s32 s7, $0x2;
	[sflag:s30] =	ssyncset.done $0x0  }
0x4f: {  	s8 =	sadd.s32 $0x14C00, s7;
	[sflag:s30] =	ssyncadd.s32 $0xFFFFC180  }
0x50: {  	[tilespmem:s23], [sflag:$0x2] =	stream.indirect.gather [hbm4b:s4+s20], $0x80, s8, s20, $0xb8;
	[tilespmem:$0x1DD80] =	vst v63  }
0x51: {  	_ =	swait.ge [sflag:s24], $0x3E80  }
0x52: {  	[sflag:s24] =	ssyncset.done $0x0  }
0x53: {  	s8 =	sadd.s32 $0x15F80, s7;
	[sflag:s24] =	ssyncadd.s32 $0xFFFFC180  }
0x54: {  	[spmem:s1] =	stream.indirect.scatter.add.f32 [tilespmem:s21], [sflag:$0x3], $0x80, s8, s20, $0xb8;
	[tilespmem:$0x1DD80] =	vst v63  }
0x55: {  	_ =	swait.ge [sflag:s25], $0x3E80  }
0x56: {  	[sflag:s25] =	ssyncset.done $0x0  }
.Ltmp0:
0x57: {  	s8 =	sadd.s32 $0x14C80, s7;
	[sflag:s25] =	ssyncadd.s32 $0xFFFFC180;
	(pc) =	sbr.rel @p1 .LBB2_2-.Ltmp0, $4  }
0x58: {  	[tilespmem:s21], [sflag:$0x1] =	stream.indirect.gather [hbm4b:s4+s20], $0x80, s8, s20, $0xb8;
	[tilespmem:$0x1DD80] =	vst v63  }
0x59: {  	_ =	swait.ge [sflag:s28], $0x3E80  }
0x5a: {  	[sflag:s28] =	ssyncset.done $0x0  }
0x5b: {  	s7 =	sadd.s32 $0x16000, s7;
	[sflag:s28] =	ssyncadd.s32 $0xFFFFC180  }
0x5c: {  	[spmem:s1] =	stream.indirect.scatter.add.f32 [tilespmem:s23], [sflag:$0x4], $0x80, s7, s20, $0xb8;
	[tilespmem:$0x1DD80] =	vst v63  }
0x5d: {  	_ =	swait.ge [sflag:s30], $0x3E80  }
0x5e: {  	[sflag:s30] =	ssyncset.done $0x0  }
0x5f: {  	[sflag:s30] =	ssyncadd.s32 $0xFFFFC180  }
0x60: {  	[tilespmem:s23], [sflag:$0x2] =	stream.indirect.gather [hbm4b:s4+s20], $0x80, s31, s20, $0xb8;
	[tilespmem:$0x1DD80] =	vst v63  }
0x61: {  	_ =	swait.ge [sflag:s24], $0x3E80  }
0x62: {  	[sflag:s24] =	ssyncset.done $0x0  }
0x63: {  	[sflag:s24] =	ssyncadd.s32 $0xFFFFC180  }
0x64: {  	[spmem:s1] =	stream.indirect.scatter.add.f32 [tilespmem:s21], [sflag:$0x3], $0x80, s0, s20, $0xb8;
	[tilespmem:$0x1DD80] =	vst v63  }
0x65: {  	_ =	swait.ge [sflag:s28], $0x3E80  }
0x66: {  	[sflag:s28] =	ssyncset.done $0x0  }
0x67: {  	[sflag:s28] =	ssyncadd.s32 $0xFFFFC180  }
0x68: {  	[spmem:s1] =	stream.indirect.scatter.add.f32 [tilespmem:s23], [sflag:$0x4], $0x80, s2, s20, $0xb8;
	[tilespmem:$0x1DD80] =	vst v63  }
0x69: {  	_ =	swait.ge [sflag:s25], $0x3E80  }
0x6a: {  	[sflag:s25] =	ssyncset.done $0x0  }
0x6b: {  	[sflag:s25] =	ssyncadd.s32 $0xFFFFC180  }
0x6c: {  	_ =	swait.ge [sflag:s30], $0x3E80  }
0x6d: {  	[sflag:s30] =	ssyncset.done $0x0  }
0x6e: {  	[sflag:s30] =	ssyncadd.s32 $0xFFFFC180  }
0x6f: {  	[tilespmem:s17], [sflag:$0x5] =	stream.linear.gather [hbm4b:s9+s3], $0x1400, $0x38;
	[tilespmem:$0x1DD80] =	vst v63  }
0x70: {  	_ =	swait.ge [sflag:s18], $0x1400  }
0x71: {  	[sflag:s18] =	ssyncset.done $0x0  }
0x72: {  	[sflag:s18] =	ssyncadd.s32 $0xFFFFEC00  }
0x73: {  	[tilespmem:s19], [sflag:$0x5] =	stream.linear.gather [hbm4b:s10+s3], $0x1400, $0x38;
	[tilespmem:$0x1DD80] =	vst v63  }
0x74: {  	_ =	swait.ge [sflag:s18], $0x1400  }
0x75: {  	[sflag:s18] =	ssyncset.done $0x0  }
0x76: {  	[sflag:s18] =	ssyncadd.s32 $0xFFFFEC00  }
0x77: {  	[tilespmem:s21], [sflag:$0x1] =	stream.indirect.gather [hbm4b:s4+s20], $0x80, s17, s20, $0xb8;
	[tilespmem:$0x1DD80] =	vst v63  }
0x78: {  	_ = 	snop  }
0x79: {  	[tilespmem:s23], [sflag:$0x2] =	stream.indirect.gather [hbm4b:s4+s20], $0x80, s22, s20, $0xb8;
	[tilespmem:$0x1DD80] =	vst v63  }
0x7a: {  	_ =	swait.ge [sflag:s24], $0x3E80  }
0x7b: {  	[sflag:s24] =	ssyncset.done $0x0  }
0x7c: {  	[sflag:s24] =	ssyncadd.s32 $0xFFFFC180  }
0x7d: {  	[spmem:s1] =	stream.indirect.scatter.add.f32 [tilespmem:s21], [sflag:$0x3], $0x80, s19, s20, $0xb8;
	[tilespmem:$0x1DD80] =	vst v63  }
0x7e: {  	_ =	swait.ge [sflag:s25], $0x3E80  }
0x7f: {  	[sflag:s25] =	ssyncset.done $0x0  }
0x80: {  	[sflag:s25] =	ssyncadd.s32 $0xFFFFC180  }
0x81: {  	[tilespmem:s21], [sflag:$0x1] =	stream.indirect.gather [hbm4b:s4+s20], $0x80, s26, s20, $0xb8;
	[tilespmem:$0x1DD80] =	vst v63  }
0x82: {  	_ =	swait.ge [sflag:s28], $0x3E80  }
0x83: {  	[sflag:s28] =	ssyncset.done $0x0  }
0x84: {  	[sflag:s28] =	ssyncadd.s32 $0xFFFFC180  }
0x85: {  	[spmem:s1] =	stream.indirect.scatter.add.f32 [tilespmem:s23], [sflag:$0x4], $0x80, s29, s20, $0xb8;
	[tilespmem:$0x1DD80] =	vst v63  }
0x86: {  	_ =	swait.ge [sflag:s30], $0x3E80  }
0x87: {  	[sflag:s30] =	ssyncset.done $0x0  }
0x88: {  	s6 =	simm.s32 $0x13A00;
	[sflag:s30] =	ssyncadd.s32 $0xFFFFC180  }
0x89: {  	[tilespmem:s23], [sflag:$0x2] =	stream.indirect.gather [hbm4b:s4+s20], $0x80, s6, s20, $0xb8;
	[tilespmem:$0x1DD80] =	vst v63  }
0x8a: {  	_ =	swait.ge [sflag:s24], $0x3E80  }
0x8b: {  	[sflag:s24] =	ssyncset.done $0x0  }
0x8c: {  	s7 =	simm.s32 $0x14D80;
	[sflag:s24] =	ssyncadd.s32 $0xFFFFC180  }
0x8d: {  	[spmem:s1] =	stream.indirect.scatter.add.f32 [tilespmem:s21], [sflag:$0x3], $0x80, s7, s20, $0xb8;
	[tilespmem:$0x1DD80] =	vst v63  }
0x8e: {  	_ =	swait.ge [sflag:s25], $0x3E80  }
0x8f: {  	[sflag:s25] =	ssyncset.done $0x0  }
0x90: {  	s8 =	simm.s32 $0x13A80;
	[sflag:s25] =	ssyncadd.s32 $0xFFFFC180  }
0x91: {  	[tilespmem:s21], [sflag:$0x1] =	stream.indirect.gather [hbm4b:s4+s20], $0x80, s8, s20, $0xb8;
	[tilespmem:$0x1DD80] =	vst v63  }
0x92: {  	_ =	swait.ge [sflag:s28], $0x3E80  }
0x93: {  	[sflag:s28] =	ssyncset.done $0x0  }
0x94: {  	s6 =	simm.s32 $0xFFFFBC00;
	s7 =	simm.s32 $0x14E00;
	[sflag:s28] =	ssyncadd.s32 $0xFFFFC180  }
.LBB2_4:
0x95: {  	[spmem:s1] =	stream.indirect.scatter.add.f32 [tilespmem:s23], [sflag:$0x4], $0x80, s7, s20, $0xb8;
	[tilespmem:$0x1DD80] =	vst v63  }
0x96: {  	s7 =	smov.u32 s6  }
0x97: {  	p1 =	sne.s32 s6, $0xFFFFFC00;
	s6 =	sadd.s32 $0x400, s6;
	_ =	swait.ge [sflag:s30], $0x3E80  }
0x98: {  	s7 =	sshra.s32 s7, $0x2;
	[sflag:s30] =	ssyncset.done $0x0  }
0x99: {  	s8 =	sadd.s32 $0x14C00, s7;
	[sflag:s30] =	ssyncadd.s32 $0xFFFFC180  }
0x9a: {  	[tilespmem:s23], [sflag:$0x2] =	stream.indirect.gather [hbm4b:s4+s20], $0x80, s8, s20, $0xb8;
	[tilespmem:$0x1DD80] =	vst v63  }
0x9b: {  	_ =	swait.ge [sflag:s24], $0x3E80  }
0x9c: {  	[sflag:s24] =	ssyncset.done $0x0  }
0x9d: {  	s8 =	sadd.s32 $0x15F80, s7;
	[sflag:s24] =	ssyncadd.s32 $0xFFFFC180  }
0x9e: {  	[spmem:s1] =	stream.indirect.scatter.add.f32 [tilespmem:s21], [sflag:$0x3], $0x80, s8, s20, $0xb8;
	[tilespmem:$0x1DD80] =	vst v63  }
0x9f: {  	_ =	swait.ge [sflag:s25], $0x3E80  }
0xa0: {  	[sflag:s25] =	ssyncset.done $0x0  }
.Ltmp1:
0xa1: {  	s8 =	sadd.s32 $0x14C80, s7;
	[sflag:s25] =	ssyncadd.s32 $0xFFFFC180;
	(pc) =	sbr.rel @p1 .LBB2_4-.Ltmp1, $4  }
0xa2: {  	[tilespmem:s21], [sflag:$0x1] =	stream.indirect.gather [hbm4b:s4+s20], $0x80, s8, s20, $0xb8;
	[tilespmem:$0x1DD80] =	vst v63  }
0xa3: {  	_ =	swait.ge [sflag:s28], $0x3E80  }
0xa4: {  	[sflag:s28] =	ssyncset.done $0x0  }
0xa5: {  	s7 =	sadd.s32 $0x16000, s7;
	[sflag:s28] =	ssyncadd.s32 $0xFFFFC180  }
0xa6: {  	[spmem:s1] =	stream.indirect.scatter.add.f32 [tilespmem:s23], [sflag:$0x4], $0x80, s7, s20, $0xb8;
	[tilespmem:$0x1DD80] =	vst v63  }
0xa7: {  	_ =	swait.ge [sflag:s30], $0x3E80  }
0xa8: {  	[sflag:s30] =	ssyncset.done $0x0  }
0xa9: {  	[sflag:s30] =	ssyncadd.s32 $0xFFFFC180  }
0xaa: {  	[tilespmem:s23], [sflag:$0x2] =	stream.indirect.gather [hbm4b:s4+s20], $0x80, s31, s20, $0xb8;
	[tilespmem:$0x1DD80] =	vst v63  }
0xab: {  	_ =	swait.ge [sflag:s24], $0x3E80  }
0xac: {  	[sflag:s24] =	ssyncset.done $0x0  }
0xad: {  	[sflag:s24] =	ssyncadd.s32 $0xFFFFC180  }
0xae: {  	[spmem:s1] =	stream.indirect.scatter.add.f32 [tilespmem:s21], [sflag:$0x3], $0x80, s0, s20, $0xb8;
	[tilespmem:$0x1DD80] =	vst v63  }
0xaf: {  	_ =	swait.ge [sflag:s28], $0x3E80  }
0xb0: {  	[sflag:s28] =	ssyncset.done $0x0  }
0xb1: {  	[sflag:s28] =	ssyncadd.s32 $0xFFFFC180  }
0xb2: {  	[spmem:s1] =	stream.indirect.scatter.add.f32 [tilespmem:s23], [sflag:$0x4], $0x80, s2, s20, $0xb8;
	[tilespmem:$0x1DD80] =	vst v63  }
0xb3: {  	_ =	swait.ge [sflag:s25], $0x3E80  }
0xb4: {  	[sflag:s25] =	ssyncset.done $0x0  }
0xb5: {  	[sflag:s25] =	ssyncadd.s32 $0xFFFFC180  }
0xb6: {  	_ =	swait.ge [sflag:s30], $0x3E80  }
0xb7: {  	[sflag:s30] =	ssyncset.done $0x0  }
0xb8: {  	[sflag:s30] =	ssyncadd.s32 $0xFFFFC180  }
0xb9: {  	s6 =	simm.s32 @p0 $0x1FC5;
	[bflag:$0x0] =	sbarrier.arrive $0xFFFF  }
0xba: {  	[hbm:s12], [sflag:s6] =	dma.local @p0 [spmem:s14], $0x2800  }
0xbb: {  	s6 =	simm.s32 @p0 $0x5  }
0xbc: {  	s5 =	sadd.s32 $0x1, s5;
	_ =	swait.ge @p0 [sflag:s6], $0x2800  }
0xbd: {  	p1 =	sne.s32 s5, s13;
	[sflag:s6] =	ssyncset.done @p0 $0x0  }
.Ltmp2:
0xbe: {  	[sflag:s6] =	ssyncadd.s32 @p0 $0xFFFFD800;
	s6 =	simm.s32 @!p0 $0x5;
	(pc) =	sbr.rel @p1 .LBB2_1-.Ltmp2, $4  }
0xbf: {  	[hbm:s11], [sflag:s15] =	dma.local @!p0 [spmem:s16], $0x2700  }
0xc0: {  	_ =	swait.ge @!p0 [sflag:s6], $0x2700  }
0xc1: {  	[sflag:s6] =	ssyncset.done @!p0 $0x0  }
0xc2: {  	[sflag:s6] =	ssyncadd.s32 @!p0 $0xFFFFD900  }
0xc3: {  	_ =	sfence.sel $0x180000  }
0xc4: {  	[bflag:$0x0] =	sbarrier.arrive $0xFFFF  }
0xc5: {  	_ =	strace $0x9000004D  }
0xc6: {  	s0 =	stileid.u32;
	[bflag:$0x2] =	sbarrier.arrive $0xFFFF  }
0xc7: {  	p0 =	sne.s32 s0, $0x0;
	s0 =	rddreg [dreg:$0x2]  }
0xc8: {  	s0 =	sadd.s32 @!p0 $0x100000, s0  }
0xc9: {  	[sflag:s0] =	ssyncadd.tile.s32 @!p0 $0x1;
	_ =	shalt  }
.Lfunc_end2:
_tile_overlayer_lowered:
.L_overlay_start_2:
0xca: {  	(tag) =	ssettag $0x2  }
0xcb: {  	s0 =	rddreg [dreg:$0x0];
	s2 =	stileid.u32  }
0xcc: {  	s1 =	rddreg [dreg:$0x1];
	p0 =	sne.s32 s2, $0x0  }
0xcd: {  	s3 =	rddreg [dreg:$0x2];
	[bflag:$0x3] =	sbarrier.arrive $0xFFFF;
	s2 =	simm.s32 @!p0 $0x1C05  }
0xce: {  	[timem:s3], [sflag:s2] =	dma.local @!p0 [hbm:s0], s1  }
0xcf: {  	s0 =	simm.s32 @!p0 $0x5  }
0xd0: {  	_ =	swait.ge @!p0 [sflag:s0], s1  }
0xd1: {  	s1 =	ssub.s32 @!p0 $0x0, s1;
	[sflag:s0] =	ssyncset.done @!p0 $0x0  }
0xd2: {  	[sflag:s0] =	ssyncadd.s32 @!p0 s1  }
0xd3: {  	[bflag:$0x3] =	sbarrier.arrive $0xFFFF  }
0xd4: {  	_ =	shalt  }

// kernel: kernel.19.cloned.1.call-start
scs
__scs_entry_jumppad:
0x0: {  	(pc) =	sbr.rel $0x88, $3  }
0x1: {  	(tag) =	ssettag $0x0;
	lr =	simm.s32 $0x1  }
0x2: {  	[smem:$0x3F99] =	sst lr;
	_ =	strace $0xD0000000  }
0x3: {  	_ = 	snop  }
0x4: {  	_ = 	snop  }
0x5: {  	_ = 	snop  }
0x6: {  	_ = 	snop  }
0x7: {  	_ = 	snop  }
__scs_overlays_trampoline_lowered:
0x8: {  	[smem:$0x3FA8] =	sst s0  }
0x9: {  	[smem:$0x3FA9] =	sst s1  }
0xa: {  	[smem:$0x3FAA] =	sst s2  }
0xb: {  	[smem:$0x3FAB] =	sst s3  }
0xc: {  	[smem:$0x3FAC] =	sst s4  }
0xd: {  	[smem:$0x3FAD] =	sst s5  }
0xe: {  	[smem:$0x3FAE] =	sst s6  }
0xf: {  	[smem:$0x3FAF] =	sst s7  }
0x10: {  	[smem:$0x3FB0] =	sst s8  }
0x11: {  	[smem:$0x3FB1] =	sst s9;
	s0 =	simm.s32 @!p0 $0x0  }
0x12: {  	s1 =	sld [smem:$0x3F97];
	s0 =	simm.s32 @p0 $0x1  }
0x13: {  	[smem:$0x3FB2] =	sst s0;
	s0 =	simm.s32 @!p1 $0x0  }
0x14: {  	s2 =	sld [smem:$0x3F96];
	s0 =	simm.s32 @p1 $0x1  }
0x15: {  	[smem:$0x3FB3] =	sst s0;
	s0 =	simm.s32 @!p2 $0x0  }
0x16: {  	s3 =	sld [smem:$0x3FDB];
	s0 =	simm.s32 @p2 $0x1  }
0x17: {  	s4 =	simm.s32 $0x1BF5;
	[smem:$0x3FB5] =	sst s0  }
0x18: {  	s0 =	sld [smem:$0x3F98];
	_ =	swait.ge [sflag:s4], $0x0  }
0x19: {  	s7 =	sld [smem:$0x3F99]  }
0x1a: {  	s8 =	sadd.s32 $0xFFFFE003, lr  }
0x1b: {  	s9 =	sadd.s32 $0xFFFFFEF7, lr;
	s5 =	simm.s32 $0xFFFFFFFF;
	p2 =	slt.u32 s8, $0xFFFFF086  }
0x1c: {  	p1 =	slt.u32 s9, $0xF7A;
	s5 =	simm.s32 @!p2 $0x0  }
0x1d: {  	s5 =	simm.s32 @p1 $0x1;
	p0 =	seq.s32 s7, s2  }
0x1e: {  	s7 =	smul.u32 @!p0 $0xF7A, s2;
	p2 =	seq.s32 @!p0 s5, $0x0  }
0x1f: {  	s9 =	smul.u32 $0xF7A, s1;
	s8 =	simm.s32 @!p0 $0x1BF5;
	p2 =	por !p2, p0  }
0x20: {  	[sflag:s8] =	ssyncset.s32 @!p0 $0xFFFFF086;
	s6 =	sadd.s32 @!p0 s3, s7;
	s7 =	simm.s32 @!p0 $0x108  }
0x21: {  	s3 =	sadd.s32 s3, s9;
	s6 =	sadd.s32 @!p0 $0x88, s6;
	s7 =	simm.s32 @p2 $0x1082  }
0x22: {  	[simem:s7], [sflag:s8] =	dma.local @!p0 [hbm:s6], $0xF7A  }
0x23: {  	s9 =	sor.u32 $0xD0000000, s2;
	s6 =	simm.s32 $0x108;
	_ =	swait.ge @!p0 [sflag:s8], $0x0  }
0x24: {  	s3 =	sadd.s32 $0x88, s3;
	s6 =	simm.s32 @!p1 $0x1082;
	[sflag:s4] =	ssyncset.s32 $0xFFFFF086  }
0x25: {  	[simem:s6], [sflag:s4] =	dma.local [hbm:s3], $0xF7A  }
0x26: {  	[smem:$0x3F99] =	sst s1;
	(tag) =	ssettag s2;
	_ =	strace s9  }
0x27: {  	s1 =	sld [smem:$0x3FA9]  }
0x28: {  	s2 =	sld [smem:$0x3FAA]  }
0x29: {  	s4 =	sld [smem:$0x3FAC]  }
0x2a: {  	p0 =	seq.s32 s5, $0x0;
	s5 =	sld [smem:$0x3FAD]  }
0x2b: {  	s6 =	sld [smem:$0x3FAE]  }
0x2c: {  	s7 =	sld [smem:$0x3FAF]  }
0x2d: {  	s3 =	simm.s32 $0x108;
	s8 =	sld [smem:$0x3FB0]  }
0x2e: {  	s3 =	simm.s32 @!p0 $0x1082;
	s9 =	sld [smem:$0x3FB1]  }
0x2f: {  	lr =	sadd.s32 s0, s3;
	s0 =	sld [smem:$0x3FA8]  }
0x30: {  	s3 =	sld [smem:$0x3FAB]  }
0x31: {  	[smem:$0x3FB4] =	sst s10  }
0x32: {  	s10 =	sld [smem:$0x3FB2];
	_ =	sdelay $0x3  }
0x33: {  	p0 =	seq.s32 s10, $0x1;
	s10 =	sld [smem:$0x3FB4];
	_ =	sdelay $0x3  }
0x34: {  	[smem:$0x3FB4] =	sst s10  }
0x35: {  	s10 =	sld [smem:$0x3FB3];
	_ =	sdelay $0x3  }
0x36: {  	p1 =	seq.s32 s10, $0x1;
	s10 =	sld [smem:$0x3FB4];
	_ =	sdelay $0x3  }
0x37: {  	[smem:$0x3FB4] =	sst s10  }
0x38: {  	s10 =	sld [smem:$0x3FB5]  }
0x39: {  	_ = 	snop;
	(pc) =	sbr.ind lr, $3  }
0x3a: {  	_ = 	snop  }
0x3b: {  	_ = 	snop  }
0x3c: {  	p2 =	seq.s32 s10, $0x1;
	s10 =	sld [smem:$0x3FB4]  }
0x3d: {  	_ =	shalt  }
0x3e: {  	_ =	shalt  }
0x3f: {  	_ =	shalt  }
0x40: {  	_ =	shalt  }
0x41: {  	_ =	shalt  }
0x42: {  	_ =	shalt  }
0x43: {  	_ =	shalt  }
0x44: {  	_ =	shalt  }
0x45: {  	_ =	shalt  }
0x46: {  	_ =	shalt  }
0x47: {  	_ =	shalt  }
0x48: {  	_ =	shalt  }
0x49: {  	_ =	shalt  }
0x4a: {  	_ =	shalt  }
0x4b: {  	_ =	shalt  }
0x4c: {  	_ =	shalt  }
0x4d: {  	_ =	shalt  }
0x4e: {  	_ =	shalt  }
0x4f: {  	_ =	shalt  }
0x50: {  	_ =	shalt  }
0x51: {  	_ =	shalt  }
0x52: {  	_ =	shalt  }
0x53: {  	_ =	shalt  }
0x54: {  	_ =	shalt  }
0x55: {  	_ =	shalt  }
0x56: {  	_ =	shalt  }
0x57: {  	_ =	shalt  }
0x58: {  	_ =	shalt  }
0x59: {  	_ =	shalt  }
0x5a: {  	_ =	shalt  }
0x5b: {  	_ =	shalt  }
0x5c: {  	_ =	shalt  }
0x5d: {  	_ =	shalt  }
0x5e: {  	_ =	shalt  }
0x5f: {  	_ =	shalt  }
0x60: {  	_ =	shalt  }
0x61: {  	_ =	shalt  }
0x62: {  	_ =	shalt  }
0x63: {  	_ =	shalt  }
0x64: {  	_ =	shalt  }
0x65: {  	_ =	shalt  }
0x66: {  	_ =	shalt  }
0x67: {  	_ =	shalt  }
0x68: {  	_ =	shalt  }
0x69: {  	_ =	shalt  }
0x6a: {  	_ =	shalt  }
0x6b: {  	_ =	shalt  }
0x6c: {  	_ =	shalt  }
0x6d: {  	_ =	shalt  }
0x6e: {  	_ =	shalt  }
0x6f: {  	_ =	shalt  }
0x70: {  	_ =	shalt  }
0x71: {  	_ =	shalt  }
0x72: {  	_ =	shalt  }
0x73: {  	_ =	shalt  }
0x74: {  	_ =	shalt  }
0x75: {  	_ =	shalt  }
0x76: {  	_ =	shalt  }
0x77: {  	_ =	shalt  }
0x78: {  	_ =	shalt  }
0x79: {  	_ =	shalt  }
0x7a: {  	_ =	shalt  }
0x7b: {  	_ =	shalt  }
0x7c: {  	_ =	shalt  }
0x7d: {  	_ =	shalt  }
0x7e: {  	_ =	shalt  }
0x7f: {  	_ =	shalt  }
0x80: {  	_ =	shalt  }
0x81: {  	_ =	shalt  }
0x82: {  	_ =	shalt  }
0x83: {  	_ =	shalt  }
0x84: {  	_ =	shalt  }
0x85: {  	_ =	shalt  }
0x86: {  	_ =	shalt  }
0x87: {  	_ =	shalt  }
.Lfunc_end0:
.L_simem_size_0:
called_computation.3_lowered:
.L_overlay_start_0:
0x88: {  	s2 =	sld [smem:$0x3FD9]  }
0x89: {  	s3 =	sld [smem:$0x3FFE];
	_ =	sdelay $0x1  }
0x8a: {  	s1 =	srdreg.scid  }
0x8b: {  	s0 =	sand.u32 $0x1, s1  }
0x8c: {  	s17 =	sshll.u32 s0, $0xA;
	s2 =	sadd.s32 s3, s2  }
0x8d: {  	s2 =	sadd.s32 s2, s17  }
0x8e: {  	[smem:$0x3FC0] =	sst s2  }
0x8f: {  	_ = 	snop  }
0x90: {  	s2 =	sld [smem:$0x3FD0];
	(tm) =	ssettm $0x1  }
0x91: {  	s18 =	sld [smem:$0x3FFB];
	_ =	sdelay $0x3  }
0x92: {  	_ =	strace s18  }
0x93: {  	s3 =	sld [smem:$0x3FFC];
	_ =	sdelay $0x3  }
0x94: {  	_ =	strace s3  }
0x95: {  	s3 =	sld [smem:$0x3FFD];
	_ =	sdelay $0x3  }
0x96: {  	_ =	strace s3  }
0x97: {  	_ =	strace $0x8FFFFFFF  }
0x98: {  	s19 =	sld [smem:$0x3FDB];
	_ =	sdelay $0x1  }
0x99: {  	s4 =	simm.s32 $_scs_section_size  }
0x9a: {  	s5 =	simm.s32 $_size__tile_overlayer_lowered;
	s6 =	simm.s32 $_tile_overlayer_lowered  }
0x9b: {  	s22 =	simm.s32 $0x1BFF;
	s21 =	sshll.u32 s6, $0x1;
	s3 =	sadd.s32 s4, s19  }
0x9c: {  	s7 =	simm.s32 $0x0;
	s20 =	sshll.u32 s5, $0x1;
	s5 =	sadd.s32 s21, s3  }
0x9d: {  	[timem:s7], [sflag:s22] =	dma.local [hbm:s5], s20  }
0x9e: {  	_ =	swait.ge [sflag:s22], s20  }
0x9f: {  	s4 =	ssub.s32 $0x0, s20;
	[sflag:s22] =	ssyncset.done $0x0  }
0xa0: {  	[sflag:s22] =	ssyncadd.s32 s4;
	_ =	sdelay $0x1  }
0xa1: {  	s23 =	simm.s32 $0x1B8B  }
0xa2: {  	_ =	swait.ge [sflag:s23], $0x1  }
0xa3: {  	[sflag:s23] =	ssyncset.done $0x0  }
0xa4: {  	s25 =	simm.s32 $0x1B8E;
	s24 =	sld [smem:$0x3FFE];
	[sflag:s23] =	ssyncadd.s32 $0xFFFFFFFF  }
0xa5: {  	s26 =	simm.s32 $execute0_lowered;
	[smem:$0x3FD2] =	sst s25  }
0xa6: {  	s5 =	sshll.u32 s26, $0x1;
	_ =	strace $0x8000004F;
	[dreg:$0x1] =	wrdreg $0xFFFFFFFF  }
0xa7: {  	s28 =	simm.s32 $_size_execute0_lowered;
	s3 =	sadd.s32 s3, s5;
	[dreg:$0x0] =	wrdreg $0x0  }
0xa8: {  	s5 =	sshll.u32 s28, $0x1;
	[dreg:$0x2] =	wrdreg s3  }
0xa9: {  	[dreg:$0x3] =	wrdreg s5  }
0xaa: {  	[dreg:$0x4] =	wrdreg $0xC0  }
0xab: {  	_ =	task [dreg:s7], $0x5FFFF  }
0xac: {  	[dreg:$0x1] =	wrdreg $0xFFFFFFFF  }
0xad: {  	[dreg:$0x0] =	wrdreg $0x60  }
0xae: {  	[dreg:$0x2] =	wrdreg s2  }
0xaf: {  	[dreg:$0x3] =	wrdreg s24  }
0xb0: {  	[dreg:$0x4] =	wrdreg $0x0  }
0xb1: {  	[dreg:$0x5] =	wrdreg $0x9  }
0xb2: {  	_ =	task.clear_ibuf [dreg:s7], $0x6FFFF;
	_ =	strace $0x9000004F  }
0xb3: {  	s29 =	simm.s32 $0x9;
	_ =	strace $0x80000051  }
0xb4: {  	_ =	swait.ge [sflag:s29], $0x1  }
0xb5: {  	[sflag:s29] =	ssyncadd.s32 $0xFFFFFFFF  }
0xb6: {  	_ =	strace $0x90000051  }
0xb7: {  	_ =	sfence  }
0xb8: {  	s30 =	sld [smem:$0x0];
	_ =	sdelay $0x2  }
0xb9: {  	s31 =	sshll.u32 s1, $0xD;
	s1 =	sshrl.u32 s1, $0x2  }
0xba: {  	s3 =	sand.u32 $0x4000, s31;
	s1 =	sadd.s32 s1, s30  }
0xbb: {  	s0 =	sor.u32 s3, s0;
	s1 =	sshll.u32 s1, $0x11  }
0xbc: {  	s0 =	sor.u32 s1, s0  }
0xbd: {  	s0 =	sadd.s32 $0x8F2B, s0  }
0xbe: {  	[sflag:s0] =	ssyncadd.remote.s32 $0x1  }
0xbf: {  	_ =	sfence.sel $0xFFFF  }
0xc0: {  	[dreg:$0x0] =	wrdreg $0xFFFFFFFF;
	(pc) =	sbr.abs _section_cstart, $3  }
0xc1: {  	[dreg:$0x1] =	wrdreg $0xFFFFFFFF  }
0xc2: {  	_ =	task.clear_ibuf [dreg:s7], $0x2FFFF;
	_ =	strace $0x9FFFFFFF  }
0xc3: {  	(tm) =	ssettm $0x7FFFFFFF  }
tec
execute0_lowered:
.L_overlay_start_1:
0x0: {  	(tag) =	ssettag $0x1  }
0x1: {  	s1 =	rddreg [dreg:$0x0]  }
0x2: {  	s0 =	rddreg [dreg:$0x1]  }
0x3: {  	s3 =	rddreg [dreg:$0x2];
	s4 =	simm.s32 $0x0;
	s15 =	stileid.u32  }
0x4: {  	s2 =	srdreg.scid;
	s17 =	simm.s32 $0x9C40;
	s18 =	simm.s32 $0x5  }
0x5: {  	s19 =	simm.s32 $0xB040;
	s20 =	simm.s32 $0x7D;
	s21 =	simm.s32 $0xC440  }
0x6: {  	s22 =	simm.s32 $0x9CC0;
	s23 =	simm.s32 $0xE380;
	s28 =	simm.s32 $0x2  }
0x7: {  	s29 =	simm.s32 $0xB0C0;
	s30 =	simm.s32 $0x4;
	s31 =	simm.s32 $0xAFC0  }
0x8: {  	[smem:$0x7FF] =	sst s4;
	s5 =	smul.u32 $0x9C00, s15;
	s2 =	sand.u32 $0x1, s2  }
0x9: {  	s6 =	sadd.s32 $0x21600, s0;
	s7 =	sadd.s32 $0x17600, s0;
	s11 =	smul.u32 $0x2800, s15  }
0xa: {  	s12 =	sadd.s32 $0x2B600, s0;
	s14 =	sadd.s32 $0x92400, s3;
	p0 =	seq.s32 s15, $0xF  }
0xb: {  	_ =	strace $0x80000050;
	s8 =	smul.u32 $0x28000, s2;
	s10 =	ssub.s32 $0x2, s2  }
0xc: {  	s2 =	smul.u32 $0x9C400, s2;
	s14 =	sshrl.u32 @p0 s14, $0x3;
	s9 =	sshrl.u32 s5, $0x3  }
0xd: {  	s13 =	sshrl.u32 s10, $0x1;
	s16 =	sadd.s32 s5, s3;
	s9 =	sadd.s32 s9, s0  }
0xe: {  	s13 =	ssub.s32 s10, s13;
	s8 =	sadd.s32 s11, s8;
	s0 =	sadd.s32 $0x14C80, s0  }
0xf: {  	s26 =	sadd.s32 s5, s2;
	s2 =	sshrl.u32 s2, $0x3;
	s16 =	sshrl.u32 @!p0 s16, $0x3  }
0x10: {  	s5 =	simm.s32 $0x0;
	s9 =	sadd.s32 $0x2800, s9;
	s8 =	sshrl.u32 s8, $0x3  }
0x11: {  	[dreg:$0x5] =	wrdreg s0;
	s0 =	sshrl.u32 s26, $0x3;
	s2 =	sadd.s32 s12, s2  }
0x12: {  	s13 =	smax.u32 s13, $0x1;
	s26 =	simm.s32 $0x9D40;
	[dreg:$0x4] =	wrdreg s9  }
0x13: {  	s24 =	sadd.s32 $0x280, s8;
	s25 =	sadd.s32 s6, s8;
	s8 =	sadd.s32 s7, s8  }
0x14: {  	s11 =	sadd.s32 s12, s0;
	s12 =	sadd.s32 $0x12480, s2;
	[dreg:$0x6] =	wrdreg s25  }
0x15: {  	s0 =	sshll.u32 @!p0 s15, $0x6;
	s2 =	simm.s32 $0xC3C0;
	[dreg:$0x7] =	wrdreg s8  }
0x16: {  	s9 =	sadd.s32 s6, s24;
	s10 =	sadd.s32 s7, s24;
	s15 =	sor.u32 @!p0 $0x1C05, s0  }
0x17: {  	s24 =	simm.s32 $0x1;
	s25 =	simm.s32 $0x3;
	s0 =	simm.s32 $0xC340  }
.LBB2_1:
0x18: {  	s6 =	simm.s32 @p0 $0x1FC5;
	s7 =	rddreg [dreg:$0x5]  }
0x19: {  	[spmem:s14], [sflag:s6] =	dma.local @p0 [hbm:s7], $0x1400  }
0x1a: {  	s6 =	simm.s32 @p0 $0x5  }
0x1b: {  	_ =	swait.ge @p0 [sflag:s6], $0x1400  }
0x1c: {  	[sflag:s6] =	ssyncset.done @p0 $0x0  }
0x1d: {  	[sflag:s6] =	ssyncadd.s32 @p0 $0xFFFFEC00;
	s6 =	rddreg [dreg:$0x4]  }
0x1e: {  	[spmem:s16], [sflag:s15] =	dma.local @!p0 [hbm:s6], $0x1380  }
0x1f: {  	s6 =	simm.s32 @!p0 $0x5  }
0x20: {  	_ =	swait.ge @!p0 [sflag:s6], $0x1380  }
0x21: {  	[sflag:s6] =	ssyncset.done @!p0 $0x0  }
0x22: {  	[sflag:s6] =	ssyncadd.s32 @!p0 $0xFFFFEC80  }
0x23: {  	[bflag:$0x0] =	sbarrier.arrive $0xFFFF  }
0x24: {  	s8 =	rddreg [dreg:$0x6]  }
0x25: {  	[tilespmem:s17], [sflag:$0x5] =	stream.linear.gather [hbm4b:s8+s4], $0x1400, $0x38;
	[tilespmem:$0x102C0] =	vst v63  }
0x26: {  	_ =	swait.ge [sflag:s18], $0x1400  }
0x27: {  	[sflag:s18] =	ssyncset.done $0x0  }
0x28: {  	s7 =	rddreg [dreg:$0x7];
	[sflag:s18] =	ssyncadd.s32 $0xFFFFEC00  }
0x29: {  	[tilespmem:s19], [sflag:$0x5] =	stream.linear.gather [hbm4b:s7+s4], $0x1400, $0x38;
	[tilespmem:$0x102C0] =	vst v63  }
0x2a: {  	_ =	swait.ge [sflag:s18], $0x1400  }
0x2b: {  	[sflag:s18] =	ssyncset.done $0x0  }
0x2c: {  	[sflag:s18] =	ssyncadd.s32 $0xFFFFEC00  }
0x2d: {  	[tilespmem:s21], [sflag:$0x1] =	stream.indirect.gather [hbm4b:s1+s20], $0x40, s17, s20, $0xb8;
	[tilespmem:$0x102C0] =	vst v63  }
0x2e: {  	_ = 	snop  }
0x2f: {  	[tilespmem:s23], [sflag:$0x2] =	stream.indirect.gather [hbm4b:s1+s20], $0x40, s22, s20, $0xb8;
	[tilespmem:$0x102C0] =	vst v63  }
0x30: {  	_ =	swait.ge [sflag:s24], $0x1F40  }
0x31: {  	[sflag:s24] =	ssyncset.done $0x0  }
0x32: {  	[sflag:s24] =	ssyncadd.s32 $0xFFFFE0C0  }
0x33: {  	[spmem:s3] =	stream.indirect.scatter.add.f32 [tilespmem:s21], [sflag:$0x3], $0x40, s19, s20, $0xb8;
	[tilespmem:$0x102C0] =	vst v63  }
0x34: {  	_ =	swait.ge [sflag:s25], $0x1F40  }
0x35: {  	[sflag:s25] =	ssyncset.done $0x0  }
0x36: {  	[sflag:s25] =	ssyncadd.s32 $0xFFFFE0C0  }
0x37: {  	[tilespmem:s21], [sflag:$0x1] =	stream.indirect.gather [hbm4b:s1+s20], $0x40, s26, s20, $0xb8;
	[tilespmem:$0x102C0] =	vst v63  }
0x38: {  	_ =	swait.ge [sflag:s28], $0x1F40  }
0x39: {  	[sflag:s28] =	ssyncset.done $0x0  }
0x3a: {  	[sflag:s28] =	ssyncadd.s32 $0xFFFFE0C0  }
0x3b: {  	[spmem:s3] =	stream.indirect.scatter.add.f32 [tilespmem:s23], [sflag:$0x4], $0x40, s29, s20, $0xb8;
	[tilespmem:$0x102C0] =	vst v63  }
0x3c: {  	_ =	swait.ge [sflag:s30], $0x1F40  }
0x3d: {  	[sflag:s30] =	ssyncset.done $0x0  }
0x3e: {  	s8 =	simm.s32 $0x9DC0;
	[sflag:s30] =	ssyncadd.s32 $0xFFFFE0C0  }
0x3f: {  	[tilespmem:s23], [sflag:$0x2] =	stream.indirect.gather [hbm4b:s1+s20], $0x40, s8, s20, $0xb8;
	[tilespmem:$0x102C0] =	vst v63  }
0x40: {  	_ =	swait.ge [sflag:s24], $0x1F40  }
0x41: {  	[sflag:s24] =	ssyncset.done $0x0  }
0x42: {  	s7 =	simm.s32 $0xB140;
	[sflag:s24] =	ssyncadd.s32 $0xFFFFE0C0  }
0x43: {  	[spmem:s3] =	stream.indirect.scatter.add.f32 [tilespmem:s21], [sflag:$0x3], $0x40, s7, s20, $0xb8;
	[tilespmem:$0x102C0] =	vst v63  }
0x44: {  	_ =	swait.ge [sflag:s25], $0x1F40  }
0x45: {  	[sflag:s25] =	ssyncset.done $0x0  }
0x46: {  	s8 =	simm.s32 $0x9E40;
	[sflag:s25] =	ssyncadd.s32 $0xFFFFE0C0  }
0x47: {  	[tilespmem:s21], [sflag:$0x1] =	stream.indirect.gather [hbm4b:s1+s20], $0x40, s8, s20, $0xb8;
	[tilespmem:$0x102C0] =	vst v63  }
0x48: {  	_ =	swait.ge [sflag:s28], $0x1F40  }
0x49: {  	[sflag:s28] =	ssyncset.done $0x0  }
0x4a: {  	s6 =	simm.s32 $0xFFFFBC00;
	s7 =	simm.s32 $0xB1C0;
	[sflag:s28] =	ssyncadd.s32 $0xFFFFE0C0  }
.LBB2_2:
0x4b: {  	[spmem:s3] =	stream.indirect.scatter.add.f32 [tilespmem:s23], [sflag:$0x4], $0x40, s7, s20, $0xb8;
	[tilespmem:$0x102C0] =	vst v63  }
0x4c: {  	s7 =	smov.u32 s6  }
0x4d: {  	p1 =	sne.s32 s6, $0xFFFFFC00;
	s6 =	sadd.s32 $0x400, s6;
	_ =	swait.ge [sflag:s30], $0x1F40  }
0x4e: {  	s7 =	sshra.s32 s7, $0x2;
	[sflag:s30] =	ssyncset.done $0x0  }
0x4f: {  	s8 =	sadd.s32 $0xAFC0, s7;
	[sflag:s30] =	ssyncadd.s32 $0xFFFFE0C0  }
0x50: {  	[tilespmem:s23], [sflag:$0x2] =	stream.indirect.gather [hbm4b:s1+s20], $0x40, s8, s20, $0xb8;
	[tilespmem:$0x102C0] =	vst v63  }
0x51: {  	_ =	swait.ge [sflag:s24], $0x1F40  }
0x52: {  	[sflag:s24] =	ssyncset.done $0x0  }
0x53: {  	s8 =	sadd.s32 $0xC340, s7;
	[sflag:s24] =	ssyncadd.s32 $0xFFFFE0C0  }
0x54: {  	[spmem:s3] =	stream.indirect.scatter.add.f32 [tilespmem:s21], [sflag:$0x3], $0x40, s8, s20, $0xb8;
	[tilespmem:$0x102C0] =	vst v63  }
0x55: {  	_ =	swait.ge [sflag:s25], $0x1F40  }
0x56: {  	[sflag:s25] =	ssyncset.done $0x0  }
.Ltmp0:
0x57: {  	s8 =	sadd.s32 $0xB040, s7;
	[sflag:s25] =	ssyncadd.s32 $0xFFFFE0C0;
	(pc) =	sbr.rel @p1 .LBB2_2-.Ltmp0, $4  }
0x58: {  	[tilespmem:s21], [sflag:$0x1] =	stream.indirect.gather [hbm4b:s1+s20], $0x40, s8, s20, $0xb8;
	[tilespmem:$0x102C0] =	vst v63  }
0x59: {  	_ =	swait.ge [sflag:s28], $0x1F40  }
0x5a: {  	[sflag:s28] =	ssyncset.done $0x0  }
0x5b: {  	s7 =	sadd.s32 $0xC3C0, s7;
	[sflag:s28] =	ssyncadd.s32 $0xFFFFE0C0  }
0x5c: {  	[spmem:s3] =	stream.indirect.scatter.add.f32 [tilespmem:s23], [sflag:$0x4], $0x40, s7, s20, $0xb8;
	[tilespmem:$0x102C0] =	vst v63  }
0x5d: {  	_ =	swait.ge [sflag:s30], $0x1F40  }
0x5e: {  	[sflag:s30] =	ssyncset.done $0x0  }
0x5f: {  	[sflag:s30] =	ssyncadd.s32 $0xFFFFE0C0  }
0x60: {  	[tilespmem:s23], [sflag:$0x2] =	stream.indirect.gather [hbm4b:s1+s20], $0x40, s31, s20, $0xb8;
	[tilespmem:$0x102C0] =	vst v63  }
0x61: {  	_ =	swait.ge [sflag:s24], $0x1F40  }
0x62: {  	[sflag:s24] =	ssyncset.done $0x0  }
0x63: {  	[sflag:s24] =	ssyncadd.s32 $0xFFFFE0C0  }
0x64: {  	[spmem:s3] =	stream.indirect.scatter.add.f32 [tilespmem:s21], [sflag:$0x3], $0x40, s0, s20, $0xb8;
	[tilespmem:$0x102C0] =	vst v63  }
0x65: {  	_ =	swait.ge [sflag:s28], $0x1F40  }
0x66: {  	[sflag:s28] =	ssyncset.done $0x0  }
0x67: {  	[sflag:s28] =	ssyncadd.s32 $0xFFFFE0C0  }
0x68: {  	[spmem:s3] =	stream.indirect.scatter.add.f32 [tilespmem:s23], [sflag:$0x4], $0x40, s2, s20, $0xb8;
	[tilespmem:$0x102C0] =	vst v63  }
0x69: {  	_ =	swait.ge [sflag:s25], $0x1F40  }
0x6a: {  	[sflag:s25] =	ssyncset.done $0x0  }
0x6b: {  	[sflag:s25] =	ssyncadd.s32 $0xFFFFE0C0  }
0x6c: {  	_ =	swait.ge [sflag:s30], $0x1F40  }
0x6d: {  	[sflag:s30] =	ssyncset.done $0x0  }
0x6e: {  	[sflag:s30] =	ssyncadd.s32 $0xFFFFE0C0  }
0x6f: {  	[tilespmem:s17], [sflag:$0x5] =	stream.linear.gather [hbm4b:s9+s4], $0x1400, $0x38;
	[tilespmem:$0x102C0] =	vst v63  }
0x70: {  	_ =	swait.ge [sflag:s18], $0x1400  }
0x71: {  	[sflag:s18] =	ssyncset.done $0x0  }
0x72: {  	[sflag:s18] =	ssyncadd.s32 $0xFFFFEC00  }
0x73: {  	[tilespmem:s19], [sflag:$0x5] =	stream.linear.gather [hbm4b:s10+s4], $0x1400, $0x38;
	[tilespmem:$0x102C0] =	vst v63  }
0x74: {  	_ =	swait.ge [sflag:s18], $0x1400  }
0x75: {  	[sflag:s18] =	ssyncset.done $0x0  }
0x76: {  	[sflag:s18] =	ssyncadd.s32 $0xFFFFEC00  }
0x77: {  	[tilespmem:s21], [sflag:$0x1] =	stream.indirect.gather [hbm4b:s1+s20], $0x40, s17, s20, $0xb8;
	[tilespmem:$0x102C0] =	vst v63  }
0x78: {  	_ = 	snop  }
0x79: {  	[tilespmem:s23], [sflag:$0x2] =	stream.indirect.gather [hbm4b:s1+s20], $0x40, s22, s20, $0xb8;
	[tilespmem:$0x102C0] =	vst v63  }
0x7a: {  	_ =	swait.ge [sflag:s24], $0x1F40  }
0x7b: {  	[sflag:s24] =	ssyncset.done $0x0  }
0x7c: {  	[sflag:s24] =	ssyncadd.s32 $0xFFFFE0C0  }
0x7d: {  	[spmem:s3] =	stream.indirect.scatter.add.f32 [tilespmem:s21], [sflag:$0x3], $0x40, s19, s20, $0xb8;
	[tilespmem:$0x102C0] =	vst v63  }
0x7e: {  	_ =	swait.ge [sflag:s25], $0x1F40  }
0x7f: {  	[sflag:s25] =	ssyncset.done $0x0  }
0x80: {  	[sflag:s25] =	ssyncadd.s32 $0xFFFFE0C0  }
0x81: {  	[tilespmem:s21], [sflag:$0x1] =	stream.indirect.gather [hbm4b:s1+s20], $0x40, s26, s20, $0xb8;
	[tilespmem:$0x102C0] =	vst v63  }
0x82: {  	_ =	swait.ge [sflag:s28], $0x1F40  }
0x83: {  	[sflag:s28] =	ssyncset.done $0x0  }
0x84: {  	[sflag:s28] =	ssyncadd.s32 $0xFFFFE0C0  }
0x85: {  	[spmem:s3] =	stream.indirect.scatter.add.f32 [tilespmem:s23], [sflag:$0x4], $0x40, s29, s20, $0xb8;
	[tilespmem:$0x102C0] =	vst v63  }
0x86: {  	_ =	swait.ge [sflag:s30], $0x1F40  }
0x87: {  	[sflag:s30] =	ssyncset.done $0x0  }
0x88: {  	s6 =	simm.s32 $0x9DC0;
	[sflag:s30] =	ssyncadd.s32 $0xFFFFE0C0  }
0x89: {  	[tilespmem:s23], [sflag:$0x2] =	stream.indirect.gather [hbm4b:s1+s20], $0x40, s6, s20, $0xb8;
	[tilespmem:$0x102C0] =	vst v63  }
0x8a: {  	_ =	swait.ge [sflag:s24], $0x1F40  }
0x8b: {  	[sflag:s24] =	ssyncset.done $0x0  }
0x8c: {  	s7 =	simm.s32 $0xB140;
	[sflag:s24] =	ssyncadd.s32 $0xFFFFE0C0  }
0x8d: {  	[spmem:s3] =	stream.indirect.scatter.add.f32 [tilespmem:s21], [sflag:$0x3], $0x40, s7, s20, $0xb8;
	[tilespmem:$0x102C0] =	vst v63  }
0x8e: {  	_ =	swait.ge [sflag:s25], $0x1F40  }
0x8f: {  	[sflag:s25] =	ssyncset.done $0x0  }
0x90: {  	s8 =	simm.s32 $0x9E40;
	[sflag:s25] =	ssyncadd.s32 $0xFFFFE0C0  }
0x91: {  	[tilespmem:s21], [sflag:$0x1] =	stream.indirect.gather [hbm4b:s1+s20], $0x40, s8, s20, $0xb8;
	[tilespmem:$0x102C0] =	vst v63  }
0x92: {  	_ =	swait.ge [sflag:s28], $0x1F40  }
0x93: {  	[sflag:s28] =	ssyncset.done $0x0  }
0x94: {  	s6 =	simm.s32 $0xFFFFBC00;
	s7 =	simm.s32 $0xB1C0;
	[sflag:s28] =	ssyncadd.s32 $0xFFFFE0C0  }
.LBB2_4:
0x95: {  	[spmem:s3] =	stream.indirect.scatter.add.f32 [tilespmem:s23], [sflag:$0x4], $0x40, s7, s20, $0xb8;
	[tilespmem:$0x102C0] =	vst v63  }
0x96: {  	s7 =	smov.u32 s6  }
0x97: {  	p1 =	sne.s32 s6, $0xFFFFFC00;
	s6 =	sadd.s32 $0x400, s6;
	_ =	swait.ge [sflag:s30], $0x1F40  }
0x98: {  	s7 =	sshra.s32 s7, $0x2;
	[sflag:s30] =	ssyncset.done $0x0  }
0x99: {  	s8 =	sadd.s32 $0xAFC0, s7;
	[sflag:s30] =	ssyncadd.s32 $0xFFFFE0C0  }
0x9a: {  	[tilespmem:s23], [sflag:$0x2] =	stream.indirect.gather [hbm4b:s1+s20], $0x40, s8, s20, $0xb8;
	[tilespmem:$0x102C0] =	vst v63  }
0x9b: {  	_ =	swait.ge [sflag:s24], $0x1F40  }
0x9c: {  	[sflag:s24] =	ssyncset.done $0x0  }
0x9d: {  	s8 =	sadd.s32 $0xC340, s7;
	[sflag:s24] =	ssyncadd.s32 $0xFFFFE0C0  }
0x9e: {  	[spmem:s3] =	stream.indirect.scatter.add.f32 [tilespmem:s21], [sflag:$0x3], $0x40, s8, s20, $0xb8;
	[tilespmem:$0x102C0] =	vst v63  }
0x9f: {  	_ =	swait.ge [sflag:s25], $0x1F40  }
0xa0: {  	[sflag:s25] =	ssyncset.done $0x0  }
.Ltmp1:
0xa1: {  	s8 =	sadd.s32 $0xB040, s7;
	[sflag:s25] =	ssyncadd.s32 $0xFFFFE0C0;
	(pc) =	sbr.rel @p1 .LBB2_4-.Ltmp1, $4  }
0xa2: {  	[tilespmem:s21], [sflag:$0x1] =	stream.indirect.gather [hbm4b:s1+s20], $0x40, s8, s20, $0xb8;
	[tilespmem:$0x102C0] =	vst v63  }
0xa3: {  	_ =	swait.ge [sflag:s28], $0x1F40  }
0xa4: {  	[sflag:s28] =	ssyncset.done $0x0  }
0xa5: {  	s7 =	sadd.s32 $0xC3C0, s7;
	[sflag:s28] =	ssyncadd.s32 $0xFFFFE0C0  }
0xa6: {  	[spmem:s3] =	stream.indirect.scatter.add.f32 [tilespmem:s23], [sflag:$0x4], $0x40, s7, s20, $0xb8;
	[tilespmem:$0x102C0] =	vst v63  }
0xa7: {  	_ =	swait.ge [sflag:s30], $0x1F40  }
0xa8: {  	[sflag:s30] =	ssyncset.done $0x0  }
0xa9: {  	[sflag:s30] =	ssyncadd.s32 $0xFFFFE0C0  }
0xaa: {  	[tilespmem:s23], [sflag:$0x2] =	stream.indirect.gather [hbm4b:s1+s20], $0x40, s31, s20, $0xb8;
	[tilespmem:$0x102C0] =	vst v63  }
0xab: {  	_ =	swait.ge [sflag:s24], $0x1F40  }
0xac: {  	[sflag:s24] =	ssyncset.done $0x0  }
0xad: {  	[sflag:s24] =	ssyncadd.s32 $0xFFFFE0C0  }
0xae: {  	[spmem:s3] =	stream.indirect.scatter.add.f32 [tilespmem:s21], [sflag:$0x3], $0x40, s0, s20, $0xb8;
	[tilespmem:$0x102C0] =	vst v63  }
0xaf: {  	_ =	swait.ge [sflag:s28], $0x1F40  }
0xb0: {  	[sflag:s28] =	ssyncset.done $0x0  }
0xb1: {  	[sflag:s28] =	ssyncadd.s32 $0xFFFFE0C0  }
0xb2: {  	[spmem:s3] =	stream.indirect.scatter.add.f32 [tilespmem:s23], [sflag:$0x4], $0x40, s2, s20, $0xb8;
	[tilespmem:$0x102C0] =	vst v63  }
0xb3: {  	_ =	swait.ge [sflag:s25], $0x1F40  }
0xb4: {  	[sflag:s25] =	ssyncset.done $0x0  }
0xb5: {  	[sflag:s25] =	ssyncadd.s32 $0xFFFFE0C0  }
0xb6: {  	_ =	swait.ge [sflag:s30], $0x1F40  }
0xb7: {  	[sflag:s30] =	ssyncset.done $0x0  }
0xb8: {  	[sflag:s30] =	ssyncadd.s32 $0xFFFFE0C0  }
0xb9: {  	s6 =	simm.s32 @p0 $0x1FC5;
	[bflag:$0x0] =	sbarrier.arrive $0xFFFF  }
0xba: {  	[hbm:s12], [sflag:s6] =	dma.local @p0 [spmem:s14], $0x1400  }
0xbb: {  	s6 =	simm.s32 @p0 $0x5  }
0xbc: {  	s5 =	sadd.s32 $0x1, s5;
	_ =	swait.ge @p0 [sflag:s6], $0x1400  }
0xbd: {  	p1 =	sne.s32 s5, s13;
	[sflag:s6] =	ssyncset.done @p0 $0x0  }
.Ltmp2:
0xbe: {  	[sflag:s6] =	ssyncadd.s32 @p0 $0xFFFFEC00;
	s6 =	simm.s32 @!p0 $0x5;
	(pc) =	sbr.rel @p1 .LBB2_1-.Ltmp2, $4  }
0xbf: {  	[hbm:s11], [sflag:s15] =	dma.local @!p0 [spmem:s16], $0x1380  }
0xc0: {  	_ =	swait.ge @!p0 [sflag:s6], $0x1380  }
0xc1: {  	[sflag:s6] =	ssyncset.done @!p0 $0x0  }
0xc2: {  	[sflag:s6] =	ssyncadd.s32 @!p0 $0xFFFFEC80  }
0xc3: {  	_ =	sfence.sel $0x180000  }
0xc4: {  	[bflag:$0x0] =	sbarrier.arrive $0xFFFF  }
0xc5: {  	_ =	strace $0x90000050  }
0xc6: {  	s0 =	stileid.u32;
	[bflag:$0x2] =	sbarrier.arrive $0xFFFF  }
0xc7: {  	p0 =	sne.s32 s0, $0x0;
	s0 =	rddreg [dreg:$0x3]  }
0xc8: {  	s0 =	sadd.s32 @!p0 $0x100000, s0  }
0xc9: {  	[sflag:s0] =	ssyncadd.tile.s32 @!p0 $0x1;
	_ =	shalt  }
.Lfunc_end2:
_tile_overlayer_lowered:
.L_overlay_start_2:
0xca: {  	(tag) =	ssettag $0x2  }
0xcb: {  	s0 =	rddreg [dreg:$0x0];
	s2 =	stileid.u32  }
0xcc: {  	s1 =	rddreg [dreg:$0x1];
	p0 =	sne.s32 s2, $0x0  }
0xcd: {  	s3 =	rddreg [dreg:$0x2];
	[bflag:$0x3] =	sbarrier.arrive $0xFFFF;
	s2 =	simm.s32 @!p0 $0x1C05  }
0xce: {  	[timem:s3], [sflag:s2] =	dma.local @!p0 [hbm:s0], s1  }
0xcf: {  	s0 =	simm.s32 @!p0 $0x5  }
0xd0: {  	_ =	swait.ge @!p0 [sflag:s0], s1  }
0xd1: {  	s1 =	ssub.s32 @!p0 $0x0, s1;
	[sflag:s0] =	ssyncset.done @!p0 $0x0  }
0xd2: {  	[sflag:s0] =	ssyncadd.s32 @!p0 s1  }
0xd3: {  	[bflag:$0x3] =	sbarrier.arrive $0xFFFF  }
0xd4: {  	_ =	shalt  }

</sc_bundles>
